<compile_context>
chip_gen: v7x
topology: tpu7x:2x2x1
jax: 0.10.2.dev20260603
libtpu: 0.0.44.dev20260713+nightly
codegen_flags: <defaults>
</compile_context>

<pallas_src>
import functools

import jax
import jax.numpy as jnp
from jax import lax
from jax.experimental import pallas as pl
from jax.experimental.pallas import tpu as pltpu
from jax.experimental.pallas import tpu_sc as plsc

_NC = 2
_NS = 16
_K = 128



def _tile_rows(n):
    rpt8 = (n // (8 * _NS)) * 8
    rem = n - rpt8 * _NS
    return rpt8, rem


def _rowcopy(sid, n, src_at, dst_at):
    rpt8, rem = _tile_rows(n)
    r0 = sid * rpt8
    pltpu.sync_copy(src_at(r0, rpt8), dst_at(r0, rpt8))
    if rem:
        @pl.when(sid == 0)
        def _():
            pltpu.sync_copy(src_at(rpt8 * _NS, rem), dst_at(rpt8 * _NS, rem))


def _stage_indices(dst_hbm, base, nch, dsta, semi, extra=()):
    for s, d in extra:
        pltpu.async_copy(s, d, semi)

    def fire(g, c):
        pltpu.async_copy(dst_hbm.at[pl.ds(base + g * _K, _K)],
                         dsta.at[g], semi)
        return c

    lax.fori_loop(0, nch, fire, 0)

    def drain(g, c):
        pltpu.make_async_copy(dst_hbm.at[pl.ds(base + g * _K, _K)],
                              dsta.at[g], semi).wait()
        return c

    for s, d in extra:
        pltpu.make_async_copy(s, d, semi).wait()
    lax.fori_loop(0, nch, drain, 0)


def _mk_agg(n, h, e):
    nw = _NC * _NS
    epw = e // nw
    nch = epw // _K
    tail = epw - nch * _K
    assert nch % 2 == 0
    mesh = plsc.VectorSubcoreMesh(core_axis_name="c", subcore_axis_name="s")

    @functools.partial(
        pl.kernel,
        out_type=jax.ShapeDtypeStruct((_NC, n, h), jnp.float32),
        mesh=mesh,
        scratch_types=[
            pltpu.VMEM_SHARED((n, h), jnp.float32),
            pltpu.VMEM((nch, _K), jnp.int32),
            pltpu.VMEM((_K, h), jnp.float32),
            pltpu.VMEM((_K, h), jnp.float32),
            pltpu.VMEM((_K,), jnp.int32),
            pltpu.VMEM((_K,), jnp.int32),
            pltpu.VMEM((tail,), jnp.int32),
            pltpu.VMEM((tail,), jnp.int32),
            pltpu.VMEM((tail, h), jnp.float32),
            pltpu.SemaphoreType.DMA,
            pltpu.SemaphoreType.DMA,
            pltpu.SemaphoreType.DMA,
            pltpu.SemaphoreType.DMA,
            pltpu.SemaphoreType.DMA,
            pltpu.SemaphoreType.DMA,
        ],
    )
    def agg_kernel(hs_hbm, src_hbm, dst_hbm, zeros_hbm, out_hbm,
                   acc, dsta, bufa, bufb, sia, sib, src_t, dst_t, rows_t,
                   sema, semb, semia, semib, semsa, semsb):
        cid = lax.axis_index("c")
        sid = lax.axis_index("s")
        wid = cid * _NS + sid
        base = wid * epw

        rpt8, rem = _tile_rows(n)
        r0 = sid * rpt8

        def _init_fire(src_hbm_init):
            pltpu.async_copy(src_hbm_init.at[pl.ds(r0, rpt8)],
                             acc.at[pl.ds(r0, rpt8)], sema)
            if rem:
                @pl.when(sid == 0)
                def _():
                    pltpu.async_copy(src_hbm_init.at[pl.ds(rpt8 * _NS, rem)],
                                     acc.at[pl.ds(rpt8 * _NS, rem)], sema)

        @pl.when(cid == 0)
        def _():
            _init_fire(hs_hbm)

        @pl.when(cid != 0)
        def _():
            _init_fire(zeros_hbm)

        _stage_indices(dst_hbm, base, nch, dsta, semia)
        pltpu.make_async_copy(hs_hbm.at[pl.ds(r0, rpt8)],
                              acc.at[pl.ds(r0, rpt8)], sema).wait()
        if rem:
            @pl.when(sid == 0)
            def _():
                pltpu.make_async_copy(hs_hbm.at[pl.ds(rpt8 * _NS, rem)],
                                      acc.at[pl.ds(rpt8 * _NS, rem)],
                                      sema).wait()
        plsc.subcore_barrier()

        def stage_src(g, ibuf, sem):
            pltpu.async_copy(src_hbm.at[pl.ds(base + g * _K, _K)], ibuf, sem)

        def wait_src(g, ibuf, sem):
            pltpu.make_async_copy(src_hbm.at[pl.ds(base + g * _K, _K)],
                                  ibuf, sem).wait()

        def gather(buf, ibuf, sem):
            pltpu.async_copy(hs_hbm.at[ibuf], buf, sem)

        def wait_gather(buf, ibuf, sem):
            pltpu.make_async_copy(hs_hbm.at[ibuf], buf, sem).wait()

        def scat(g, buf, sem):
            pltpu.async_copy(buf, acc.at[dsta.at[g]], sem, add=True)

        def wait_scat(g, buf, sem):
            pltpu.make_async_copy(buf, acc.at[dsta.at[g]], sem).wait()

        stage_src(0, sia, semia)
        stage_src(1, sib, semib)
        wait_src(0, sia, semia)
        gather(bufa, sia, sema)

        def pipe(it, carry):
            g = 2 * it
            wait_gather(bufa, sia, sema)
            scat(g, bufa, semsa)

            @pl.when(it > 0)
            def _():
                wait_scat(g - 1, bufb, semsb)

            wait_src(g + 1, sib, semib)
            gather(bufb, sib, semb)

            @pl.when(g + 2 < nch)
            def _():
                stage_src(g + 2, sia, semia)

            wait_gather(bufb, sib, semb)
            scat(g + 1, bufb, semsb)
            wait_scat(g, bufa, semsa)

            @pl.when(g + 2 < nch)
            def _():
                wait_src(g + 2, sia, semia)
                gather(bufa, sia, sema)

            @pl.when(g + 3 < nch)
            def _():
                stage_src(g + 3, sib, semib)

            return carry

        lax.fori_loop(0, nch // 2, pipe, 0)
        wait_scat(nch - 1, bufb, semsb)
        if tail:
            e0 = base + nch * _K
            pltpu.sync_copy(src_hbm.at[pl.ds(e0, tail)], src_t)
            pltpu.sync_copy(dst_hbm.at[pl.ds(e0, tail)], dst_t)
            pltpu.async_copy(hs_hbm.at[src_t], rows_t, sema).wait()
            pltpu.sync_copy(rows_t, acc.at[dst_t], add=True)
        plsc.subcore_barrier()
        _rowcopy(sid, n,
                 lambda r, m: acc.at[pl.ds(r, m)],
                 lambda r, m: out_hbm.at[cid, pl.ds(r, m)])

    return agg_kernel


def _mk_deg(n, h, e):
    nw = _NC * _NS
    epw = e // nw
    nch = epw // _K
    tail = epw - nch * _K
    mesh = plsc.VectorSubcoreMesh(core_axis_name="c", subcore_axis_name="s")

    @functools.partial(
        pl.kernel,
        out_type=jax.ShapeDtypeStruct((_NC, n, h), jnp.float32),
        mesh=mesh,
        scratch_types=[
            pltpu.VMEM_SHARED((n, h), jnp.float32),
            pltpu.VMEM((nch, _K), jnp.int32),
            pltpu.VMEM((_K, h), jnp.float32),
            pltpu.VMEM((tail,), jnp.int32),
            pltpu.SemaphoreType.DMA,
            pltpu.SemaphoreType.DMA,
        ],
    )
    def deg_kernel(dst_hbm, ones_hbm, zeros_hbm, out_hbm,
                   acc, dsta, ones_v, dst_t, sems, semi):
        cid = lax.axis_index("c")
        sid = lax.axis_index("s")
        wid = cid * _NS + sid
        base = wid * epw

        _rowcopy(sid, n,
                 lambda r, m: zeros_hbm.at[pl.ds(r, m)],
                 lambda r, m: acc.at[pl.ds(r, m)])
        _stage_indices(dst_hbm, base, nch, dsta, semi,
                       extra=[(ones_hbm, ones_v)])
        plsc.subcore_barrier()

        def fire(g, c):
            pltpu.async_copy(ones_v, acc.at[dsta.at[g]], sems, add=True)
            return c

        lax.fori_loop(0, nch, fire, 0)

        def drain(g, c):
            pltpu.make_async_copy(ones_v, acc.at[dsta.at[g]], sems).wait()
            return c

        lax.fori_loop(0, nch, drain, 0)
        if tail:
            pltpu.sync_copy(dst_hbm.at[pl.ds(base + nch * _K, tail)], dst_t)
            pltpu.sync_copy(ones_v.at[pl.ds(0, tail)], acc.at[dst_t],
                            add=True)
        plsc.subcore_barrier()
        _rowcopy(sid, n,
                 lambda r, m: acc.at[pl.ds(r, m)],
                 lambda r, m: out_hbm.at[cid, pl.ds(r, m)])

    return deg_kernel



_BLK = 1000


def _mm(x, w):
    n, d_in = x.shape
    hdn = w.shape[1]

    def body(x_ref, w_ref, h_ref):
        h_ref[...] = jnp.dot(x_ref[...], w_ref[...],
                             preferred_element_type=jnp.float32)

    return pl.pallas_call(
        body,
        grid=(n // _BLK,),
        in_specs=[
            pl.BlockSpec((_BLK, d_in), lambda i: (i, 0)),
            pl.BlockSpec((d_in, hdn), lambda i: (0, 0)),
        ],
        out_specs=pl.BlockSpec((_BLK, hdn), lambda i: (i, 0)),
        out_shape=jax.ShapeDtypeStruct((n, hdn), jnp.float32),
    )(x, w)


def _pre(degs, h1):
    _, n, hdn = degs.shape

    def body(degs_ref, h_ref, dinv_ref, hs_ref):
        d = degs_ref[...]
        dinv = lax.rsqrt(d[0, :, 0:1] + d[1, :, 0:1] + 1.0)
        dinv_ref[...] = dinv
        hs_ref[...] = h_ref[...] * dinv

    return pl.pallas_call(
        body,
        grid=(n // _BLK,),
        in_specs=[
            pl.BlockSpec((_NC, _BLK, hdn), lambda i: (0, i, 0)),
            pl.BlockSpec((_BLK, hdn), lambda i: (i, 0)),
        ],
        out_specs=[
            pl.BlockSpec((_BLK, 1), lambda i: (i, 0)),
            pl.BlockSpec((_BLK, hdn), lambda i: (i, 0)),
        ],
        out_shape=[
            jax.ShapeDtypeStruct((n, 1), jnp.float32),
            jax.ShapeDtypeStruct((n, hdn), jnp.float32),
        ],
    )(degs, h1)


def _norm_block(accs, dinv, b, g, be):
    t = (accs[0] + accs[1]) * dinv + b
    t = jnp.maximum(t, 0.0)
    mu = jnp.mean(t, axis=-1, keepdims=True)
    tc = t - mu
    var = jnp.mean(tc * tc, axis=-1, keepdims=True)
    return tc * lax.rsqrt(var + 1e-5) * g + be


def _combine(accs, dinv, b, g, be, w):
    _, n, hdn = accs.shape
    hdn2 = w.shape[1]

    def body(accs_ref, dinv_ref, b_ref, g_ref, be_ref, w_ref, out_ref):
        dinv = dinv_ref[...]
        ln = _norm_block(accs_ref[...], dinv, b_ref[...], g_ref[...],
                         be_ref[...])
        out_ref[...] = jnp.dot(ln, w_ref[...],
                               preferred_element_type=jnp.float32) * dinv

    return pl.pallas_call(
        body,
        grid=(n // _BLK,),
        in_specs=[
            pl.BlockSpec((_NC, _BLK, hdn), lambda i: (0, i, 0)),
            pl.BlockSpec((_BLK, 1), lambda i: (i, 0)),
            pl.BlockSpec((1, hdn), lambda i: (0, 0)),
            pl.BlockSpec((1, hdn), lambda i: (0, 0)),
            pl.BlockSpec((1, hdn), lambda i: (0, 0)),
            pl.BlockSpec((hdn, hdn2), lambda i: (0, 0)),
        ],
        out_specs=pl.BlockSpec((_BLK, hdn2), lambda i: (i, 0)),
        out_shape=jax.ShapeDtypeStruct((n, hdn2), jnp.float32),
    )(accs, dinv, b, g, be, w)


def _final(accs, dinv, b, g, be, wc, bc):
    _, n, hdn = accs.shape
    od = wc.shape[1]

    def body(accs_ref, dinv_ref, b_ref, g_ref, be_ref, wc_ref, bc_ref,
             out_ref):
        ln = _norm_block(accs_ref[...], dinv_ref[...], b_ref[...], g_ref[...],
                         be_ref[...])
        out_ref[...] = jnp.dot(ln, wc_ref[...],
                               preferred_element_type=jnp.float32) + bc_ref[...]

    return pl.pallas_call(
        body,
        grid=(n // _BLK,),
        in_specs=[
            pl.BlockSpec((_NC, _BLK, hdn), lambda i: (0, i, 0)),
            pl.BlockSpec((_BLK, 1), lambda i: (i, 0)),
            pl.BlockSpec((1, hdn), lambda i: (0, 0)),
            pl.BlockSpec((1, hdn), lambda i: (0, 0)),
            pl.BlockSpec((1, hdn), lambda i: (0, 0)),
            pl.BlockSpec((hdn, od), lambda i: (0, 0)),
            pl.BlockSpec((1, od), lambda i: (0, 0)),
        ],
        out_specs=pl.BlockSpec((_BLK, od), lambda i: (i, 0)),
        out_shape=jax.ShapeDtypeStruct((n, od), jnp.float32),
    )(accs, dinv, b, g, be, wc, bc)



def kernel(x, edge_index, W1, b1, W2, b2, W3, b3, gamma, beta, Wc, bc):
    n, _ = x.shape
    e = edge_index.shape[1]
    hdn = W1.shape[1]
    src = edge_index[0]
    dst = edge_index[1]
    zeros2 = jnp.zeros((n, hdn), jnp.float32)
    onesk = jnp.ones((_K, hdn), jnp.float32)
    b1r, b2r, b3r = (v.reshape(1, -1) for v in (b1, b2, b3))
    gr, ber, bcr = gamma.reshape(1, -1), beta.reshape(1, -1), bc.reshape(1, -1)

    agg = _mk_agg(n, hdn, e)
    degs = _mk_deg(n, hdn, e)(dst, onesk, zeros2)
    h1 = _mm(x, W1)
    dinv, hs = _pre(degs, h1)
    accs = agg(hs, src, dst, zeros2)
    hs = _combine(accs, dinv, b1r, gr, ber, W2)
    accs = agg(hs, src, dst, zeros2)
    hs = _combine(accs, dinv, b2r, gr, ber, W3)
    accs = agg(hs, src, dst, zeros2)
    return _final(accs, dinv, b3r, gr, ber, Wc, bcr)

# --- scband reference (transcript-rebuilt; emitter-appended) ---
"""Pipeline reference for scband-reachability-gnn-13108240187815 (READ-ONLY COPY).

The authoritative reference and input builder live on the scoring server;
editing this copy changes nothing except your own understanding.
"""

import jax, jax.numpy as jnp
import numpy as np

N = 10000
E = 320000
D_IN = 128
HIDDEN = 128
OUT = 4


def layer_norm(h, gamma, beta, eps=1e-5):
    mu = jnp.mean(h, axis=-1, keepdims=True)
    var = jnp.mean((h - mu) ** 2, axis=-1, keepdims=True)
    return (h - mu) / jnp.sqrt(var + eps) * gamma + beta


def gcn_conv(x, edge_index, W, b):
    # PyG-style GCNConv: add self-loops, symmetric normalization, x@W, scatter-add, bias
    n = x.shape[0]
    loop = jnp.arange(n, dtype=edge_index.dtype)
    src = jnp.concatenate([edge_index[0], loop])
    dst = jnp.concatenate([edge_index[1], loop])
    ones = jnp.ones(dst.shape[0], dtype=x.dtype)
    deg = jnp.zeros((n,), dtype=x.dtype).at[dst].add(ones)
    dinv = jnp.where(deg > 0, 1.0 / jnp.sqrt(deg), 0.0)
    norm = dinv[src] * dinv[dst]
    h = x @ W
    msg = h[src] * norm[:, None]
    out = jnp.zeros((n, W.shape[1]), dtype=x.dtype).at[dst].add(msg)
    return out + b


def setup_inputs(seed: int = 0) -> dict:
    key = jax.random.key(seed)
    ks = jax.random.split(key, 12)
    x = jax.random.normal(ks[0], (N, D_IN), dtype=jnp.float32)
    edge_index = jax.random.randint(ks[1], (2, E), 0, N, dtype=jnp.int32)
    W1 = jax.random.normal(ks[2], (D_IN, HIDDEN), dtype=jnp.float32) * (1.0 / np.sqrt(D_IN))
    b1 = jnp.zeros((HIDDEN,), dtype=jnp.float32)
    W2 = jax.random.normal(ks[3], (HIDDEN, HIDDEN), dtype=jnp.float32) * (1.0 / np.sqrt(HIDDEN))
    b2 = jnp.zeros((HIDDEN,), dtype=jnp.float32)
    W3 = jax.random.normal(ks[4], (HIDDEN, HIDDEN), dtype=jnp.float32) * (1.0 / np.sqrt(HIDDEN))
    b3 = jnp.zeros((HIDDEN,), dtype=jnp.float32)
    gamma = jnp.ones((HIDDEN,), dtype=jnp.float32)
    beta = jnp.zeros((HIDDEN,), dtype=jnp.float32)
    Wc = jax.random.normal(ks[5], (HIDDEN, OUT), dtype=jnp.float32) * (1.0 / np.sqrt(HIDDEN))
    bc = jnp.zeros((OUT,), dtype=jnp.float32)
    return {"x": x, "edge_index": edge_index, "W1": W1, "b1": b1, "W2": W2, "b2": b2,
            "W3": W3, "b3": b3, "gamma": gamma, "beta": beta, "Wc": Wc, "bc": bc}


def reference(x, edge_index, W1, b1, W2, b2, W3, b3, gamma, beta, Wc, bc):
    # dropout is identity in eval mode; the single LayerNorm module is shared across layers
    h = jax.nn.relu(gcn_conv(x, edge_index, W1, b1))
    h = layer_norm(h, gamma, beta)
    h = jax.nn.relu(gcn_conv(h, edge_index, W2, b2))
    h = layer_norm(h, gamma, beta)
    h = jax.nn.relu(gcn_conv(h, edge_index, W3, b3))
    h = layer_norm(h, gamma, beta)
    return h @ Wc + bc

if __name__ == "__main__":
    import jax
    _d = setup_inputs()
    print(jax.jit(kernel)(*tuple(_d.values())))

</pallas_src>

<mosaic_0001>
#map = affine_map<(d0, d1) -> (0, 0)>
#map1 = affine_map<(d0, d1) -> (0)>
#map2 = affine_map<(d0, d1) -> (0, 0, 0)>
module attributes {stable_mosaic.version = 14 : i64} {
  func.func @agg_kernel(%arg0: i32, %arg1: i32, %arg2: memref<10000x128xf32, #tpu.memory_space<hbm>>, %arg3: memref<320000xi32, #tpu.memory_space<hbm>>, %arg4: memref<320000xi32, #tpu.memory_space<hbm>>, %arg5: memref<10000x128xf32, #tpu.memory_space<hbm>>, %arg6: memref<2x10000x128xf32, #tpu.memory_space<hbm>>, %arg7: memref<10000x128xf32, #tpu.memory_space<vmem_shared>>, %arg8: memref<78x128xi32, #tpu.memory_space<vmem>>, %arg9: memref<128x128xf32, #tpu.memory_space<vmem>>, %arg10: memref<128x128xf32, #tpu.memory_space<vmem>>, %arg11: memref<128xi32, #tpu.memory_space<vmem>>, %arg12: memref<128xi32, #tpu.memory_space<vmem>>, %arg13: memref<16xi32, #tpu.memory_space<vmem>>, %arg14: memref<16xi32, #tpu.memory_space<vmem>>, %arg15: memref<16x128xf32, #tpu.memory_space<vmem>>, %arg16: memref<!tpu.dma_semaphore, #tpu.memory_space<semaphore_mem>>, %arg17: memref<!tpu.dma_semaphore, #tpu.memory_space<semaphore_mem>>, %arg18: memref<!tpu.dma_semaphore, #tpu.memory_space<semaphore_mem>>, %arg19: memref<!tpu.dma_semaphore, #tpu.memory_space<semaphore_mem>>, %arg20: memref<!tpu.dma_semaphore, #tpu.memory_space<semaphore_mem>>, %arg21: memref<!tpu.dma_semaphore, #tpu.memory_space<semaphore_mem>>) attributes {dimension_semantics = [#tpu.dimension_semantics<core_parallel>, #tpu.dimension_semantics<subcore_parallel>], iteration_bounds = array<i64: 2, 16>, scalar_prefetch = 0 : i64, scratch_operands = 15 : i64, tpu.core_type = #tpu.core_type<sc_vector_subcore>, window_params = [{transform_indices = #map}, {transform_indices = #map1}, {transform_indices = #map1}, {transform_indices = #map}, {transform_indices = #map2}]} {
    %mul3A = arith.constant 16 : i32
    %mul3A_0 = arith.muli %arg0, %mul3A : i32
    %add3A = arith.addi %mul3A_0, %arg1 : i32
    %mul3A_1 = arith.constant 10000 : i32
    %mul3A_2 = arith.muli %add3A, %mul3A_1 : i32
    %mul3A_3 = arith.constant 624 : i32
    %mul3A_4 = arith.muli %arg1, %mul3A_3 : i32
    %eq3A = arith.constant 0 : i32
    %eq3A_5 = arith.cmpi eq, %arg0, %eq3A : i32
    %convert_element_type3A = arith.extui %eq3A_5 : i1 to i32
    %cond3A = arith.constant 0 : i32
    %cond3A_6 = arith.cmpi ne, %convert_element_type3A, %cond3A : i32
    scf.if %cond3A_6 {
      %dma_start3A_73 = arith.constant 0 : i32
      %dma_start3A_74 = tpu.memref_slice %arg7[%mul3A_4, %dma_start3A_73] : memref<10000x128xf32, #tpu.memory_space<vmem_shared>> -> memref<624x128xf32, #tpu.memory_space<vmem_shared>>
      %dma_start3A_75 = arith.constant 0 : i32
      %dma_start3A_76 = tpu.memref_slice %arg2[%mul3A_4, %dma_start3A_75] : memref<10000x128xf32, #tpu.memory_space<hbm>> -> memref<624x128xf32, #tpu.memory_space<hbm>>
      tpu.enqueue_dma source(%dma_start3A_76 : memref<624x128xf32, #tpu.memory_space<hbm>>) target(%dma_start3A_74 : memref<624x128xf32, #tpu.memory_space<vmem_shared>>) target_semaphore(%arg16 : memref<!tpu.dma_semaphore, #tpu.memory_space<semaphore_mem>>)
      %eq3A_77 = arith.constant 0 : i32
      %eq3A_78 = arith.cmpi eq, %arg1, %eq3A_77 : i32
      %convert_element_type3A_79 = arith.extui %eq3A_78 : i1 to i32
      %cond3A_80 = arith.constant 0 : i32
      %cond3A_81 = arith.cmpi ne, %convert_element_type3A_79, %cond3A_80 : i32
      scf.if %cond3A_81 {
        %dma_start3A_82 = arith.constant 9984 : i32
        %dma_start3A_83 = arith.constant 0 : i32
        %dma_start3A_84 = tpu.memref_slice %arg7[%dma_start3A_82, %dma_start3A_83] : memref<10000x128xf32, #tpu.memory_space<vmem_shared>> -> memref<16x128xf32, #tpu.memory_space<vmem_shared>>
        %dma_start3A_85 = arith.constant 9984 : i32
        %dma_start3A_86 = arith.constant 0 : i32
        %dma_start3A_87 = tpu.memref_slice %arg2[%dma_start3A_85, %dma_start3A_86] : memref<10000x128xf32, #tpu.memory_space<hbm>> -> memref<16x128xf32, #tpu.memory_space<hbm>>
        tpu.enqueue_dma source(%dma_start3A_87 : memref<16x128xf32, #tpu.memory_space<hbm>>) target(%dma_start3A_84 : memref<16x128xf32, #tpu.memory_space<vmem_shared>>) target_semaphore(%arg16 : memref<!tpu.dma_semaphore, #tpu.memory_space<semaphore_mem>>)
      } else {
      }
    } else {
    }
    %ne3A = arith.constant 0 : i32
    %ne3A_7 = arith.cmpi ne, %arg0, %ne3A : i32
    %convert_element_type3A_8 = arith.extui %ne3A_7 : i1 to i32
    %cond3A_9 = arith.constant 0 : i32
    %cond3A_10 = arith.cmpi ne, %convert_element_type3A_8, %cond3A_9 : i32
    scf.if %cond3A_10 {
      %dma_start3A_73 = arith.constant 0 : i32
      %dma_start3A_74 = tpu.memref_slice %arg7[%mul3A_4, %dma_start3A_73] : memref<10000x128xf32, #tpu.memory_space<vmem_shared>> -> memref<624x128xf32, #tpu.memory_space<vmem_shared>>
      %dma_start3A_75 = arith.constant 0 : i32
      %dma_start3A_76 = tpu.memref_slice %arg5[%mul3A_4, %dma_start3A_75] : memref<10000x128xf32, #tpu.memory_space<hbm>> -> memref<624x128xf32, #tpu.memory_space<hbm>>
      tpu.enqueue_dma source(%dma_start3A_76 : memref<624x128xf32, #tpu.memory_space<hbm>>) target(%dma_start3A_74 : memref<624x128xf32, #tpu.memory_space<vmem_shared>>) target_semaphore(%arg16 : memref<!tpu.dma_semaphore, #tpu.memory_space<semaphore_mem>>)
      %eq3A_77 = arith.constant 0 : i32
      %eq3A_78 = arith.cmpi eq, %arg1, %eq3A_77 : i32
      %convert_element_type3A_79 = arith.extui %eq3A_78 : i1 to i32
      %cond3A_80 = arith.constant 0 : i32
      %cond3A_81 = arith.cmpi ne, %convert_element_type3A_79, %cond3A_80 : i32
      scf.if %cond3A_81 {
        %dma_start3A_82 = arith.constant 9984 : i32
        %dma_start3A_83 = arith.constant 0 : i32
        %dma_start3A_84 = tpu.memref_slice %arg7[%dma_start3A_82, %dma_start3A_83] : memref<10000x128xf32, #tpu.memory_space<vmem_shared>> -> memref<16x128xf32, #tpu.memory_space<vmem_shared>>
        %dma_start3A_85 = arith.constant 9984 : i32
        %dma_start3A_86 = arith.constant 0 : i32
        %dma_start3A_87 = tpu.memref_slice %arg5[%dma_start3A_85, %dma_start3A_86] : memref<10000x128xf32, #tpu.memory_space<hbm>> -> memref<16x128xf32, #tpu.memory_space<hbm>>
        tpu.enqueue_dma source(%dma_start3A_87 : memref<16x128xf32, #tpu.memory_space<hbm>>) target(%dma_start3A_84 : memref<16x128xf32, #tpu.memory_space<vmem_shared>>) target_semaphore(%arg16 : memref<!tpu.dma_semaphore, #tpu.memory_space<semaphore_mem>>)
      } else {
      }
    } else {
    }
    %scan3A = arith.constant 0 : i32
    %scan3A_11 = arith.constant 0 : i32
    %scan3A_12 = arith.constant 78 : i32
    %scan3A_13 = arith.addi %scan3A_11, %scan3A_12 : i32
    %scan3A_14 = arith.constant 1 : i32
    scf.for %scan3A_73 = %scan3A_11 to %scan3A_13 step %scan3A_14  : i32 {
      %mul3A_74 = arith.constant 128 : i32
      %mul3A_75 = arith.muli %scan3A_73, %mul3A_74 : i32
      %add3A_76 = arith.addi %mul3A_2, %mul3A_75 : i32
      %dma_start3A_77 = arith.constant 0 : i32
      %dma_start3A_78 = tpu.memref_slice %arg8[%scan3A_73, %dma_start3A_77] : memref<78x128xi32, #tpu.memory_space<vmem>> -> memref<1x128xi32, #tpu.memory_space<vmem>>
      %dma_start3A_79 = tpu.memref_squeeze %dma_start3A_78 : memref<1x128xi32, #tpu.memory_space<vmem>> -> memref<128xi32, #tpu.memory_space<vmem>>
      %dma_start3A_80 = tpu.memref_slice %arg4[%add3A_76] : memref<320000xi32, #tpu.memory_space<hbm>> -> memref<128xi32, #tpu.memory_space<hbm>>
      %dma_start3A_81 = arith.constant 0 : i32
      %dma_start3A_82 = tpu.memref_slice %arg8[%scan3A_73, %dma_start3A_81] : memref<78x128xi32, #tpu.memory_space<vmem>> -> memref<1x128xi32, #tpu.memory_space<vmem>>
      %dma_start3A_83 = tpu.memref_squeeze %dma_start3A_82 : memref<1x128xi32, #tpu.memory_space<vmem>> -> memref<128xi32, #tpu.memory_space<vmem>>
      %dma_start3A_84 = tpu.memref_slice %arg4[%add3A_76] : memref<320000xi32, #tpu.memory_space<hbm>> -> memref<128xi32, #tpu.memory_space<hbm>>
      tpu.enqueue_dma source(%dma_start3A_84 : memref<128xi32, #tpu.memory_space<hbm>>) target(%dma_start3A_83 : memref<128xi32, #tpu.memory_space<vmem>>) target_semaphore(%arg18 : memref<!tpu.dma_semaphore, #tpu.memory_space<semaphore_mem>>)
    }
    %scan3A_15 = arith.constant 78 : i32
    %scan3A_16 = arith.constant 0 : i32
    %scan3A_17 = arith.constant 0 : i32
    %scan3A_18 = arith.constant 78 : i32
    %scan3A_19 = arith.addi %scan3A_17, %scan3A_18 : i32
    %scan3A_20 = arith.constant 1 : i32
    scf.for %scan3A_73 = %scan3A_17 to %scan3A_19 step %scan3A_20  : i32 {
      %mul3A_74 = arith.constant 128 : i32
      %mul3A_75 = arith.muli %scan3A_73, %mul3A_74 : i32
      %add3A_76 = arith.addi %mul3A_2, %mul3A_75 : i32
      %dma_wait3A_77 = arith.constant 0 : i32
      %dma_wait3A_78 = tpu.memref_slice %arg8[%scan3A_73, %dma_wait3A_77] : memref<78x128xi32, #tpu.memory_space<vmem>> -> memref<1x128xi32, #tpu.memory_space<vmem>>
      %dma_wait3A_79 = tpu.memref_squeeze %dma_wait3A_78 : memref<1x128xi32, #tpu.memory_space<vmem>> -> memref<128xi32, #tpu.memory_space<vmem>>
      %dma_wait3A_80 = tpu.memref_slice %arg4[%add3A_76] : memref<320000xi32, #tpu.memory_space<hbm>> -> memref<128xi32, #tpu.memory_space<hbm>>
      %dma_wait3A_81 = arith.constant 0 : i32
      %dma_wait3A_82 = tpu.memref_slice %arg8[%scan3A_73, %dma_wait3A_81] : memref<78x128xi32, #tpu.memory_space<vmem>> -> memref<1x128xi32, #tpu.memory_space<vmem>>
      %dma_wait3A_83 = tpu.memref_squeeze %dma_wait3A_82 : memref<1x128xi32, #tpu.memory_space<vmem>> -> memref<128xi32, #tpu.memory_space<vmem>>
      %dma_wait3A_84 = tpu.memref_slice %arg4[%add3A_76] : memref<320000xi32, #tpu.memory_space<hbm>> -> memref<128xi32, #tpu.memory_space<hbm>>
      tpu.wait_dma2 semaphore(%arg18 : memref<!tpu.dma_semaphore, #tpu.memory_space<semaphore_mem>>) src(%dma_wait3A_84 : memref<128xi32, #tpu.memory_space<hbm>>) dst(%dma_wait3A_83 : memref<128xi32, #tpu.memory_space<vmem>>)
    }
    %scan3A_21 = arith.constant 78 : i32
    %dma_wait3A = arith.constant 0 : i32
    %dma_wait3A_22 = tpu.memref_slice %arg7[%mul3A_4, %dma_wait3A] : memref<10000x128xf32, #tpu.memory_space<vmem_shared>> -> memref<624x128xf32, #tpu.memory_space<vmem_shared>>
    %dma_wait3A_23 = arith.constant 0 : i32
    %dma_wait3A_24 = tpu.memref_slice %arg2[%mul3A_4, %dma_wait3A_23] : memref<10000x128xf32, #tpu.memory_space<hbm>> -> memref<624x128xf32, #tpu.memory_space<hbm>>
    tpu.wait_dma2 semaphore(%arg16 : memref<!tpu.dma_semaphore, #tpu.memory_space<semaphore_mem>>) src(%dma_wait3A_24 : memref<624x128xf32, #tpu.memory_space<hbm>>) dst(%dma_wait3A_22 : memref<624x128xf32, #tpu.memory_space<vmem_shared>>)
    %eq3A_25 = arith.constant 0 : i32
    %eq3A_26 = arith.cmpi eq, %arg1, %eq3A_25 : i32
    %convert_element_type3A_27 = arith.extui %eq3A_26 : i1 to i32
    %cond3A_28 = arith.constant 0 : i32
    %cond3A_29 = arith.cmpi ne, %convert_element_type3A_27, %cond3A_28 : i32
    scf.if %cond3A_29 {
      %dma_wait3A_73 = arith.constant 9984 : i32
      %dma_wait3A_74 = arith.constant 0 : i32
      %dma_wait3A_75 = tpu.memref_slice %arg7[%dma_wait3A_73, %dma_wait3A_74] : memref<10000x128xf32, #tpu.memory_space<vmem_shared>> -> memref<16x128xf32, #tpu.memory_space<vmem_shared>>
      %dma_wait3A_76 = arith.constant 9984 : i32
      %dma_wait3A_77 = arith.constant 0 : i32
      %dma_wait3A_78 = tpu.memref_slice %arg2[%dma_wait3A_76, %dma_wait3A_77] : memref<10000x128xf32, #tpu.memory_space<hbm>> -> memref<16x128xf32, #tpu.memory_space<hbm>>
      tpu.wait_dma2 semaphore(%arg16 : memref<!tpu.dma_semaphore, #tpu.memory_space<semaphore_mem>>) src(%dma_wait3A_78 : memref<16x128xf32, #tpu.memory_space<hbm>>) dst(%dma_wait3A_75 : memref<16x128xf32, #tpu.memory_space<vmem_shared>>)
    } else {
    }
    %barrier3A = arith.constant 0 : index
    tpu.barrier barrier_id(%barrier3A)
    %add3A_30 = arith.constant 0 : i32
    %add3A_31 = arith.addi %mul3A_2, %add3A_30 : i32
    %dma_start3A = tpu.memref_slice %arg3[%add3A_31] : memref<320000xi32, #tpu.memory_space<hbm>> -> memref<128xi32, #tpu.memory_space<hbm>>
    %dma_start3A_32 = tpu.memref_slice %arg3[%add3A_31] : memref<320000xi32, #tpu.memory_space<hbm>> -> memref<128xi32, #tpu.memory_space<hbm>>
    tpu.enqueue_dma source(%dma_start3A_32 : memref<128xi32, #tpu.memory_space<hbm>>) target(%arg11 : memref<128xi32, #tpu.memory_space<vmem>>) target_semaphore(%arg18 : memref<!tpu.dma_semaphore, #tpu.memory_space<semaphore_mem>>)
    %add3A_33 = arith.constant 128 : i32
    %add3A_34 = arith.addi %mul3A_2, %add3A_33 : i32
    %dma_start3A_35 = tpu.memref_slice %arg3[%add3A_34] : memref<320000xi32, #tpu.memory_space<hbm>> -> memref<128xi32, #tpu.memory_space<hbm>>
    %dma_start3A_36 = tpu.memref_slice %arg3[%add3A_34] : memref<320000xi32, #tpu.memory_space<hbm>> -> memref<128xi32, #tpu.memory_space<hbm>>
    tpu.enqueue_dma source(%dma_start3A_36 : memref<128xi32, #tpu.memory_space<hbm>>) target(%arg12 : memref<128xi32, #tpu.memory_space<vmem>>) target_semaphore(%arg19 : memref<!tpu.dma_semaphore, #tpu.memory_space<semaphore_mem>>)
    %add3A_37 = arith.constant 0 : i32
    %add3A_38 = arith.addi %mul3A_2, %add3A_37 : i32
    %dma_wait3A_39 = tpu.memref_slice %arg3[%add3A_38] : memref<320000xi32, #tpu.memory_space<hbm>> -> memref<128xi32, #tpu.memory_space<hbm>>
    %dma_wait3A_40 = tpu.memref_slice %arg3[%add3A_38] : memref<320000xi32, #tpu.memory_space<hbm>> -> memref<128xi32, #tpu.memory_space<hbm>>
    tpu.wait_dma2 semaphore(%arg18 : memref<!tpu.dma_semaphore, #tpu.memory_space<semaphore_mem>>) src(%dma_wait3A_40 : memref<128xi32, #tpu.memory_space<hbm>>) dst(%arg11 : memref<128xi32, #tpu.memory_space<vmem>>)
    %dma_start3A_41 = arith.constant 0 : i32
    %dma_start3A_42 = arith.constant 0 : i32
    %dma_start3A_43 = tpu.memref_slice %arg2[%dma_start3A_41, %dma_start3A_42] : memref<10000x128xf32, #tpu.memory_space<hbm>> -> memref<10000x128xf32, #tpu.memory_space<hbm>>
    tpu.enqueue_indirect_dma source(%dma_start3A_43 : memref<10000x128xf32, #tpu.memory_space<hbm>>) target(%arg9 : memref<128x128xf32, #tpu.memory_space<vmem>>) offsets(%arg11 : memref<128xi32, #tpu.memory_space<vmem>>) semaphore(%arg16 : memref<!tpu.dma_semaphore, #tpu.memory_space<semaphore_mem>>)
    %scan3A_44 = arith.constant 0 : i32
    %scan3A_45 = arith.constant 0 : i32
    %scan3A_46 = arith.constant 39 : i32
    %scan3A_47 = arith.addi %scan3A_45, %scan3A_46 : i32
    %scan3A_48 = arith.constant 1 : i32
    scf.for %scan3A_73 = %scan3A_45 to %scan3A_47 step %scan3A_48  : i32 {
      %mul3A_74 = arith.constant 2 : i32
      %mul3A_75 = arith.muli %mul3A_74, %scan3A_73 : i32
      %dma_wait3A_76 = arith.constant 0 : i32
      %dma_wait3A_77 = arith.constant 0 : i32
      %dma_wait3A_78 = tpu.memref_slice %arg2[%dma_wait3A_76, %dma_wait3A_77] : memref<10000x128xf32, #tpu.memory_space<hbm>> -> memref<10000x128xf32, #tpu.memory_space<hbm>>
      tpu.wait_indirect_dma semaphore(%arg16 : memref<!tpu.dma_semaphore, #tpu.memory_space<semaphore_mem>>) src(%dma_wait3A_78 : memref<10000x128xf32, #tpu.memory_space<hbm>>) dst(%arg9 : memref<128x128xf32, #tpu.memory_space<vmem>>)
      %dma_start3A_79 = arith.constant 0 : i32
      %dma_start3A_80 = tpu.memref_slice %arg8[%mul3A_75, %dma_start3A_79] : memref<78x128xi32, #tpu.memory_space<vmem>> -> memref<1x128xi32, #tpu.memory_space<vmem>>
      %dma_start3A_81 = tpu.memref_squeeze %dma_start3A_80 : memref<1x128xi32, #tpu.memory_space<vmem>> -> memref<128xi32, #tpu.memory_space<vmem>>
      %dma_start3A_82 = arith.constant 0 : i32
      %dma_start3A_83 = arith.constant 0 : i32
      %dma_start3A_84 = tpu.memref_slice %arg7[%dma_start3A_82, %dma_start3A_83] : memref<10000x128xf32, #tpu.memory_space<vmem_shared>> -> memref<10000x128xf32, #tpu.memory_space<vmem_shared>>
      tpu.enqueue_indirect_dma source(%arg9 : memref<128x128xf32, #tpu.memory_space<vmem>>) target(%dma_start3A_84 : memref<10000x128xf32, #tpu.memory_space<vmem_shared>>) offsets(%dma_start3A_81 : memref<128xi32, #tpu.memory_space<vmem>>) semaphore(%arg20 : memref<!tpu.dma_semaphore, #tpu.memory_space<semaphore_mem>>) {add = true}
      %gt3A = arith.constant 0 : i32
      %gt3A_85 = arith.cmpi sgt, %scan3A_73, %gt3A : i32
      %convert_element_type3A_86 = arith.extui %gt3A_85 : i1 to i32
      %cond3A_87 = arith.constant 0 : i32
      %cond3A_88 = arith.cmpi ne, %convert_element_type3A_86, %cond3A_87 : i32
      scf.if %cond3A_88 {
        %sub3A = arith.constant 1 : i32
        %sub3A_136 = arith.subi %mul3A_75, %sub3A : i32
        %dma_wait3A_137 = arith.constant 0 : i32
        %dma_wait3A_138 = tpu.memref_slice %arg8[%sub3A_136, %dma_wait3A_137] : memref<78x128xi32, #tpu.memory_space<vmem>> -> memref<1x128xi32, #tpu.memory_space<vmem>>
        %dma_wait3A_139 = tpu.memref_squeeze %dma_wait3A_138 : memref<1x128xi32, #tpu.memory_space<vmem>> -> memref<128xi32, #tpu.memory_space<vmem>>
        %dma_wait3A_140 = arith.constant 0 : i32
        %dma_wait3A_141 = arith.constant 0 : i32
        %dma_wait3A_142 = tpu.memref_slice %arg7[%dma_wait3A_140, %dma_wait3A_141] : memref<10000x128xf32, #tpu.memory_space<vmem_shared>> -> memref<10000x128xf32, #tpu.memory_space<vmem_shared>>
        tpu.wait_indirect_dma semaphore(%arg21 : memref<!tpu.dma_semaphore, #tpu.memory_space<semaphore_mem>>) src(%arg10 : memref<128x128xf32, #tpu.memory_space<vmem>>) dst(%dma_wait3A_142 : memref<10000x128xf32, #tpu.memory_space<vmem_shared>>)
      } else {
      }
      %add3A_89 = arith.constant 1 : i32
      %add3A_90 = arith.addi %mul3A_75, %add3A_89 : i32
      %mul3A_91 = arith.constant 128 : i32
      %mul3A_92 = arith.muli %add3A_90, %mul3A_91 : i32
      %add3A_93 = arith.addi %mul3A_2, %mul3A_92 : i32
      %dma_wait3A_94 = tpu.memref_slice %arg3[%add3A_93] : memref<320000xi32, #tpu.memory_space<hbm>> -> memref<128xi32, #tpu.memory_space<hbm>>
      %dma_wait3A_95 = tpu.memref_slice %arg3[%add3A_93] : memref<320000xi32, #tpu.memory_space<hbm>> -> memref<128xi32, #tpu.memory_space<hbm>>
      tpu.wait_dma2 semaphore(%arg19 : memref<!tpu.dma_semaphore, #tpu.memory_space<semaphore_mem>>) src(%dma_wait3A_95 : memref<128xi32, #tpu.memory_space<hbm>>) dst(%arg12 : memref<128xi32, #tpu.memory_space<vmem>>)
      %dma_start3A_96 = arith.constant 0 : i32
      %dma_start3A_97 = arith.constant 0 : i32
      %dma_start3A_98 = tpu.memref_slice %arg2[%dma_start3A_96, %dma_start3A_97] : memref<10000x128xf32, #tpu.memory_space<hbm>> -> memref<10000x128xf32, #tpu.memory_space<hbm>>
      tpu.enqueue_indirect_dma source(%dma_start3A_98 : memref<10000x128xf32, #tpu.memory_space<hbm>>) target(%arg10 : memref<128x128xf32, #tpu.memory_space<vmem>>) offsets(%arg12 : memref<128xi32, #tpu.memory_space<vmem>>) semaphore(%arg17 : memref<!tpu.dma_semaphore, #tpu.memory_space<semaphore_mem>>)
      %add3A_99 = arith.constant 2 : i32
      %add3A_100 = arith.addi %mul3A_75, %add3A_99 : i32
      %lt3A = arith.constant 78 : i32
      %lt3A_101 = arith.cmpi slt, %add3A_100, %lt3A : i32
      %convert_element_type3A_102 = arith.extui %lt3A_101 : i1 to i32
      %cond3A_103 = arith.constant 0 : i32
      %cond3A_104 = arith.cmpi ne, %convert_element_type3A_102, %cond3A_103 : i32
      scf.if %cond3A_104 {
        %add3A_136 = arith.constant 2 : i32
        %add3A_137 = arith.addi %mul3A_75, %add3A_136 : i32
        %mul3A_138 = arith.constant 128 : i32
        %mul3A_139 = arith.muli %add3A_137, %mul3A_138 : i32
        %add3A_140 = arith.addi %mul3A_2, %mul3A_139 : i32
        %dma_start3A_141 = tpu.memref_slice %arg3[%add3A_140] : memref<320000xi32, #tpu.memory_space<hbm>> -> memref<128xi32, #tpu.memory_space<hbm>>
        %dma_start3A_142 = tpu.memref_slice %arg3[%add3A_140] : memref<320000xi32, #tpu.memory_space<hbm>> -> memref<128xi32, #tpu.memory_space<hbm>>
        tpu.enqueue_dma source(%dma_start3A_142 : memref<128xi32, #tpu.memory_space<hbm>>) target(%arg11 : memref<128xi32, #tpu.memory_space<vmem>>) target_semaphore(%arg18 : memref<!tpu.dma_semaphore, #tpu.memory_space<semaphore_mem>>)
      } else {
      }
      %dma_wait3A_105 = arith.constant 0 : i32
      %dma_wait3A_106 = arith.constant 0 : i32
      %dma_wait3A_107 = tpu.memref_slice %arg2[%dma_wait3A_105, %dma_wait3A_106] : memref<10000x128xf32, #tpu.memory_space<hbm>> -> memref<10000x128xf32, #tpu.memory_space<hbm>>
      tpu.wait_indirect_dma semaphore(%arg17 : memref<!tpu.dma_semaphore, #tpu.memory_space<semaphore_mem>>) src(%dma_wait3A_107 : memref<10000x128xf32, #tpu.memory_space<hbm>>) dst(%arg10 : memref<128x128xf32, #tpu.memory_space<vmem>>)
      %add3A_108 = arith.constant 1 : i32
      %add3A_109 = arith.addi %mul3A_75, %add3A_108 : i32
      %dma_start3A_110 = arith.constant 0 : i32
      %dma_start3A_111 = tpu.memref_slice %arg8[%add3A_109, %dma_start3A_110] : memref<78x128xi32, #tpu.memory_space<vmem>> -> memref<1x128xi32, #tpu.memory_space<vmem>>
      %dma_start3A_112 = tpu.memref_squeeze %dma_start3A_111 : memref<1x128xi32, #tpu.memory_space<vmem>> -> memref<128xi32, #tpu.memory_space<vmem>>
      %dma_start3A_113 = arith.constant 0 : i32
      %dma_start3A_114 = arith.constant 0 : i32
      %dma_start3A_115 = tpu.memref_slice %arg7[%dma_start3A_113, %dma_start3A_114] : memref<10000x128xf32, #tpu.memory_space<vmem_shared>> -> memref<10000x128xf32, #tpu.memory_space<vmem_shared>>
      tpu.enqueue_indirect_dma source(%arg10 : memref<128x128xf32, #tpu.memory_space<vmem>>) target(%dma_start3A_115 : memref<10000x128xf32, #tpu.memory_space<vmem_shared>>) offsets(%dma_start3A_112 : memref<128xi32, #tpu.memory_space<vmem>>) semaphore(%arg21 : memref<!tpu.dma_semaphore, #tpu.memory_space<semaphore_mem>>) {add = true}
      %dma_wait3A_116 = arith.constant 0 : i32
      %dma_wait3A_117 = tpu.memref_slice %arg8[%mul3A_75, %dma_wait3A_116] : memref<78x128xi32, #tpu.memory_space<vmem>> -> memref<1x128xi32, #tpu.memory_space<vmem>>
      %dma_wait3A_118 = tpu.memref_squeeze %dma_wait3A_117 : memref<1x128xi32, #tpu.memory_space<vmem>> -> memref<128xi32, #tpu.memory_space<vmem>>
      %dma_wait3A_119 = arith.constant 0 : i32
      %dma_wait3A_120 = arith.constant 0 : i32
      %dma_wait3A_121 = tpu.memref_slice %arg7[%dma_wait3A_119, %dma_wait3A_120] : memref<10000x128xf32, #tpu.memory_space<vmem_shared>> -> memref<10000x128xf32, #tpu.memory_space<vmem_shared>>
      tpu.wait_indirect_dma semaphore(%arg20 : memref<!tpu.dma_semaphore, #tpu.memory_space<semaphore_mem>>) src(%arg9 : memref<128x128xf32, #tpu.memory_space<vmem>>) dst(%dma_wait3A_121 : memref<10000x128xf32, #tpu.memory_space<vmem_shared>>)
      %add3A_122 = arith.constant 2 : i32
      %add3A_123 = arith.addi %mul3A_75, %add3A_122 : i32
      %lt3A_124 = arith.constant 78 : i32
      %lt3A_125 = arith.cmpi slt, %add3A_123, %lt3A_124 : i32
      %convert_element_type3A_126 = arith.extui %lt3A_125 : i1 to i32
      %cond3A_127 = arith.constant 0 : i32
      %cond3A_128 = arith.cmpi ne, %convert_element_type3A_126, %cond3A_127 : i32
      scf.if %cond3A_128 {
        %add3A_136 = arith.constant 2 : i32
        %add3A_137 = arith.addi %mul3A_75, %add3A_136 : i32
        %mul3A_138 = arith.constant 128 : i32
        %mul3A_139 = arith.muli %add3A_137, %mul3A_138 : i32
        %add3A_140 = arith.addi %mul3A_2, %mul3A_139 : i32
        %dma_wait3A_141 = tpu.memref_slice %arg3[%add3A_140] : memref<320000xi32, #tpu.memory_space<hbm>> -> memref<128xi32, #tpu.memory_space<hbm>>
        %dma_wait3A_142 = tpu.memref_slice %arg3[%add3A_140] : memref<320000xi32, #tpu.memory_space<hbm>> -> memref<128xi32, #tpu.memory_space<hbm>>
        tpu.wait_dma2 semaphore(%arg18 : memref<!tpu.dma_semaphore, #tpu.memory_space<semaphore_mem>>) src(%dma_wait3A_142 : memref<128xi32, #tpu.memory_space<hbm>>) dst(%arg11 : memref<128xi32, #tpu.memory_space<vmem>>)
        %dma_start3A_143 = arith.constant 0 : i32
        %dma_start3A_144 = arith.constant 0 : i32
        %dma_start3A_145 = tpu.memref_slice %arg2[%dma_start3A_143, %dma_start3A_144] : memref<10000x128xf32, #tpu.memory_space<hbm>> -> memref<10000x128xf32, #tpu.memory_space<hbm>>
        tpu.enqueue_indirect_dma source(%dma_start3A_145 : memref<10000x128xf32, #tpu.memory_space<hbm>>) target(%arg9 : memref<128x128xf32, #tpu.memory_space<vmem>>) offsets(%arg11 : memref<128xi32, #tpu.memory_space<vmem>>) semaphore(%arg16 : memref<!tpu.dma_semaphore, #tpu.memory_space<semaphore_mem>>)
      } else {
      }
      %add3A_129 = arith.constant 3 : i32
      %add3A_130 = arith.addi %mul3A_75, %add3A_129 : i32
      %lt3A_131 = arith.constant 78 : i32
      %lt3A_132 = arith.cmpi slt, %add3A_130, %lt3A_131 : i32
      %convert_element_type3A_133 = arith.extui %lt3A_132 : i1 to i32
      %cond3A_134 = arith.constant 0 : i32
      %cond3A_135 = arith.cmpi ne, %convert_element_type3A_133, %cond3A_134 : i32
      scf.if %cond3A_135 {
        %add3A_136 = arith.constant 3 : i32
        %add3A_137 = arith.addi %mul3A_75, %add3A_136 : i32
        %mul3A_138 = arith.constant 128 : i32
        %mul3A_139 = arith.muli %add3A_137, %mul3A_138 : i32
        %add3A_140 = arith.addi %mul3A_2, %mul3A_139 : i32
        %dma_start3A_141 = tpu.memref_slice %arg3[%add3A_140] : memref<320000xi32, #tpu.memory_space<hbm>> -> memref<128xi32, #tpu.memory_space<hbm>>
        %dma_start3A_142 = tpu.memref_slice %arg3[%add3A_140] : memref<320000xi32, #tpu.memory_space<hbm>> -> memref<128xi32, #tpu.memory_space<hbm>>
        tpu.enqueue_dma source(%dma_start3A_142 : memref<128xi32, #tpu.memory_space<hbm>>) target(%arg12 : memref<128xi32, #tpu.memory_space<vmem>>) target_semaphore(%arg19 : memref<!tpu.dma_semaphore, #tpu.memory_space<semaphore_mem>>)
      } else {
      }
    }
    %scan3A_49 = arith.constant 39 : i32
    %dma_wait3A_50 = arith.constant 77 : i32
    %dma_wait3A_51 = arith.constant 0 : i32
    %dma_wait3A_52 = tpu.memref_slice %arg8[%dma_wait3A_50, %dma_wait3A_51] : memref<78x128xi32, #tpu.memory_space<vmem>> -> memref<1x128xi32, #tpu.memory_space<vmem>>
    %dma_wait3A_53 = tpu.memref_squeeze %dma_wait3A_52 : memref<1x128xi32, #tpu.memory_space<vmem>> -> memref<128xi32, #tpu.memory_space<vmem>>
    %dma_wait3A_54 = arith.constant 0 : i32
    %dma_wait3A_55 = arith.constant 0 : i32
    %dma_wait3A_56 = tpu.memref_slice %arg7[%dma_wait3A_54, %dma_wait3A_55] : memref<10000x128xf32, #tpu.memory_space<vmem_shared>> -> memref<10000x128xf32, #tpu.memory_space<vmem_shared>>
    tpu.wait_indirect_dma semaphore(%arg21 : memref<!tpu.dma_semaphore, #tpu.memory_space<semaphore_mem>>) src(%arg10 : memref<128x128xf32, #tpu.memory_space<vmem>>) dst(%dma_wait3A_56 : memref<10000x128xf32, #tpu.memory_space<vmem_shared>>)
    %add3A_57 = arith.constant 9984 : i32
    %add3A_58 = arith.addi %mul3A_2, %add3A_57 : i32
    "tpu.region"() ({
      %run_scoped3A = tpu.sem_alloc : memref<!tpu.dma_semaphore, #tpu.memory_space<semaphore_mem>>
      %dma_start3A_73 = tpu.memref_slice %arg3[%add3A_58] : memref<320000xi32, #tpu.memory_space<hbm>> -> memref<16xi32, #tpu.memory_space<hbm>>
      %dma_start3A_74 = tpu.memref_slice %arg3[%add3A_58] : memref<320000xi32, #tpu.memory_space<hbm>> -> memref<16xi32, #tpu.memory_space<hbm>>
      tpu.enqueue_dma source(%dma_start3A_74 : memref<16xi32, #tpu.memory_space<hbm>>) target(%arg13 : memref<16xi32, #tpu.memory_space<vmem>>) target_semaphore(%run_scoped3A : memref<!tpu.dma_semaphore, #tpu.memory_space<semaphore_mem>>)
      %dma_wait3A_75 = tpu.memref_slice %arg3[%add3A_58] : memref<320000xi32, #tpu.memory_space<hbm>> -> memref<16xi32, #tpu.memory_space<hbm>>
      %dma_wait3A_76 = tpu.memref_slice %arg3[%add3A_58] : memref<320000xi32, #tpu.memory_space<hbm>> -> memref<16xi32, #tpu.memory_space<hbm>>
      tpu.wait_dma2 semaphore(%run_scoped3A : memref<!tpu.dma_semaphore, #tpu.memory_space<semaphore_mem>>) src(%dma_wait3A_76 : memref<16xi32, #tpu.memory_space<hbm>>) dst(%arg13 : memref<16xi32, #tpu.memory_space<vmem>>)
      tpu.yield
    }) : () -> ()
    "tpu.region"() ({
      %run_scoped3A = tpu.sem_alloc : memref<!tpu.dma_semaphore, #tpu.memory_space<semaphore_mem>>
      %dma_start3A_73 = tpu.memref_slice %arg4[%add3A_58] : memref<320000xi32, #tpu.memory_space<hbm>> -> memref<16xi32, #tpu.memory_space<hbm>>
      %dma_start3A_74 = tpu.memref_slice %arg4[%add3A_58] : memref<320000xi32, #tpu.memory_space<hbm>> -> memref<16xi32, #tpu.memory_space<hbm>>
      tpu.enqueue_dma source(%dma_start3A_74 : memref<16xi32, #tpu.memory_space<hbm>>) target(%arg14 : memref<16xi32, #tpu.memory_space<vmem>>) target_semaphore(%run_scoped3A : memref<!tpu.dma_semaphore, #tpu.memory_space<semaphore_mem>>)
      %dma_wait3A_75 = tpu.memref_slice %arg4[%add3A_58] : memref<320000xi32, #tpu.memory_space<hbm>> -> memref<16xi32, #tpu.memory_space<hbm>>
      %dma_wait3A_76 = tpu.memref_slice %arg4[%add3A_58] : memref<320000xi32, #tpu.memory_space<hbm>> -> memref<16xi32, #tpu.memory_space<hbm>>
      tpu.wait_dma2 semaphore(%run_scoped3A : memref<!tpu.dma_semaphore, #tpu.memory_space<semaphore_mem>>) src(%dma_wait3A_76 : memref<16xi32, #tpu.memory_space<hbm>>) dst(%arg14 : memref<16xi32, #tpu.memory_space<vmem>>)
      tpu.yield
    }) : () -> ()
    %dma_start3A_59 = arith.constant 0 : i32
    %dma_start3A_60 = arith.constant 0 : i32
    %dma_start3A_61 = tpu.memref_slice %arg2[%dma_start3A_59, %dma_start3A_60] : memref<10000x128xf32, #tpu.memory_space<hbm>> -> memref<10000x128xf32, #tpu.memory_space<hbm>>
    tpu.enqueue_indirect_dma source(%dma_start3A_61 : memref<10000x128xf32, #tpu.memory_space<hbm>>) target(%arg15 : memref<16x128xf32, #tpu.memory_space<vmem>>) offsets(%arg13 : memref<16xi32, #tpu.memory_space<vmem>>) semaphore(%arg16 : memref<!tpu.dma_semaphore, #tpu.memory_space<semaphore_mem>>)
    %dma_wait3A_62 = arith.constant 0 : i32
    %dma_wait3A_63 = arith.constant 0 : i32
    %dma_wait3A_64 = tpu.memref_slice %arg2[%dma_wait3A_62, %dma_wait3A_63] : memref<10000x128xf32, #tpu.memory_space<hbm>> -> memref<10000x128xf32, #tpu.memory_space<hbm>>
    tpu.wait_indirect_dma semaphore(%arg16 : memref<!tpu.dma_semaphore, #tpu.memory_space<semaphore_mem>>) src(%dma_wait3A_64 : memref<10000x128xf32, #tpu.memory_space<hbm>>) dst(%arg15 : memref<16x128xf32, #tpu.memory_space<vmem>>)
    "tpu.region"() ({
      %run_scoped3A = tpu.sem_alloc : memref<!tpu.dma_semaphore, #tpu.memory_space<semaphore_mem>>
      %dma_start3A_73 = arith.constant 0 : i32
      %dma_start3A_74 = arith.constant 0 : i32
      %dma_start3A_75 = tpu.memref_slice %arg7[%dma_start3A_73, %dma_start3A_74] : memref<10000x128xf32, #tpu.memory_space<vmem_shared>> -> memref<10000x128xf32, #tpu.memory_space<vmem_shared>>
      tpu.enqueue_indirect_dma source(%arg15 : memref<16x128xf32, #tpu.memory_space<vmem>>) target(%dma_start3A_75 : memref<10000x128xf32, #tpu.memory_space<vmem_shared>>) offsets(%arg14 : memref<16xi32, #tpu.memory_space<vmem>>) semaphore(%run_scoped3A : memref<!tpu.dma_semaphore, #tpu.memory_space<semaphore_mem>>) {add = true}
      %dma_wait3A_76 = arith.constant 0 : i32
      %dma_wait3A_77 = arith.constant 0 : i32
      %dma_wait3A_78 = tpu.memref_slice %arg7[%dma_wait3A_76, %dma_wait3A_77] : memref<10000x128xf32, #tpu.memory_space<vmem_shared>> -> memref<10000x128xf32, #tpu.memory_space<vmem_shared>>
      tpu.wait_indirect_dma semaphore(%run_scoped3A : memref<!tpu.dma_semaphore, #tpu.memory_space<semaphore_mem>>) src(%arg15 : memref<16x128xf32, #tpu.memory_space<vmem>>) dst(%dma_wait3A_78 : memref<10000x128xf32, #tpu.memory_space<vmem_shared>>)
      tpu.yield
    }) : () -> ()
    %barrier3A_65 = arith.constant 0 : index
    tpu.barrier barrier_id(%barrier3A_65)
    %mul3A_66 = arith.constant 624 : i32
    %mul3A_67 = arith.muli %arg1, %mul3A_66 : i32
    "tpu.region"() ({
      %run_scoped3A = tpu.sem_alloc : memref<!tpu.dma_semaphore, #tpu.memory_space<semaphore_mem>>
      %dma_start3A_73 = arith.constant 0 : i32
      %dma_start3A_74 = tpu.memref_slice %arg6[%arg0, %mul3A_67, %dma_start3A_73] : memref<2x10000x128xf32, #tpu.memory_space<hbm>> -> memref<1x624x128xf32, #tpu.memory_space<hbm>>
      %dma_start3A_75 = tpu.memref_squeeze %dma_start3A_74 : memref<1x624x128xf32, #tpu.memory_space<hbm>> -> memref<624x128xf32, #tpu.memory_space<hbm>>
      %dma_start3A_76 = arith.constant 0 : i32
      %dma_start3A_77 = tpu.memref_slice %arg7[%mul3A_67, %dma_start3A_76] : memref<10000x128xf32, #tpu.memory_space<vmem_shared>> -> memref<624x128xf32, #tpu.memory_space<vmem_shared>>
      tpu.enqueue_dma source(%dma_start3A_77 : memref<624x128xf32, #tpu.memory_space<vmem_shared>>) target(%dma_start3A_75 : memref<624x128xf32, #tpu.memory_space<hbm>>) target_semaphore(%run_scoped3A : memref<!tpu.dma_semaphore, #tpu.memory_space<semaphore_mem>>)
      %dma_wait3A_78 = arith.constant 0 : i32
      %dma_wait3A_79 = tpu.memref_slice %arg6[%arg0, %mul3A_67, %dma_wait3A_78] : memref<2x10000x128xf32, #tpu.memory_space<hbm>> -> memref<1x624x128xf32, #tpu.memory_space<hbm>>
      %dma_wait3A_80 = tpu.memref_squeeze %dma_wait3A_79 : memref<1x624x128xf32, #tpu.memory_space<hbm>> -> memref<624x128xf32, #tpu.memory_space<hbm>>
      %dma_wait3A_81 = arith.constant 0 : i32
      %dma_wait3A_82 = tpu.memref_slice %arg7[%mul3A_67, %dma_wait3A_81] : memref<10000x128xf32, #tpu.memory_space<vmem_shared>> -> memref<624x128xf32, #tpu.memory_space<vmem_shared>>
      tpu.wait_dma2 semaphore(%run_scoped3A : memref<!tpu.dma_semaphore, #tpu.memory_space<semaphore_mem>>) src(%dma_wait3A_82 : memref<624x128xf32, #tpu.memory_space<vmem_shared>>) dst(%dma_wait3A_80 : memref<624x128xf32, #tpu.memory_space<hbm>>)
      tpu.yield
    }) : () -> ()
    %eq3A_68 = arith.constant 0 : i32
    %eq3A_69 = arith.cmpi eq, %arg1, %eq3A_68 : i32
    %convert_element_type3A_70 = arith.extui %eq3A_69 : i1 to i32
    %cond3A_71 = arith.constant 0 : i32
    %cond3A_72 = arith.cmpi ne, %convert_element_type3A_70, %cond3A_71 : i32
    scf.if %cond3A_72 {
      "tpu.region"() ({
        %run_scoped3A = tpu.sem_alloc : memref<!tpu.dma_semaphore, #tpu.memory_space<semaphore_mem>>
        %dma_start3A_73 = arith.constant 9984 : i32
        %dma_start3A_74 = arith.constant 0 : i32
        %dma_start3A_75 = tpu.memref_slice %arg6[%arg0, %dma_start3A_73, %dma_start3A_74] : memref<2x10000x128xf32, #tpu.memory_space<hbm>> -> memref<1x16x128xf32, #tpu.memory_space<hbm>>
        %dma_start3A_76 = tpu.memref_squeeze %dma_start3A_75 : memref<1x16x128xf32, #tpu.memory_space<hbm>> -> memref<16x128xf32, #tpu.memory_space<hbm>>
        %dma_start3A_77 = arith.constant 9984 : i32
        %dma_start3A_78 = arith.constant 0 : i32
        %dma_start3A_79 = tpu.memref_slice %arg7[%dma_start3A_77, %dma_start3A_78] : memref<10000x128xf32, #tpu.memory_space<vmem_shared>> -> memref<16x128xf32, #tpu.memory_space<vmem_shared>>
        tpu.enqueue_dma source(%dma_start3A_79 : memref<16x128xf32, #tpu.memory_space<vmem_shared>>) target(%dma_start3A_76 : memref<16x128xf32, #tpu.memory_space<hbm>>) target_semaphore(%run_scoped3A : memref<!tpu.dma_semaphore, #tpu.memory_space<semaphore_mem>>)
        %dma_wait3A_80 = arith.constant 9984 : i32
        %dma_wait3A_81 = arith.constant 0 : i32
        %dma_wait3A_82 = tpu.memref_slice %arg6[%arg0, %dma_wait3A_80, %dma_wait3A_81] : memref<2x10000x128xf32, #tpu.memory_space<hbm>> -> memref<1x16x128xf32, #tpu.memory_space<hbm>>
        %dma_wait3A_83 = tpu.memref_squeeze %dma_wait3A_82 : memref<1x16x128xf32, #tpu.memory_space<hbm>> -> memref<16x128xf32, #tpu.memory_space<hbm>>
        %dma_wait3A_84 = arith.constant 9984 : i32
        %dma_wait3A_85 = arith.constant 0 : i32
        %dma_wait3A_86 = tpu.memref_slice %arg7[%dma_wait3A_84, %dma_wait3A_85] : memref<10000x128xf32, #tpu.memory_space<vmem_shared>> -> memref<16x128xf32, #tpu.memory_space<vmem_shared>>
        tpu.wait_dma2 semaphore(%run_scoped3A : memref<!tpu.dma_semaphore, #tpu.memory_space<semaphore_mem>>) src(%dma_wait3A_86 : memref<16x128xf32, #tpu.memory_space<vmem_shared>>) dst(%dma_wait3A_83 : memref<16x128xf32, #tpu.memory_space<hbm>>)
        tpu.yield
      }) : () -> ()
    } else {
    }
    return
  }
}

#map = affine_map<(d0, d1) -> (0)>
#map1 = affine_map<(d0, d1) -> (0, 0)>
#map2 = affine_map<(d0, d1) -> (0, 0, 0)>
module attributes {stable_mosaic.version = 14 : i64} {
  func.func @deg_kernel(%arg0: i32, %arg1: i32, %arg2: memref<320000xi32, #tpu.memory_space<hbm>>, %arg3: memref<128x128xf32, #tpu.memory_space<hbm>>, %arg4: memref<10000x128xf32, #tpu.memory_space<hbm>>, %arg5: memref<2x10000x128xf32, #tpu.memory_space<hbm>>, %arg6: memref<10000x128xf32, #tpu.memory_space<vmem_shared>>, %arg7: memref<78x128xi32, #tpu.memory_space<vmem>>, %arg8: memref<128x128xf32, #tpu.memory_space<vmem>>, %arg9: memref<16xi32, #tpu.memory_space<vmem>>, %arg10: memref<!tpu.dma_semaphore, #tpu.memory_space<semaphore_mem>>, %arg11: memref<!tpu.dma_semaphore, #tpu.memory_space<semaphore_mem>>) attributes {dimension_semantics = [#tpu.dimension_semantics<core_parallel>, #tpu.dimension_semantics<subcore_parallel>], iteration_bounds = array<i64: 2, 16>, scalar_prefetch = 0 : i64, scratch_operands = 6 : i64, tpu.core_type = #tpu.core_type<sc_vector_subcore>, window_params = [{transform_indices = #map}, {transform_indices = #map1}, {transform_indices = #map1}, {transform_indices = #map2}]} {
    %mul3A = arith.constant 16 : i32
    %mul3A_0 = arith.muli %arg0, %mul3A : i32
    %add3A = arith.addi %mul3A_0, %arg1 : i32
    %mul3A_1 = arith.constant 10000 : i32
    %mul3A_2 = arith.muli %add3A, %mul3A_1 : i32
    %mul3A_3 = arith.constant 624 : i32
    %mul3A_4 = arith.muli %arg1, %mul3A_3 : i32
    "tpu.region"() ({
      %run_scoped3A = tpu.sem_alloc : memref<!tpu.dma_semaphore, #tpu.memory_space<semaphore_mem>>
      %dma_start3A = arith.constant 0 : i32
      %dma_start3A_40 = tpu.memref_slice %arg6[%mul3A_4, %dma_start3A] : memref<10000x128xf32, #tpu.memory_space<vmem_shared>> -> memref<624x128xf32, #tpu.memory_space<vmem_shared>>
      %dma_start3A_41 = arith.constant 0 : i32
      %dma_start3A_42 = tpu.memref_slice %arg4[%mul3A_4, %dma_start3A_41] : memref<10000x128xf32, #tpu.memory_space<hbm>> -> memref<624x128xf32, #tpu.memory_space<hbm>>
      tpu.enqueue_dma source(%dma_start3A_42 : memref<624x128xf32, #tpu.memory_space<hbm>>) target(%dma_start3A_40 : memref<624x128xf32, #tpu.memory_space<vmem_shared>>) target_semaphore(%run_scoped3A : memref<!tpu.dma_semaphore, #tpu.memory_space<semaphore_mem>>)
      %dma_wait3A = arith.constant 0 : i32
      %dma_wait3A_43 = tpu.memref_slice %arg6[%mul3A_4, %dma_wait3A] : memref<10000x128xf32, #tpu.memory_space<vmem_shared>> -> memref<624x128xf32, #tpu.memory_space<vmem_shared>>
      %dma_wait3A_44 = arith.constant 0 : i32
      %dma_wait3A_45 = tpu.memref_slice %arg4[%mul3A_4, %dma_wait3A_44] : memref<10000x128xf32, #tpu.memory_space<hbm>> -> memref<624x128xf32, #tpu.memory_space<hbm>>
      tpu.wait_dma2 semaphore(%run_scoped3A : memref<!tpu.dma_semaphore, #tpu.memory_space<semaphore_mem>>) src(%dma_wait3A_45 : memref<624x128xf32, #tpu.memory_space<hbm>>) dst(%dma_wait3A_43 : memref<624x128xf32, #tpu.memory_space<vmem_shared>>)
      tpu.yield
    }) : () -> ()
    %eq3A = arith.constant 0 : i32
    %eq3A_5 = arith.cmpi eq, %arg1, %eq3A : i32
    %convert_element_type3A = arith.extui %eq3A_5 : i1 to i32
    %cond3A = arith.constant 0 : i32
    %cond3A_6 = arith.cmpi ne, %convert_element_type3A, %cond3A : i32
    scf.if %cond3A_6 {
      "tpu.region"() ({
        %run_scoped3A = tpu.sem_alloc : memref<!tpu.dma_semaphore, #tpu.memory_space<semaphore_mem>>
        %dma_start3A = arith.constant 9984 : i32
        %dma_start3A_40 = arith.constant 0 : i32
        %dma_start3A_41 = tpu.memref_slice %arg6[%dma_start3A, %dma_start3A_40] : memref<10000x128xf32, #tpu.memory_space<vmem_shared>> -> memref<16x128xf32, #tpu.memory_space<vmem_shared>>
        %dma_start3A_42 = arith.constant 9984 : i32
        %dma_start3A_43 = arith.constant 0 : i32
        %dma_start3A_44 = tpu.memref_slice %arg4[%dma_start3A_42, %dma_start3A_43] : memref<10000x128xf32, #tpu.memory_space<hbm>> -> memref<16x128xf32, #tpu.memory_space<hbm>>
        tpu.enqueue_dma source(%dma_start3A_44 : memref<16x128xf32, #tpu.memory_space<hbm>>) target(%dma_start3A_41 : memref<16x128xf32, #tpu.memory_space<vmem_shared>>) target_semaphore(%run_scoped3A : memref<!tpu.dma_semaphore, #tpu.memory_space<semaphore_mem>>)
        %dma_wait3A = arith.constant 9984 : i32
        %dma_wait3A_45 = arith.constant 0 : i32
        %dma_wait3A_46 = tpu.memref_slice %arg6[%dma_wait3A, %dma_wait3A_45] : memref<10000x128xf32, #tpu.memory_space<vmem_shared>> -> memref<16x128xf32, #tpu.memory_space<vmem_shared>>
        %dma_wait3A_47 = arith.constant 9984 : i32
        %dma_wait3A_48 = arith.constant 0 : i32
        %dma_wait3A_49 = tpu.memref_slice %arg4[%dma_wait3A_47, %dma_wait3A_48] : memref<10000x128xf32, #tpu.memory_space<hbm>> -> memref<16x128xf32, #tpu.memory_space<hbm>>
        tpu.wait_dma2 semaphore(%run_scoped3A : memref<!tpu.dma_semaphore, #tpu.memory_space<semaphore_mem>>) src(%dma_wait3A_49 : memref<16x128xf32, #tpu.memory_space<hbm>>) dst(%dma_wait3A_46 : memref<16x128xf32, #tpu.memory_space<vmem_shared>>)
        tpu.yield
      }) : () -> ()
    } else {
    }
    tpu.enqueue_dma source(%arg3 : memref<128x128xf32, #tpu.memory_space<hbm>>) target(%arg8 : memref<128x128xf32, #tpu.memory_space<vmem>>) target_semaphore(%arg11 : memref<!tpu.dma_semaphore, #tpu.memory_space<semaphore_mem>>)
    %scan3A = arith.constant 0 : i32
    %scan3A_7 = arith.constant 0 : i32
    %scan3A_8 = arith.constant 78 : i32
    %scan3A_9 = arith.addi %scan3A_7, %scan3A_8 : i32
    %scan3A_10 = arith.constant 1 : i32
    scf.for %scan3A_40 = %scan3A_7 to %scan3A_9 step %scan3A_10  : i32 {
      %mul3A_41 = arith.constant 128 : i32
      %mul3A_42 = arith.muli %scan3A_40, %mul3A_41 : i32
      %add3A_43 = arith.addi %mul3A_2, %mul3A_42 : i32
      %dma_start3A = arith.constant 0 : i32
      %dma_start3A_44 = tpu.memref_slice %arg7[%scan3A_40, %dma_start3A] : memref<78x128xi32, #tpu.memory_space<vmem>> -> memref<1x128xi32, #tpu.memory_space<vmem>>
      %dma_start3A_45 = tpu.memref_squeeze %dma_start3A_44 : memref<1x128xi32, #tpu.memory_space<vmem>> -> memref<128xi32, #tpu.memory_space<vmem>>
      %dma_start3A_46 = tpu.memref_slice %arg2[%add3A_43] : memref<320000xi32, #tpu.memory_space<hbm>> -> memref<128xi32, #tpu.memory_space<hbm>>
      %dma_start3A_47 = arith.constant 0 : i32
      %dma_start3A_48 = tpu.memref_slice %arg7[%scan3A_40, %dma_start3A_47] : memref<78x128xi32, #tpu.memory_space<vmem>> -> memref<1x128xi32, #tpu.memory_space<vmem>>
      %dma_start3A_49 = tpu.memref_squeeze %dma_start3A_48 : memref<1x128xi32, #tpu.memory_space<vmem>> -> memref<128xi32, #tpu.memory_space<vmem>>
      %dma_start3A_50 = tpu.memref_slice %arg2[%add3A_43] : memref<320000xi32, #tpu.memory_space<hbm>> -> memref<128xi32, #tpu.memory_space<hbm>>
      tpu.enqueue_dma source(%dma_start3A_50 : memref<128xi32, #tpu.memory_space<hbm>>) target(%dma_start3A_49 : memref<128xi32, #tpu.memory_space<vmem>>) target_semaphore(%arg11 : memref<!tpu.dma_semaphore, #tpu.memory_space<semaphore_mem>>)
    }
    %scan3A_11 = arith.constant 78 : i32
    tpu.wait_dma2 semaphore(%arg11 : memref<!tpu.dma_semaphore, #tpu.memory_space<semaphore_mem>>) src(%arg3 : memref<128x128xf32, #tpu.memory_space<hbm>>) dst(%arg8 : memref<128x128xf32, #tpu.memory_space<vmem>>)
    %scan3A_12 = arith.constant 0 : i32
    %scan3A_13 = arith.constant 0 : i32
    %scan3A_14 = arith.constant 78 : i32
    %scan3A_15 = arith.addi %scan3A_13, %scan3A_14 : i32
    %scan3A_16 = arith.constant 1 : i32
    scf.for %scan3A_40 = %scan3A_13 to %scan3A_15 step %scan3A_16  : i32 {
      %mul3A_41 = arith.constant 128 : i32
      %mul3A_42 = arith.muli %scan3A_40, %mul3A_41 : i32
      %add3A_43 = arith.addi %mul3A_2, %mul3A_42 : i32
      %dma_wait3A = arith.constant 0 : i32
      %dma_wait3A_44 = tpu.memref_slice %arg7[%scan3A_40, %dma_wait3A] : memref<78x128xi32, #tpu.memory_space<vmem>> -> memref<1x128xi32, #tpu.memory_space<vmem>>
      %dma_wait3A_45 = tpu.memref_squeeze %dma_wait3A_44 : memref<1x128xi32, #tpu.memory_space<vmem>> -> memref<128xi32, #tpu.memory_space<vmem>>
      %dma_wait3A_46 = tpu.memref_slice %arg2[%add3A_43] : memref<320000xi32, #tpu.memory_space<hbm>> -> memref<128xi32, #tpu.memory_space<hbm>>
      %dma_wait3A_47 = arith.constant 0 : i32
      %dma_wait3A_48 = tpu.memref_slice %arg7[%scan3A_40, %dma_wait3A_47] : memref<78x128xi32, #tpu.memory_space<vmem>> -> memref<1x128xi32, #tpu.memory_space<vmem>>
      %dma_wait3A_49 = tpu.memref_squeeze %dma_wait3A_48 : memref<1x128xi32, #tpu.memory_space<vmem>> -> memref<128xi32, #tpu.memory_space<vmem>>
      %dma_wait3A_50 = tpu.memref_slice %arg2[%add3A_43] : memref<320000xi32, #tpu.memory_space<hbm>> -> memref<128xi32, #tpu.memory_space<hbm>>
      tpu.wait_dma2 semaphore(%arg11 : memref<!tpu.dma_semaphore, #tpu.memory_space<semaphore_mem>>) src(%dma_wait3A_50 : memref<128xi32, #tpu.memory_space<hbm>>) dst(%dma_wait3A_49 : memref<128xi32, #tpu.memory_space<vmem>>)
    }
    %scan3A_17 = arith.constant 78 : i32
    %barrier3A = arith.constant 0 : index
    tpu.barrier barrier_id(%barrier3A)
    %scan3A_18 = arith.constant 0 : i32
    %scan3A_19 = arith.constant 0 : i32
    %scan3A_20 = arith.constant 78 : i32
    %scan3A_21 = arith.addi %scan3A_19, %scan3A_20 : i32
    %scan3A_22 = arith.constant 1 : i32
    scf.for %scan3A_40 = %scan3A_19 to %scan3A_21 step %scan3A_22  : i32 {
      %dma_start3A = arith.constant 0 : i32
      %dma_start3A_41 = tpu.memref_slice %arg7[%scan3A_40, %dma_start3A] : memref<78x128xi32, #tpu.memory_space<vmem>> -> memref<1x128xi32, #tpu.memory_space<vmem>>
      %dma_start3A_42 = tpu.memref_squeeze %dma_start3A_41 : memref<1x128xi32, #tpu.memory_space<vmem>> -> memref<128xi32, #tpu.memory_space<vmem>>
      %dma_start3A_43 = arith.constant 0 : i32
      %dma_start3A_44 = arith.constant 0 : i32
      %dma_start3A_45 = tpu.memref_slice %arg6[%dma_start3A_43, %dma_start3A_44] : memref<10000x128xf32, #tpu.memory_space<vmem_shared>> -> memref<10000x128xf32, #tpu.memory_space<vmem_shared>>
      tpu.enqueue_indirect_dma source(%arg8 : memref<128x128xf32, #tpu.memory_space<vmem>>) target(%dma_start3A_45 : memref<10000x128xf32, #tpu.memory_space<vmem_shared>>) offsets(%dma_start3A_42 : memref<128xi32, #tpu.memory_space<vmem>>) semaphore(%arg10 : memref<!tpu.dma_semaphore, #tpu.memory_space<semaphore_mem>>) {add = true}
    }
    %scan3A_23 = arith.constant 78 : i32
    %scan3A_24 = arith.constant 0 : i32
    %scan3A_25 = arith.constant 0 : i32
    %scan3A_26 = arith.constant 78 : i32
    %scan3A_27 = arith.addi %scan3A_25, %scan3A_26 : i32
    %scan3A_28 = arith.constant 1 : i32
    scf.for %scan3A_40 = %scan3A_25 to %scan3A_27 step %scan3A_28  : i32 {
      %dma_wait3A = arith.constant 0 : i32
      %dma_wait3A_41 = tpu.memref_slice %arg7[%scan3A_40, %dma_wait3A] : memref<78x128xi32, #tpu.memory_space<vmem>> -> memref<1x128xi32, #tpu.memory_space<vmem>>
      %dma_wait3A_42 = tpu.memref_squeeze %dma_wait3A_41 : memref<1x128xi32, #tpu.memory_space<vmem>> -> memref<128xi32, #tpu.memory_space<vmem>>
      %dma_wait3A_43 = arith.constant 0 : i32
      %dma_wait3A_44 = arith.constant 0 : i32
      %dma_wait3A_45 = tpu.memref_slice %arg6[%dma_wait3A_43, %dma_wait3A_44] : memref<10000x128xf32, #tpu.memory_space<vmem_shared>> -> memref<10000x128xf32, #tpu.memory_space<vmem_shared>>
      tpu.wait_indirect_dma semaphore(%arg10 : memref<!tpu.dma_semaphore, #tpu.memory_space<semaphore_mem>>) src(%arg8 : memref<128x128xf32, #tpu.memory_space<vmem>>) dst(%dma_wait3A_45 : memref<10000x128xf32, #tpu.memory_space<vmem_shared>>)
    }
    %scan3A_29 = arith.constant 78 : i32
    %add3A_30 = arith.constant 9984 : i32
    %add3A_31 = arith.addi %mul3A_2, %add3A_30 : i32
    "tpu.region"() ({
      %run_scoped3A = tpu.sem_alloc : memref<!tpu.dma_semaphore, #tpu.memory_space<semaphore_mem>>
      %dma_start3A = tpu.memref_slice %arg2[%add3A_31] : memref<320000xi32, #tpu.memory_space<hbm>> -> memref<16xi32, #tpu.memory_space<hbm>>
      %dma_start3A_40 = tpu.memref_slice %arg2[%add3A_31] : memref<320000xi32, #tpu.memory_space<hbm>> -> memref<16xi32, #tpu.memory_space<hbm>>
      tpu.enqueue_dma source(%dma_start3A_40 : memref<16xi32, #tpu.memory_space<hbm>>) target(%arg9 : memref<16xi32, #tpu.memory_space<vmem>>) target_semaphore(%run_scoped3A : memref<!tpu.dma_semaphore, #tpu.memory_space<semaphore_mem>>)
      %dma_wait3A = tpu.memref_slice %arg2[%add3A_31] : memref<320000xi32, #tpu.memory_space<hbm>> -> memref<16xi32, #tpu.memory_space<hbm>>
      %dma_wait3A_41 = tpu.memref_slice %arg2[%add3A_31] : memref<320000xi32, #tpu.memory_space<hbm>> -> memref<16xi32, #tpu.memory_space<hbm>>
      tpu.wait_dma2 semaphore(%run_scoped3A : memref<!tpu.dma_semaphore, #tpu.memory_space<semaphore_mem>>) src(%dma_wait3A_41 : memref<16xi32, #tpu.memory_space<hbm>>) dst(%arg9 : memref<16xi32, #tpu.memory_space<vmem>>)
      tpu.yield
    }) : () -> ()
    "tpu.region"() ({
      %run_scoped3A = tpu.sem_alloc : memref<!tpu.dma_semaphore, #tpu.memory_space<semaphore_mem>>
      %dma_start3A = arith.constant 0 : i32
      %dma_start3A_40 = arith.constant 0 : i32
      %dma_start3A_41 = tpu.memref_slice %arg8[%dma_start3A, %dma_start3A_40] : memref<128x128xf32, #tpu.memory_space<vmem>> -> memref<16x128xf32, #tpu.memory_space<vmem>>
      %dma_start3A_42 = arith.constant 0 : i32
      %dma_start3A_43 = arith.constant 0 : i32
      %dma_start3A_44 = tpu.memref_slice %arg6[%dma_start3A_42, %dma_start3A_43] : memref<10000x128xf32, #tpu.memory_space<vmem_shared>> -> memref<10000x128xf32, #tpu.memory_space<vmem_shared>>
      tpu.enqueue_indirect_dma source(%dma_start3A_41 : memref<16x128xf32, #tpu.memory_space<vmem>>) target(%dma_start3A_44 : memref<10000x128xf32, #tpu.memory_space<vmem_shared>>) offsets(%arg9 : memref<16xi32, #tpu.memory_space<vmem>>) semaphore(%run_scoped3A : memref<!tpu.dma_semaphore, #tpu.memory_space<semaphore_mem>>) {add = true}
      %dma_wait3A = arith.constant 0 : i32
      %dma_wait3A_45 = arith.constant 0 : i32
      %dma_wait3A_46 = tpu.memref_slice %arg8[%dma_wait3A, %dma_wait3A_45] : memref<128x128xf32, #tpu.memory_space<vmem>> -> memref<16x128xf32, #tpu.memory_space<vmem>>
      %dma_wait3A_47 = arith.constant 0 : i32
      %dma_wait3A_48 = arith.constant 0 : i32
      %dma_wait3A_49 = tpu.memref_slice %arg6[%dma_wait3A_47, %dma_wait3A_48] : memref<10000x128xf32, #tpu.memory_space<vmem_shared>> -> memref<10000x128xf32, #tpu.memory_space<vmem_shared>>
      tpu.wait_indirect_dma semaphore(%run_scoped3A : memref<!tpu.dma_semaphore, #tpu.memory_space<semaphore_mem>>) src(%dma_wait3A_46 : memref<16x128xf32, #tpu.memory_space<vmem>>) dst(%dma_wait3A_49 : memref<10000x128xf32, #tpu.memory_space<vmem_shared>>)
      tpu.yield
    }) : () -> ()
    %barrier3A_32 = arith.constant 0 : index
    tpu.barrier barrier_id(%barrier3A_32)
    %mul3A_33 = arith.constant 624 : i32
    %mul3A_34 = arith.muli %arg1, %mul3A_33 : i32
    "tpu.region"() ({
      %run_scoped3A = tpu.sem_alloc : memref<!tpu.dma_semaphore, #tpu.memory_space<semaphore_mem>>
      %dma_start3A = arith.constant 0 : i32
      %dma_start3A_40 = tpu.memref_slice %arg5[%arg0, %mul3A_34, %dma_start3A] : memref<2x10000x128xf32, #tpu.memory_space<hbm>> -> memref<1x624x128xf32, #tpu.memory_space<hbm>>
      %dma_start3A_41 = tpu.memref_squeeze %dma_start3A_40 : memref<1x624x128xf32, #tpu.memory_space<hbm>> -> memref<624x128xf32, #tpu.memory_space<hbm>>
      %dma_start3A_42 = arith.constant 0 : i32
      %dma_start3A_43 = tpu.memref_slice %arg6[%mul3A_34, %dma_start3A_42] : memref<10000x128xf32, #tpu.memory_space<vmem_shared>> -> memref<624x128xf32, #tpu.memory_space<vmem_shared>>
      tpu.enqueue_dma source(%dma_start3A_43 : memref<624x128xf32, #tpu.memory_space<vmem_shared>>) target(%dma_start3A_41 : memref<624x128xf32, #tpu.memory_space<hbm>>) target_semaphore(%run_scoped3A : memref<!tpu.dma_semaphore, #tpu.memory_space<semaphore_mem>>)
      %dma_wait3A = arith.constant 0 : i32
      %dma_wait3A_44 = tpu.memref_slice %arg5[%arg0, %mul3A_34, %dma_wait3A] : memref<2x10000x128xf32, #tpu.memory_space<hbm>> -> memref<1x624x128xf32, #tpu.memory_space<hbm>>
      %dma_wait3A_45 = tpu.memref_squeeze %dma_wait3A_44 : memref<1x624x128xf32, #tpu.memory_space<hbm>> -> memref<624x128xf32, #tpu.memory_space<hbm>>
      %dma_wait3A_46 = arith.constant 0 : i32
      %dma_wait3A_47 = tpu.memref_slice %arg6[%mul3A_34, %dma_wait3A_46] : memref<10000x128xf32, #tpu.memory_space<vmem_shared>> -> memref<624x128xf32, #tpu.memory_space<vmem_shared>>
      tpu.wait_dma2 semaphore(%run_scoped3A : memref<!tpu.dma_semaphore, #tpu.memory_space<semaphore_mem>>) src(%dma_wait3A_47 : memref<624x128xf32, #tpu.memory_space<vmem_shared>>) dst(%dma_wait3A_45 : memref<624x128xf32, #tpu.memory_space<hbm>>)
      tpu.yield
    }) : () -> ()
    %eq3A_35 = arith.constant 0 : i32
    %eq3A_36 = arith.cmpi eq, %arg1, %eq3A_35 : i32
    %convert_element_type3A_37 = arith.extui %eq3A_36 : i1 to i32
    %cond3A_38 = arith.constant 0 : i32
    %cond3A_39 = arith.cmpi ne, %convert_element_type3A_37, %cond3A_38 : i32
    scf.if %cond3A_39 {
      "tpu.region"() ({
        %run_scoped3A = tpu.sem_alloc : memref<!tpu.dma_semaphore, #tpu.memory_space<semaphore_mem>>
        %dma_start3A = arith.constant 9984 : i32
        %dma_start3A_40 = arith.constant 0 : i32
        %dma_start3A_41 = tpu.memref_slice %arg5[%arg0, %dma_start3A, %dma_start3A_40] : memref<2x10000x128xf32, #tpu.memory_space<hbm>> -> memref<1x16x128xf32, #tpu.memory_space<hbm>>
        %dma_start3A_42 = tpu.memref_squeeze %dma_start3A_41 : memref<1x16x128xf32, #tpu.memory_space<hbm>> -> memref<16x128xf32, #tpu.memory_space<hbm>>
        %dma_start3A_43 = arith.constant 9984 : i32
        %dma_start3A_44 = arith.constant 0 : i32
        %dma_start3A_45 = tpu.memref_slice %arg6[%dma_start3A_43, %dma_start3A_44] : memref<10000x128xf32, #tpu.memory_space<vmem_shared>> -> memref<16x128xf32, #tpu.memory_space<vmem_shared>>
        tpu.enqueue_dma source(%dma_start3A_45 : memref<16x128xf32, #tpu.memory_space<vmem_shared>>) target(%dma_start3A_42 : memref<16x128xf32, #tpu.memory_space<hbm>>) target_semaphore(%run_scoped3A : memref<!tpu.dma_semaphore, #tpu.memory_space<semaphore_mem>>)
        %dma_wait3A = arith.constant 9984 : i32
        %dma_wait3A_46 = arith.constant 0 : i32
        %dma_wait3A_47 = tpu.memref_slice %arg5[%arg0, %dma_wait3A, %dma_wait3A_46] : memref<2x10000x128xf32, #tpu.memory_space<hbm>> -> memref<1x16x128xf32, #tpu.memory_space<hbm>>
        %dma_wait3A_48 = tpu.memref_squeeze %dma_wait3A_47 : memref<1x16x128xf32, #tpu.memory_space<hbm>> -> memref<16x128xf32, #tpu.memory_space<hbm>>
        %dma_wait3A_49 = arith.constant 9984 : i32
        %dma_wait3A_50 = arith.constant 0 : i32
        %dma_wait3A_51 = tpu.memref_slice %arg6[%dma_wait3A_49, %dma_wait3A_50] : memref<10000x128xf32, #tpu.memory_space<vmem_shared>> -> memref<16x128xf32, #tpu.memory_space<vmem_shared>>
        tpu.wait_dma2 semaphore(%run_scoped3A : memref<!tpu.dma_semaphore, #tpu.memory_space<semaphore_mem>>) src(%dma_wait3A_51 : memref<16x128xf32, #tpu.memory_space<vmem_shared>>) dst(%dma_wait3A_48 : memref<16x128xf32, #tpu.memory_space<hbm>>)
        tpu.yield
      }) : () -> ()
    } else {
    }
    return
  }
}

#map = affine_map<(d0, d1) -> (0, 0)>
#map1 = affine_map<(d0, d1) -> (0)>
#map2 = affine_map<(d0, d1) -> (0, 0, 0)>
module attributes {stable_mosaic.version = 14 : i64} {
  func.func @agg_kernel(%arg0: i32, %arg1: i32, %arg2: memref<10000x128xf32, #tpu.memory_space<hbm>>, %arg3: memref<320000xi32, #tpu.memory_space<hbm>>, %arg4: memref<320000xi32, #tpu.memory_space<hbm>>, %arg5: memref<10000x128xf32, #tpu.memory_space<hbm>>, %arg6: memref<2x10000x128xf32, #tpu.memory_space<hbm>>, %arg7: memref<10000x128xf32, #tpu.memory_space<vmem_shared>>, %arg8: memref<78x128xi32, #tpu.memory_space<vmem>>, %arg9: memref<128x128xf32, #tpu.memory_space<vmem>>, %arg10: memref<128x128xf32, #tpu.memory_space<vmem>>, %arg11: memref<128xi32, #tpu.memory_space<vmem>>, %arg12: memref<128xi32, #tpu.memory_space<vmem>>, %arg13: memref<16xi32, #tpu.memory_space<vmem>>, %arg14: memref<16xi32, #tpu.memory_space<vmem>>, %arg15: memref<16x128xf32, #tpu.memory_space<vmem>>, %arg16: memref<!tpu.dma_semaphore, #tpu.memory_space<semaphore_mem>>, %arg17: memref<!tpu.dma_semaphore, #tpu.memory_space<semaphore_mem>>, %arg18: memref<!tpu.dma_semaphore, #tpu.memory_space<semaphore_mem>>, %arg19: memref<!tpu.dma_semaphore, #tpu.memory_space<semaphore_mem>>, %arg20: memref<!tpu.dma_semaphore, #tpu.memory_space<semaphore_mem>>, %arg21: memref<!tpu.dma_semaphore, #tpu.memory_space<semaphore_mem>>) attributes {dimension_semantics = [#tpu.dimension_semantics<core_parallel>, #tpu.dimension_semantics<subcore_parallel>], iteration_bounds = array<i64: 2, 16>, scalar_prefetch = 0 : i64, scratch_operands = 15 : i64, tpu.core_type = #tpu.core_type<sc_vector_subcore>, window_params = [{transform_indices = #map}, {transform_indices = #map1}, {transform_indices = #map1}, {transform_indices = #map}, {transform_indices = #map2}]} {
    %mul3A = arith.constant 16 : i32
    %mul3A_0 = arith.muli %arg0, %mul3A : i32
    %add3A = arith.addi %mul3A_0, %arg1 : i32
    %mul3A_1 = arith.constant 10000 : i32
    %mul3A_2 = arith.muli %add3A, %mul3A_1 : i32
    %mul3A_3 = arith.constant 624 : i32
    %mul3A_4 = arith.muli %arg1, %mul3A_3 : i32
    %eq3A = arith.constant 0 : i32
    %eq3A_5 = arith.cmpi eq, %arg0, %eq3A : i32
    %convert_element_type3A = arith.extui %eq3A_5 : i1 to i32
    %cond3A = arith.constant 0 : i32
    %cond3A_6 = arith.cmpi ne, %convert_element_type3A, %cond3A : i32
    scf.if %cond3A_6 {
      %dma_start3A_73 = arith.constant 0 : i32
      %dma_start3A_74 = tpu.memref_slice %arg7[%mul3A_4, %dma_start3A_73] : memref<10000x128xf32, #tpu.memory_space<vmem_shared>> -> memref<624x128xf32, #tpu.memory_space<vmem_shared>>
      %dma_start3A_75 = arith.constant 0 : i32
      %dma_start3A_76 = tpu.memref_slice %arg2[%mul3A_4, %dma_start3A_75] : memref<10000x128xf32, #tpu.memory_space<hbm>> -> memref<624x128xf32, #tpu.memory_space<hbm>>
      tpu.enqueue_dma source(%dma_start3A_76 : memref<624x128xf32, #tpu.memory_space<hbm>>) target(%dma_start3A_74 : memref<624x128xf32, #tpu.memory_space<vmem_shared>>) target_semaphore(%arg16 : memref<!tpu.dma_semaphore, #tpu.memory_space<semaphore_mem>>)
      %eq3A_77 = arith.constant 0 : i32
      %eq3A_78 = arith.cmpi eq, %arg1, %eq3A_77 : i32
      %convert_element_type3A_79 = arith.extui %eq3A_78 : i1 to i32
      %cond3A_80 = arith.constant 0 : i32
      %cond3A_81 = arith.cmpi ne, %convert_element_type3A_79, %cond3A_80 : i32
      scf.if %cond3A_81 {
        %dma_start3A_82 = arith.constant 9984 : i32
        %dma_start3A_83 = arith.constant 0 : i32
        %dma_start3A_84 = tpu.memref_slice %arg7[%dma_start3A_82, %dma_start3A_83] : memref<10000x128xf32, #tpu.memory_space<vmem_shared>> -> memref<16x128xf32, #tpu.memory_space<vmem_shared>>
        %dma_start3A_85 = arith.constant 9984 : i32
        %dma_start3A_86 = arith.constant 0 : i32
        %dma_start3A_87 = tpu.memref_slice %arg2[%dma_start3A_85, %dma_start3A_86] : memref<10000x128xf32, #tpu.memory_space<hbm>> -> memref<16x128xf32, #tpu.memory_space<hbm>>
        tpu.enqueue_dma source(%dma_start3A_87 : memref<16x128xf32, #tpu.memory_space<hbm>>) target(%dma_start3A_84 : memref<16x128xf32, #tpu.memory_space<vmem_shared>>) target_semaphore(%arg16 : memref<!tpu.dma_semaphore, #tpu.memory_space<semaphore_mem>>)
      } else {
      }
    } else {
    }
    %ne3A = arith.constant 0 : i32
    %ne3A_7 = arith.cmpi ne, %arg0, %ne3A : i32
    %convert_element_type3A_8 = arith.extui %ne3A_7 : i1 to i32
    %cond3A_9 = arith.constant 0 : i32
    %cond3A_10 = arith.cmpi ne, %convert_element_type3A_8, %cond3A_9 : i32
    scf.if %cond3A_10 {
      %dma_start3A_73 = arith.constant 0 : i32
      %dma_start3A_74 = tpu.memref_slice %arg7[%mul3A_4, %dma_start3A_73] : memref<10000x128xf32, #tpu.memory_space<vmem_shared>> -> memref<624x128xf32, #tpu.memory_space<vmem_shared>>
      %dma_start3A_75 = arith.constant 0 : i32
      %dma_start3A_76 = tpu.memref_slice %arg5[%mul3A_4, %dma_start3A_75] : memref<10000x128xf32, #tpu.memory_space<hbm>> -> memref<624x128xf32, #tpu.memory_space<hbm>>
      tpu.enqueue_dma source(%dma_start3A_76 : memref<624x128xf32, #tpu.memory_space<hbm>>) target(%dma_start3A_74 : memref<624x128xf32, #tpu.memory_space<vmem_shared>>) target_semaphore(%arg16 : memref<!tpu.dma_semaphore, #tpu.memory_space<semaphore_mem>>)
      %eq3A_77 = arith.constant 0 : i32
      %eq3A_78 = arith.cmpi eq, %arg1, %eq3A_77 : i32
      %convert_element_type3A_79 = arith.extui %eq3A_78 : i1 to i32
      %cond3A_80 = arith.constant 0 : i32
      %cond3A_81 = arith.cmpi ne, %convert_element_type3A_79, %cond3A_80 : i32
      scf.if %cond3A_81 {
        %dma_start3A_82 = arith.constant 9984 : i32
        %dma_start3A_83 = arith.constant 0 : i32
        %dma_start3A_84 = tpu.memref_slice %arg7[%dma_start3A_82, %dma_start3A_83] : memref<10000x128xf32, #tpu.memory_space<vmem_shared>> -> memref<16x128xf32, #tpu.memory_space<vmem_shared>>
        %dma_start3A_85 = arith.constant 9984 : i32
        %dma_start3A_86 = arith.constant 0 : i32
        %dma_start3A_87 = tpu.memref_slice %arg5[%dma_start3A_85, %dma_start3A_86] : memref<10000x128xf32, #tpu.memory_space<hbm>> -> memref<16x128xf32, #tpu.memory_space<hbm>>
        tpu.enqueue_dma source(%dma_start3A_87 : memref<16x128xf32, #tpu.memory_space<hbm>>) target(%dma_start3A_84 : memref<16x128xf32, #tpu.memory_space<vmem_shared>>) target_semaphore(%arg16 : memref<!tpu.dma_semaphore, #tpu.memory_space<semaphore_mem>>)
      } else {
      }
    } else {
    }
    %scan3A = arith.constant 0 : i32
    %scan3A_11 = arith.constant 0 : i32
    %scan3A_12 = arith.constant 78 : i32
    %scan3A_13 = arith.addi %scan3A_11, %scan3A_12 : i32
    %scan3A_14 = arith.constant 1 : i32
    scf.for %scan3A_73 = %scan3A_11 to %scan3A_13 step %scan3A_14  : i32 {
      %mul3A_74 = arith.constant 128 : i32
      %mul3A_75 = arith.muli %scan3A_73, %mul3A_74 : i32
      %add3A_76 = arith.addi %mul3A_2, %mul3A_75 : i32
      %dma_start3A_77 = arith.constant 0 : i32
      %dma_start3A_78 = tpu.memref_slice %arg8[%scan3A_73, %dma_start3A_77] : memref<78x128xi32, #tpu.memory_space<vmem>> -> memref<1x128xi32, #tpu.memory_space<vmem>>
      %dma_start3A_79 = tpu.memref_squeeze %dma_start3A_78 : memref<1x128xi32, #tpu.memory_space<vmem>> -> memref<128xi32, #tpu.memory_space<vmem>>
      %dma_start3A_80 = tpu.memref_slice %arg4[%add3A_76] : memref<320000xi32, #tpu.memory_space<hbm>> -> memref<128xi32, #tpu.memory_space<hbm>>
      %dma_start3A_81 = arith.constant 0 : i32
      %dma_start3A_82 = tpu.memref_slice %arg8[%scan3A_73, %dma_start3A_81] : memref<78x128xi32, #tpu.memory_space<vmem>> -> memref<1x128xi32, #tpu.memory_space<vmem>>
      %dma_start3A_83 = tpu.memref_squeeze %dma_start3A_82 : memref<1x128xi32, #tpu.memory_space<vmem>> -> memref<128xi32, #tpu.memory_space<vmem>>
      %dma_start3A_84 = tpu.memref_slice %arg4[%add3A_76] : memref<320000xi32, #tpu.memory_space<hbm>> -> memref<128xi32, #tpu.memory_space<hbm>>
      tpu.enqueue_dma source(%dma_start3A_84 : memref<128xi32, #tpu.memory_space<hbm>>) target(%dma_start3A_83 : memref<128xi32, #tpu.memory_space<vmem>>) target_semaphore(%arg18 : memref<!tpu.dma_semaphore, #tpu.memory_space<semaphore_mem>>)
    }
    %scan3A_15 = arith.constant 78 : i32
    %scan3A_16 = arith.constant 0 : i32
    %scan3A_17 = arith.constant 0 : i32
    %scan3A_18 = arith.constant 78 : i32
    %scan3A_19 = arith.addi %scan3A_17, %scan3A_18 : i32
    %scan3A_20 = arith.constant 1 : i32
    scf.for %scan3A_73 = %scan3A_17 to %scan3A_19 step %scan3A_20  : i32 {
      %mul3A_74 = arith.constant 128 : i32
      %mul3A_75 = arith.muli %scan3A_73, %mul3A_74 : i32
      %add3A_76 = arith.addi %mul3A_2, %mul3A_75 : i32
      %dma_wait3A_77 = arith.constant 0 : i32
      %dma_wait3A_78 = tpu.memref_slice %arg8[%scan3A_73, %dma_wait3A_77] : memref<78x128xi32, #tpu.memory_space<vmem>> -> memref<1x128xi32, #tpu.memory_space<vmem>>
      %dma_wait3A_79 = tpu.memref_squeeze %dma_wait3A_78 : memref<1x128xi32, #tpu.memory_space<vmem>> -> memref<128xi32, #tpu.memory_space<vmem>>
      %dma_wait3A_80 = tpu.memref_slice %arg4[%add3A_76] : memref<320000xi32, #tpu.memory_space<hbm>> -> memref<128xi32, #tpu.memory_space<hbm>>
      %dma_wait3A_81 = arith.constant 0 : i32
      %dma_wait3A_82 = tpu.memref_slice %arg8[%scan3A_73, %dma_wait3A_81] : memref<78x128xi32, #tpu.memory_space<vmem>> -> memref<1x128xi32, #tpu.memory_space<vmem>>
      %dma_wait3A_83 = tpu.memref_squeeze %dma_wait3A_82 : memref<1x128xi32, #tpu.memory_space<vmem>> -> memref<128xi32, #tpu.memory_space<vmem>>
      %dma_wait3A_84 = tpu.memref_slice %arg4[%add3A_76] : memref<320000xi32, #tpu.memory_space<hbm>> -> memref<128xi32, #tpu.memory_space<hbm>>
      tpu.wait_dma2 semaphore(%arg18 : memref<!tpu.dma_semaphore, #tpu.memory_space<semaphore_mem>>) src(%dma_wait3A_84 : memref<128xi32, #tpu.memory_space<hbm>>) dst(%dma_wait3A_83 : memref<128xi32, #tpu.memory_space<vmem>>)
    }
    %scan3A_21 = arith.constant 78 : i32
    %dma_wait3A = arith.constant 0 : i32
    %dma_wait3A_22 = tpu.memref_slice %arg7[%mul3A_4, %dma_wait3A] : memref<10000x128xf32, #tpu.memory_space<vmem_shared>> -> memref<624x128xf32, #tpu.memory_space<vmem_shared>>
    %dma_wait3A_23 = arith.constant 0 : i32
    %dma_wait3A_24 = tpu.memref_slice %arg2[%mul3A_4, %dma_wait3A_23] : memref<10000x128xf32, #tpu.memory_space<hbm>> -> memref<624x128xf32, #tpu.memory_space<hbm>>
    tpu.wait_dma2 semaphore(%arg16 : memref<!tpu.dma_semaphore, #tpu.memory_space<semaphore_mem>>) src(%dma_wait3A_24 : memref<624x128xf32, #tpu.memory_space<hbm>>) dst(%dma_wait3A_22 : memref<624x128xf32, #tpu.memory_space<vmem_shared>>)
    %eq3A_25 = arith.constant 0 : i32
    %eq3A_26 = arith.cmpi eq, %arg1, %eq3A_25 : i32
    %convert_element_type3A_27 = arith.extui %eq3A_26 : i1 to i32
    %cond3A_28 = arith.constant 0 : i32
    %cond3A_29 = arith.cmpi ne, %convert_element_type3A_27, %cond3A_28 : i32
    scf.if %cond3A_29 {
      %dma_wait3A_73 = arith.constant 9984 : i32
      %dma_wait3A_74 = arith.constant 0 : i32
      %dma_wait3A_75 = tpu.memref_slice %arg7[%dma_wait3A_73, %dma_wait3A_74] : memref<10000x128xf32, #tpu.memory_space<vmem_shared>> -> memref<16x128xf32, #tpu.memory_space<vmem_shared>>
      %dma_wait3A_76 = arith.constant 9984 : i32
      %dma_wait3A_77 = arith.constant 0 : i32
      %dma_wait3A_78 = tpu.memref_slice %arg2[%dma_wait3A_76, %dma_wait3A_77] : memref<10000x128xf32, #tpu.memory_space<hbm>> -> memref<16x128xf32, #tpu.memory_space<hbm>>
      tpu.wait_dma2 semaphore(%arg16 : memref<!tpu.dma_semaphore, #tpu.memory_space<semaphore_mem>>) src(%dma_wait3A_78 : memref<16x128xf32, #tpu.memory_space<hbm>>) dst(%dma_wait3A_75 : memref<16x128xf32, #tpu.memory_space<vmem_shared>>)
    } else {
    }
    %barrier3A = arith.constant 0 : index
    tpu.barrier barrier_id(%barrier3A)
    %add3A_30 = arith.constant 0 : i32
    %add3A_31 = arith.addi %mul3A_2, %add3A_30 : i32
    %dma_start3A = tpu.memref_slice %arg3[%add3A_31] : memref<320000xi32, #tpu.memory_space<hbm>> -> memref<128xi32, #tpu.memory_space<hbm>>
    %dma_start3A_32 = tpu.memref_slice %arg3[%add3A_31] : memref<320000xi32, #tpu.memory_space<hbm>> -> memref<128xi32, #tpu.memory_space<hbm>>
    tpu.enqueue_dma source(%dma_start3A_32 : memref<128xi32, #tpu.memory_space<hbm>>) target(%arg11 : memref<128xi32, #tpu.memory_space<vmem>>) target_semaphore(%arg18 : memref<!tpu.dma_semaphore, #tpu.memory_space<semaphore_mem>>)
    %add3A_33 = arith.constant 128 : i32
    %add3A_34 = arith.addi %mul3A_2, %add3A_33 : i32
    %dma_start3A_35 = tpu.memref_slice %arg3[%add3A_34] : memref<320000xi32, #tpu.memory_space<hbm>> -> memref<128xi32, #tpu.memory_space<hbm>>
    %dma_start3A_36 = tpu.memref_slice %arg3[%add3A_34] : memref<320000xi32, #tpu.memory_space<hbm>> -> memref<128xi32, #tpu.memory_space<hbm>>
    tpu.enqueue_dma source(%dma_start3A_36 : memref<128xi32, #tpu.memory_space<hbm>>) target(%arg12 : memref<128xi32, #tpu.memory_space<vmem>>) target_semaphore(%arg19 : memref<!tpu.dma_semaphore, #tpu.memory_space<semaphore_mem>>)
    %add3A_37 = arith.constant 0 : i32
    %add3A_38 = arith.addi %mul3A_2, %add3A_37 : i32
    %dma_wait3A_39 = tpu.memref_slice %arg3[%add3A_38] : memref<320000xi32, #tpu.memory_space<hbm>> -> memref<128xi32, #tpu.memory_space<hbm>>
    %dma_wait3A_40 = tpu.memref_slice %arg3[%add3A_38] : memref<320000xi32, #tpu.memory_space<hbm>> -> memref<128xi32, #tpu.memory_space<hbm>>
    tpu.wait_dma2 semaphore(%arg18 : memref<!tpu.dma_semaphore, #tpu.memory_space<semaphore_mem>>) src(%dma_wait3A_40 : memref<128xi32, #tpu.memory_space<hbm>>) dst(%arg11 : memref<128xi32, #tpu.memory_space<vmem>>)
    %dma_start3A_41 = arith.constant 0 : i32
    %dma_start3A_42 = arith.constant 0 : i32
    %dma_start3A_43 = tpu.memref_slice %arg2[%dma_start3A_41, %dma_start3A_42] : memref<10000x128xf32, #tpu.memory_space<hbm>> -> memref<10000x128xf32, #tpu.memory_space<hbm>>
    tpu.enqueue_indirect_dma source(%dma_start3A_43 : memref<10000x128xf32, #tpu.memory_space<hbm>>) target(%arg9 : memref<128x128xf32, #tpu.memory_space<vmem>>) offsets(%arg11 : memref<128xi32, #tpu.memory_space<vmem>>) semaphore(%arg16 : memref<!tpu.dma_semaphore, #tpu.memory_space<semaphore_mem>>)
    %scan3A_44 = arith.constant 0 : i32
    %scan3A_45 = arith.constant 0 : i32
    %scan3A_46 = arith.constant 39 : i32
    %scan3A_47 = arith.addi %scan3A_45, %scan3A_46 : i32
    %scan3A_48 = arith.constant 1 : i32
    scf.for %scan3A_73 = %scan3A_45 to %scan3A_47 step %scan3A_48  : i32 {
      %mul3A_74 = arith.constant 2 : i32
      %mul3A_75 = arith.muli %mul3A_74, %scan3A_73 : i32
      %dma_wait3A_76 = arith.constant 0 : i32
      %dma_wait3A_77 = arith.constant 0 : i32
      %dma_wait3A_78 = tpu.memref_slice %arg2[%dma_wait3A_76, %dma_wait3A_77] : memref<10000x128xf32, #tpu.memory_space<hbm>> -> memref<10000x128xf32, #tpu.memory_space<hbm>>
      tpu.wait_indirect_dma semaphore(%arg16 : memref<!tpu.dma_semaphore, #tpu.memory_space<semaphore_mem>>) src(%dma_wait3A_78 : memref<10000x128xf32, #tpu.memory_space<hbm>>) dst(%arg9 : memref<128x128xf32, #tpu.memory_space<vmem>>)
      %dma_start3A_79 = arith.constant 0 : i32
      %dma_start3A_80 = tpu.memref_slice %arg8[%mul3A_75, %dma_start3A_79] : memref<78x128xi32, #tpu.memory_space<vmem>> -> memref<1x128xi32, #tpu.memory_space<vmem>>
      %dma_start3A_81 = tpu.memref_squeeze %dma_start3A_80 : memref<1x128xi32, #tpu.memory_space<vmem>> -> memref<128xi32, #tpu.memory_space<vmem>>
      %dma_start3A_82 = arith.constant 0 : i32
      %dma_start3A_83 = arith.constant 0 : i32
      %dma_start3A_84 = tpu.memref_slice %arg7[%dma_start3A_82, %dma_start3A_83] : memref<10000x128xf32, #tpu.memory_space<vmem_shared>> -> memref<10000x128xf32, #tpu.memory_space<vmem_shared>>
      tpu.enqueue_indirect_dma source(%arg9 : memref<128x128xf32, #tpu.memory_space<vmem>>) target(%dma_start3A_84 : memref<10000x128xf32, #tpu.memory_space<vmem_shared>>) offsets(%dma_start3A_81 : memref<128xi32, #tpu.memory_space<vmem>>) semaphore(%arg20 : memref<!tpu.dma_semaphore, #tpu.memory_space<semaphore_mem>>) {add = true}
      %gt3A = arith.constant 0 : i32
      %gt3A_85 = arith.cmpi sgt, %scan3A_73, %gt3A : i32
      %convert_element_type3A_86 = arith.extui %gt3A_85 : i1 to i32
      %cond3A_87 = arith.constant 0 : i32
      %cond3A_88 = arith.cmpi ne, %convert_element_type3A_86, %cond3A_87 : i32
      scf.if %cond3A_88 {
        %sub3A = arith.constant 1 : i32
        %sub3A_136 = arith.subi %mul3A_75, %sub3A : i32
        %dma_wait3A_137 = arith.constant 0 : i32
        %dma_wait3A_138 = tpu.memref_slice %arg8[%sub3A_136, %dma_wait3A_137] : memref<78x128xi32, #tpu.memory_space<vmem>> -> memref<1x128xi32, #tpu.memory_space<vmem>>
        %dma_wait3A_139 = tpu.memref_squeeze %dma_wait3A_138 : memref<1x128xi32, #tpu.memory_space<vmem>> -> memref<128xi32, #tpu.memory_space<vmem>>
        %dma_wait3A_140 = arith.constant 0 : i32
        %dma_wait3A_141 = arith.constant 0 : i32
        %dma_wait3A_142 = tpu.memref_slice %arg7[%dma_wait3A_140, %dma_wait3A_141] : memref<10000x128xf32, #tpu.memory_space<vmem_shared>> -> memref<10000x128xf32, #tpu.memory_space<vmem_shared>>
        tpu.wait_indirect_dma semaphore(%arg21 : memref<!tpu.dma_semaphore, #tpu.memory_space<semaphore_mem>>) src(%arg10 : memref<128x128xf32, #tpu.memory_space<vmem>>) dst(%dma_wait3A_142 : memref<10000x128xf32, #tpu.memory_space<vmem_shared>>)
      } else {
      }
      %add3A_89 = arith.constant 1 : i32
      %add3A_90 = arith.addi %mul3A_75, %add3A_89 : i32
      %mul3A_91 = arith.constant 128 : i32
      %mul3A_92 = arith.muli %add3A_90, %mul3A_91 : i32
      %add3A_93 = arith.addi %mul3A_2, %mul3A_92 : i32
      %dma_wait3A_94 = tpu.memref_slice %arg3[%add3A_93] : memref<320000xi32, #tpu.memory_space<hbm>> -> memref<128xi32, #tpu.memory_space<hbm>>
      %dma_wait3A_95 = tpu.memref_slice %arg3[%add3A_93] : memref<320000xi32, #tpu.memory_space<hbm>> -> memref<128xi32, #tpu.memory_space<hbm>>
      tpu.wait_dma2 semaphore(%arg19 : memref<!tpu.dma_semaphore, #tpu.memory_space<semaphore_mem>>) src(%dma_wait3A_95 : memref<128xi32, #tpu.memory_space<hbm>>) dst(%arg12 : memref<128xi32, #tpu.memory_space<vmem>>)
      %dma_start3A_96 = arith.constant 0 : i32
      %dma_start3A_97 = arith.constant 0 : i32
      %dma_start3A_98 = tpu.memref_slice %arg2[%dma_start3A_96, %dma_start3A_97] : memref<10000x128xf32, #tpu.memory_space<hbm>> -> memref<10000x128xf32, #tpu.memory_space<hbm>>
      tpu.enqueue_indirect_dma source(%dma_start3A_98 : memref<10000x128xf32, #tpu.memory_space<hbm>>) target(%arg10 : memref<128x128xf32, #tpu.memory_space<vmem>>) offsets(%arg12 : memref<128xi32, #tpu.memory_space<vmem>>) semaphore(%arg17 : memref<!tpu.dma_semaphore, #tpu.memory_space<semaphore_mem>>)
      %add3A_99 = arith.constant 2 : i32
      %add3A_100 = arith.addi %mul3A_75, %add3A_99 : i32
      %lt3A = arith.constant 78 : i32
      %lt3A_101 = arith.cmpi slt, %add3A_100, %lt3A : i32
      %convert_element_type3A_102 = arith.extui %lt3A_101 : i1 to i32
      %cond3A_103 = arith.constant 0 : i32
      %cond3A_104 = arith.cmpi ne, %convert_element_type3A_102, %cond3A_103 : i32
      scf.if %cond3A_104 {
        %add3A_136 = arith.constant 2 : i32
        %add3A_137 = arith.addi %mul3A_75, %add3A_136 : i32
        %mul3A_138 = arith.constant 128 : i32
        %mul3A_139 = arith.muli %add3A_137, %mul3A_138 : i32
        %add3A_140 = arith.addi %mul3A_2, %mul3A_139 : i32
        %dma_start3A_141 = tpu.memref_slice %arg3[%add3A_140] : memref<320000xi32, #tpu.memory_space<hbm>> -> memref<128xi32, #tpu.memory_space<hbm>>
        %dma_start3A_142 = tpu.memref_slice %arg3[%add3A_140] : memref<320000xi32, #tpu.memory_space<hbm>> -> memref<128xi32, #tpu.memory_space<hbm>>
        tpu.enqueue_dma source(%dma_start3A_142 : memref<128xi32, #tpu.memory_space<hbm>>) target(%arg11 : memref<128xi32, #tpu.memory_space<vmem>>) target_semaphore(%arg18 : memref<!tpu.dma_semaphore, #tpu.memory_space<semaphore_mem>>)
      } else {
      }
      %dma_wait3A_105 = arith.constant 0 : i32
      %dma_wait3A_106 = arith.constant 0 : i32
      %dma_wait3A_107 = tpu.memref_slice %arg2[%dma_wait3A_105, %dma_wait3A_106] : memref<10000x128xf32, #tpu.memory_space<hbm>> -> memref<10000x128xf32, #tpu.memory_space<hbm>>
      tpu.wait_indirect_dma semaphore(%arg17 : memref<!tpu.dma_semaphore, #tpu.memory_space<semaphore_mem>>) src(%dma_wait3A_107 : memref<10000x128xf32, #tpu.memory_space<hbm>>) dst(%arg10 : memref<128x128xf32, #tpu.memory_space<vmem>>)
      %add3A_108 = arith.constant 1 : i32
      %add3A_109 = arith.addi %mul3A_75, %add3A_108 : i32
      %dma_start3A_110 = arith.constant 0 : i32
      %dma_start3A_111 = tpu.memref_slice %arg8[%add3A_109, %dma_start3A_110] : memref<78x128xi32, #tpu.memory_space<vmem>> -> memref<1x128xi32, #tpu.memory_space<vmem>>
      %dma_start3A_112 = tpu.memref_squeeze %dma_start3A_111 : memref<1x128xi32, #tpu.memory_space<vmem>> -> memref<128xi32, #tpu.memory_space<vmem>>
      %dma_start3A_113 = arith.constant 0 : i32
      %dma_start3A_114 = arith.constant 0 : i32
      %dma_start3A_115 = tpu.memref_slice %arg7[%dma_start3A_113, %dma_start3A_114] : memref<10000x128xf32, #tpu.memory_space<vmem_shared>> -> memref<10000x128xf32, #tpu.memory_space<vmem_shared>>
      tpu.enqueue_indirect_dma source(%arg10 : memref<128x128xf32, #tpu.memory_space<vmem>>) target(%dma_start3A_115 : memref<10000x128xf32, #tpu.memory_space<vmem_shared>>) offsets(%dma_start3A_112 : memref<128xi32, #tpu.memory_space<vmem>>) semaphore(%arg21 : memref<!tpu.dma_semaphore, #tpu.memory_space<semaphore_mem>>) {add = true}
      %dma_wait3A_116 = arith.constant 0 : i32
      %dma_wait3A_117 = tpu.memref_slice %arg8[%mul3A_75, %dma_wait3A_116] : memref<78x128xi32, #tpu.memory_space<vmem>> -> memref<1x128xi32, #tpu.memory_space<vmem>>
      %dma_wait3A_118 = tpu.memref_squeeze %dma_wait3A_117 : memref<1x128xi32, #tpu.memory_space<vmem>> -> memref<128xi32, #tpu.memory_space<vmem>>
      %dma_wait3A_119 = arith.constant 0 : i32
      %dma_wait3A_120 = arith.constant 0 : i32
      %dma_wait3A_121 = tpu.memref_slice %arg7[%dma_wait3A_119, %dma_wait3A_120] : memref<10000x128xf32, #tpu.memory_space<vmem_shared>> -> memref<10000x128xf32, #tpu.memory_space<vmem_shared>>
      tpu.wait_indirect_dma semaphore(%arg20 : memref<!tpu.dma_semaphore, #tpu.memory_space<semaphore_mem>>) src(%arg9 : memref<128x128xf32, #tpu.memory_space<vmem>>) dst(%dma_wait3A_121 : memref<10000x128xf32, #tpu.memory_space<vmem_shared>>)
      %add3A_122 = arith.constant 2 : i32
      %add3A_123 = arith.addi %mul3A_75, %add3A_122 : i32
      %lt3A_124 = arith.constant 78 : i32
      %lt3A_125 = arith.cmpi slt, %add3A_123, %lt3A_124 : i32
      %convert_element_type3A_126 = arith.extui %lt3A_125 : i1 to i32
      %cond3A_127 = arith.constant 0 : i32
      %cond3A_128 = arith.cmpi ne, %convert_element_type3A_126, %cond3A_127 : i32
      scf.if %cond3A_128 {
        %add3A_136 = arith.constant 2 : i32
        %add3A_137 = arith.addi %mul3A_75, %add3A_136 : i32
        %mul3A_138 = arith.constant 128 : i32
        %mul3A_139 = arith.muli %add3A_137, %mul3A_138 : i32
        %add3A_140 = arith.addi %mul3A_2, %mul3A_139 : i32
        %dma_wait3A_141 = tpu.memref_slice %arg3[%add3A_140] : memref<320000xi32, #tpu.memory_space<hbm>> -> memref<128xi32, #tpu.memory_space<hbm>>
        %dma_wait3A_142 = tpu.memref_slice %arg3[%add3A_140] : memref<320000xi32, #tpu.memory_space<hbm>> -> memref<128xi32, #tpu.memory_space<hbm>>
        tpu.wait_dma2 semaphore(%arg18 : memref<!tpu.dma_semaphore, #tpu.memory_space<semaphore_mem>>) src(%dma_wait3A_142 : memref<128xi32, #tpu.memory_space<hbm>>) dst(%arg11 : memref<128xi32, #tpu.memory_space<vmem>>)
        %dma_start3A_143 = arith.constant 0 : i32
        %dma_start3A_144 = arith.constant 0 : i32
        %dma_start3A_145 = tpu.memref_slice %arg2[%dma_start3A_143, %dma_start3A_144] : memref<10000x128xf32, #tpu.memory_space<hbm>> -> memref<10000x128xf32, #tpu.memory_space<hbm>>
        tpu.enqueue_indirect_dma source(%dma_start3A_145 : memref<10000x128xf32, #tpu.memory_space<hbm>>) target(%arg9 : memref<128x128xf32, #tpu.memory_space<vmem>>) offsets(%arg11 : memref<128xi32, #tpu.memory_space<vmem>>) semaphore(%arg16 : memref<!tpu.dma_semaphore, #tpu.memory_space<semaphore_mem>>)
      } else {
      }
      %add3A_129 = arith.constant 3 : i32
      %add3A_130 = arith.addi %mul3A_75, %add3A_129 : i32
      %lt3A_131 = arith.constant 78 : i32
      %lt3A_132 = arith.cmpi slt, %add3A_130, %lt3A_131 : i32
      %convert_element_type3A_133 = arith.extui %lt3A_132 : i1 to i32
      %cond3A_134 = arith.constant 0 : i32
      %cond3A_135 = arith.cmpi ne, %convert_element_type3A_133, %cond3A_134 : i32
      scf.if %cond3A_135 {
        %add3A_136 = arith.constant 3 : i32
        %add3A_137 = arith.addi %mul3A_75, %add3A_136 : i32
        %mul3A_138 = arith.constant 128 : i32
        %mul3A_139 = arith.muli %add3A_137, %mul3A_138 : i32
        %add3A_140 = arith.addi %mul3A_2, %mul3A_139 : i32
        %dma_start3A_141 = tpu.memref_slice %arg3[%add3A_140] : memref<320000xi32, #tpu.memory_space<hbm>> -> memref<128xi32, #tpu.memory_space<hbm>>
        %dma_start3A_142 = tpu.memref_slice %arg3[%add3A_140] : memref<320000xi32, #tpu.memory_space<hbm>> -> memref<128xi32, #tpu.memory_space<hbm>>
        tpu.enqueue_dma source(%dma_start3A_142 : memref<128xi32, #tpu.memory_space<hbm>>) target(%arg12 : memref<128xi32, #tpu.memory_space<vmem>>) target_semaphore(%arg19 : memref<!tpu.dma_semaphore, #tpu.memory_space<semaphore_mem>>)
      } else {
      }
    }
    %scan3A_49 = arith.constant 39 : i32
    %dma_wait3A_50 = arith.constant 77 : i32
    %dma_wait3A_51 = arith.constant 0 : i32
    %dma_wait3A_52 = tpu.memref_slice %arg8[%dma_wait3A_50, %dma_wait3A_51] : memref<78x128xi32, #tpu.memory_space<vmem>> -> memref<1x128xi32, #tpu.memory_space<vmem>>
    %dma_wait3A_53 = tpu.memref_squeeze %dma_wait3A_52 : memref<1x128xi32, #tpu.memory_space<vmem>> -> memref<128xi32, #tpu.memory_space<vmem>>
    %dma_wait3A_54 = arith.constant 0 : i32
    %dma_wait3A_55 = arith.constant 0 : i32
    %dma_wait3A_56 = tpu.memref_slice %arg7[%dma_wait3A_54, %dma_wait3A_55] : memref<10000x128xf32, #tpu.memory_space<vmem_shared>> -> memref<10000x128xf32, #tpu.memory_space<vmem_shared>>
    tpu.wait_indirect_dma semaphore(%arg21 : memref<!tpu.dma_semaphore, #tpu.memory_space<semaphore_mem>>) src(%arg10 : memref<128x128xf32, #tpu.memory_space<vmem>>) dst(%dma_wait3A_56 : memref<10000x128xf32, #tpu.memory_space<vmem_shared>>)
    %add3A_57 = arith.constant 9984 : i32
    %add3A_58 = arith.addi %mul3A_2, %add3A_57 : i32
    "tpu.region"() ({
      %run_scoped3A = tpu.sem_alloc : memref<!tpu.dma_semaphore, #tpu.memory_space<semaphore_mem>>
      %dma_start3A_73 = tpu.memref_slice %arg3[%add3A_58] : memref<320000xi32, #tpu.memory_space<hbm>> -> memref<16xi32, #tpu.memory_space<hbm>>
      %dma_start3A_74 = tpu.memref_slice %arg3[%add3A_58] : memref<320000xi32, #tpu.memory_space<hbm>> -> memref<16xi32, #tpu.memory_space<hbm>>
      tpu.enqueue_dma source(%dma_start3A_74 : memref<16xi32, #tpu.memory_space<hbm>>) target(%arg13 : memref<16xi32, #tpu.memory_space<vmem>>) target_semaphore(%run_scoped3A : memref<!tpu.dma_semaphore, #tpu.memory_space<semaphore_mem>>)
      %dma_wait3A_75 = tpu.memref_slice %arg3[%add3A_58] : memref<320000xi32, #tpu.memory_space<hbm>> -> memref<16xi32, #tpu.memory_space<hbm>>
      %dma_wait3A_76 = tpu.memref_slice %arg3[%add3A_58] : memref<320000xi32, #tpu.memory_space<hbm>> -> memref<16xi32, #tpu.memory_space<hbm>>
      tpu.wait_dma2 semaphore(%run_scoped3A : memref<!tpu.dma_semaphore, #tpu.memory_space<semaphore_mem>>) src(%dma_wait3A_76 : memref<16xi32, #tpu.memory_space<hbm>>) dst(%arg13 : memref<16xi32, #tpu.memory_space<vmem>>)
      tpu.yield
    }) : () -> ()
    "tpu.region"() ({
      %run_scoped3A = tpu.sem_alloc : memref<!tpu.dma_semaphore, #tpu.memory_space<semaphore_mem>>
      %dma_start3A_73 = tpu.memref_slice %arg4[%add3A_58] : memref<320000xi32, #tpu.memory_space<hbm>> -> memref<16xi32, #tpu.memory_space<hbm>>
      %dma_start3A_74 = tpu.memref_slice %arg4[%add3A_58] : memref<320000xi32, #tpu.memory_space<hbm>> -> memref<16xi32, #tpu.memory_space<hbm>>
      tpu.enqueue_dma source(%dma_start3A_74 : memref<16xi32, #tpu.memory_space<hbm>>) target(%arg14 : memref<16xi32, #tpu.memory_space<vmem>>) target_semaphore(%run_scoped3A : memref<!tpu.dma_semaphore, #tpu.memory_space<semaphore_mem>>)
      %dma_wait3A_75 = tpu.memref_slice %arg4[%add3A_58] : memref<320000xi32, #tpu.memory_space<hbm>> -> memref<16xi32, #tpu.memory_space<hbm>>
      %dma_wait3A_76 = tpu.memref_slice %arg4[%add3A_58] : memref<320000xi32, #tpu.memory_space<hbm>> -> memref<16xi32, #tpu.memory_space<hbm>>
      tpu.wait_dma2 semaphore(%run_scoped3A : memref<!tpu.dma_semaphore, #tpu.memory_space<semaphore_mem>>) src(%dma_wait3A_76 : memref<16xi32, #tpu.memory_space<hbm>>) dst(%arg14 : memref<16xi32, #tpu.memory_space<vmem>>)
      tpu.yield
    }) : () -> ()
    %dma_start3A_59 = arith.constant 0 : i32
    %dma_start3A_60 = arith.constant 0 : i32
    %dma_start3A_61 = tpu.memref_slice %arg2[%dma_start3A_59, %dma_start3A_60] : memref<10000x128xf32, #tpu.memory_space<hbm>> -> memref<10000x128xf32, #tpu.memory_space<hbm>>
    tpu.enqueue_indirect_dma source(%dma_start3A_61 : memref<10000x128xf32, #tpu.memory_space<hbm>>) target(%arg15 : memref<16x128xf32, #tpu.memory_space<vmem>>) offsets(%arg13 : memref<16xi32, #tpu.memory_space<vmem>>) semaphore(%arg16 : memref<!tpu.dma_semaphore, #tpu.memory_space<semaphore_mem>>)
    %dma_wait3A_62 = arith.constant 0 : i32
    %dma_wait3A_63 = arith.constant 0 : i32
    %dma_wait3A_64 = tpu.memref_slice %arg2[%dma_wait3A_62, %dma_wait3A_63] : memref<10000x128xf32, #tpu.memory_space<hbm>> -> memref<10000x128xf32, #tpu.memory_space<hbm>>
    tpu.wait_indirect_dma semaphore(%arg16 : memref<!tpu.dma_semaphore, #tpu.memory_space<semaphore_mem>>) src(%dma_wait3A_64 : memref<10000x128xf32, #tpu.memory_space<hbm>>) dst(%arg15 : memref<16x128xf32, #tpu.memory_space<vmem>>)
    "tpu.region"() ({
      %run_scoped3A = tpu.sem_alloc : memref<!tpu.dma_semaphore, #tpu.memory_space<semaphore_mem>>
      %dma_start3A_73 = arith.constant 0 : i32
      %dma_start3A_74 = arith.constant 0 : i32
      %dma_start3A_75 = tpu.memref_slice %arg7[%dma_start3A_73, %dma_start3A_74] : memref<10000x128xf32, #tpu.memory_space<vmem_shared>> -> memref<10000x128xf32, #tpu.memory_space<vmem_shared>>
      tpu.enqueue_indirect_dma source(%arg15 : memref<16x128xf32, #tpu.memory_space<vmem>>) target(%dma_start3A_75 : memref<10000x128xf32, #tpu.memory_space<vmem_shared>>) offsets(%arg14 : memref<16xi32, #tpu.memory_space<vmem>>) semaphore(%run_scoped3A : memref<!tpu.dma_semaphore, #tpu.memory_space<semaphore_mem>>) {add = true}
      %dma_wait3A_76 = arith.constant 0 : i32
      %dma_wait3A_77 = arith.constant 0 : i32
      %dma_wait3A_78 = tpu.memref_slice %arg7[%dma_wait3A_76, %dma_wait3A_77] : memref<10000x128xf32, #tpu.memory_space<vmem_shared>> -> memref<10000x128xf32, #tpu.memory_space<vmem_shared>>
      tpu.wait_indirect_dma semaphore(%run_scoped3A : memref<!tpu.dma_semaphore, #tpu.memory_space<semaphore_mem>>) src(%arg15 : memref<16x128xf32, #tpu.memory_space<vmem>>) dst(%dma_wait3A_78 : memref<10000x128xf32, #tpu.memory_space<vmem_shared>>)
      tpu.yield
    }) : () -> ()
    %barrier3A_65 = arith.constant 0 : index
    tpu.barrier barrier_id(%barrier3A_65)
    %mul3A_66 = arith.constant 624 : i32
    %mul3A_67 = arith.muli %arg1, %mul3A_66 : i32
    "tpu.region"() ({
      %run_scoped3A = tpu.sem_alloc : memref<!tpu.dma_semaphore, #tpu.memory_space<semaphore_mem>>
      %dma_start3A_73 = arith.constant 0 : i32
      %dma_start3A_74 = tpu.memref_slice %arg6[%arg0, %mul3A_67, %dma_start3A_73] : memref<2x10000x128xf32, #tpu.memory_space<hbm>> -> memref<1x624x128xf32, #tpu.memory_space<hbm>>
      %dma_start3A_75 = tpu.memref_squeeze %dma_start3A_74 : memref<1x624x128xf32, #tpu.memory_space<hbm>> -> memref<624x128xf32, #tpu.memory_space<hbm>>
      %dma_start3A_76 = arith.constant 0 : i32
      %dma_start3A_77 = tpu.memref_slice %arg7[%mul3A_67, %dma_start3A_76] : memref<10000x128xf32, #tpu.memory_space<vmem_shared>> -> memref<624x128xf32, #tpu.memory_space<vmem_shared>>
      tpu.enqueue_dma source(%dma_start3A_77 : memref<624x128xf32, #tpu.memory_space<vmem_shared>>) target(%dma_start3A_75 : memref<624x128xf32, #tpu.memory_space<hbm>>) target_semaphore(%run_scoped3A : memref<!tpu.dma_semaphore, #tpu.memory_space<semaphore_mem>>)
      %dma_wait3A_78 = arith.constant 0 : i32
      %dma_wait3A_79 = tpu.memref_slice %arg6[%arg0, %mul3A_67, %dma_wait3A_78] : memref<2x10000x128xf32, #tpu.memory_space<hbm>> -> memref<1x624x128xf32, #tpu.memory_space<hbm>>
      %dma_wait3A_80 = tpu.memref_squeeze %dma_wait3A_79 : memref<1x624x128xf32, #tpu.memory_space<hbm>> -> memref<624x128xf32, #tpu.memory_space<hbm>>
      %dma_wait3A_81 = arith.constant 0 : i32
      %dma_wait3A_82 = tpu.memref_slice %arg7[%mul3A_67, %dma_wait3A_81] : memref<10000x128xf32, #tpu.memory_space<vmem_shared>> -> memref<624x128xf32, #tpu.memory_space<vmem_shared>>
      tpu.wait_dma2 semaphore(%run_scoped3A : memref<!tpu.dma_semaphore, #tpu.memory_space<semaphore_mem>>) src(%dma_wait3A_82 : memref<624x128xf32, #tpu.memory_space<vmem_shared>>) dst(%dma_wait3A_80 : memref<624x128xf32, #tpu.memory_space<hbm>>)
      tpu.yield
    }) : () -> ()
    %eq3A_68 = arith.constant 0 : i32
    %eq3A_69 = arith.cmpi eq, %arg1, %eq3A_68 : i32
    %convert_element_type3A_70 = arith.extui %eq3A_69 : i1 to i32
    %cond3A_71 = arith.constant 0 : i32
    %cond3A_72 = arith.cmpi ne, %convert_element_type3A_70, %cond3A_71 : i32
    scf.if %cond3A_72 {
      "tpu.region"() ({
        %run_scoped3A = tpu.sem_alloc : memref<!tpu.dma_semaphore, #tpu.memory_space<semaphore_mem>>
        %dma_start3A_73 = arith.constant 9984 : i32
        %dma_start3A_74 = arith.constant 0 : i32
        %dma_start3A_75 = tpu.memref_slice %arg6[%arg0, %dma_start3A_73, %dma_start3A_74] : memref<2x10000x128xf32, #tpu.memory_space<hbm>> -> memref<1x16x128xf32, #tpu.memory_space<hbm>>
        %dma_start3A_76 = tpu.memref_squeeze %dma_start3A_75 : memref<1x16x128xf32, #tpu.memory_space<hbm>> -> memref<16x128xf32, #tpu.memory_space<hbm>>
        %dma_start3A_77 = arith.constant 9984 : i32
        %dma_start3A_78 = arith.constant 0 : i32
        %dma_start3A_79 = tpu.memref_slice %arg7[%dma_start3A_77, %dma_start3A_78] : memref<10000x128xf32, #tpu.memory_space<vmem_shared>> -> memref<16x128xf32, #tpu.memory_space<vmem_shared>>
        tpu.enqueue_dma source(%dma_start3A_79 : memref<16x128xf32, #tpu.memory_space<vmem_shared>>) target(%dma_start3A_76 : memref<16x128xf32, #tpu.memory_space<hbm>>) target_semaphore(%run_scoped3A : memref<!tpu.dma_semaphore, #tpu.memory_space<semaphore_mem>>)
        %dma_wait3A_80 = arith.constant 9984 : i32
        %dma_wait3A_81 = arith.constant 0 : i32
        %dma_wait3A_82 = tpu.memref_slice %arg6[%arg0, %dma_wait3A_80, %dma_wait3A_81] : memref<2x10000x128xf32, #tpu.memory_space<hbm>> -> memref<1x16x128xf32, #tpu.memory_space<hbm>>
        %dma_wait3A_83 = tpu.memref_squeeze %dma_wait3A_82 : memref<1x16x128xf32, #tpu.memory_space<hbm>> -> memref<16x128xf32, #tpu.memory_space<hbm>>
        %dma_wait3A_84 = arith.constant 9984 : i32
        %dma_wait3A_85 = arith.constant 0 : i32
        %dma_wait3A_86 = tpu.memref_slice %arg7[%dma_wait3A_84, %dma_wait3A_85] : memref<10000x128xf32, #tpu.memory_space<vmem_shared>> -> memref<16x128xf32, #tpu.memory_space<vmem_shared>>
        tpu.wait_dma2 semaphore(%run_scoped3A : memref<!tpu.dma_semaphore, #tpu.memory_space<semaphore_mem>>) src(%dma_wait3A_86 : memref<16x128xf32, #tpu.memory_space<vmem_shared>>) dst(%dma_wait3A_83 : memref<16x128xf32, #tpu.memory_space<hbm>>)
        tpu.yield
      }) : () -> ()
    } else {
    }
    return
  }
}

#map = affine_map<(d0, d1) -> (0, 0)>
#map1 = affine_map<(d0, d1) -> (0)>
#map2 = affine_map<(d0, d1) -> (0, 0, 0)>
module attributes {stable_mosaic.version = 14 : i64} {
  func.func @agg_kernel(%arg0: i32, %arg1: i32, %arg2: memref<10000x128xf32, #tpu.memory_space<hbm>>, %arg3: memref<320000xi32, #tpu.memory_space<hbm>>, %arg4: memref<320000xi32, #tpu.memory_space<hbm>>, %arg5: memref<10000x128xf32, #tpu.memory_space<hbm>>, %arg6: memref<2x10000x128xf32, #tpu.memory_space<hbm>>, %arg7: memref<10000x128xf32, #tpu.memory_space<vmem_shared>>, %arg8: memref<78x128xi32, #tpu.memory_space<vmem>>, %arg9: memref<128x128xf32, #tpu.memory_space<vmem>>, %arg10: memref<128x128xf32, #tpu.memory_space<vmem>>, %arg11: memref<128xi32, #tpu.memory_space<vmem>>, %arg12: memref<128xi32, #tpu.memory_space<vmem>>, %arg13: memref<16xi32, #tpu.memory_space<vmem>>, %arg14: memref<16xi32, #tpu.memory_space<vmem>>, %arg15: memref<16x128xf32, #tpu.memory_space<vmem>>, %arg16: memref<!tpu.dma_semaphore, #tpu.memory_space<semaphore_mem>>, %arg17: memref<!tpu.dma_semaphore, #tpu.memory_space<semaphore_mem>>, %arg18: memref<!tpu.dma_semaphore, #tpu.memory_space<semaphore_mem>>, %arg19: memref<!tpu.dma_semaphore, #tpu.memory_space<semaphore_mem>>, %arg20: memref<!tpu.dma_semaphore, #tpu.memory_space<semaphore_mem>>, %arg21: memref<!tpu.dma_semaphore, #tpu.memory_space<semaphore_mem>>) attributes {dimension_semantics = [#tpu.dimension_semantics<core_parallel>, #tpu.dimension_semantics<subcore_parallel>], iteration_bounds = array<i64: 2, 16>, scalar_prefetch = 0 : i64, scratch_operands = 15 : i64, tpu.core_type = #tpu.core_type<sc_vector_subcore>, window_params = [{transform_indices = #map}, {transform_indices = #map1}, {transform_indices = #map1}, {transform_indices = #map}, {transform_indices = #map2}]} {
    %mul3A = arith.constant 16 : i32
    %mul3A_0 = arith.muli %arg0, %mul3A : i32
    %add3A = arith.addi %mul3A_0, %arg1 : i32
    %mul3A_1 = arith.constant 10000 : i32
    %mul3A_2 = arith.muli %add3A, %mul3A_1 : i32
    %mul3A_3 = arith.constant 624 : i32
    %mul3A_4 = arith.muli %arg1, %mul3A_3 : i32
    %eq3A = arith.constant 0 : i32
    %eq3A_5 = arith.cmpi eq, %arg0, %eq3A : i32
    %convert_element_type3A = arith.extui %eq3A_5 : i1 to i32
    %cond3A = arith.constant 0 : i32
    %cond3A_6 = arith.cmpi ne, %convert_element_type3A, %cond3A : i32
    scf.if %cond3A_6 {
      %dma_start3A_73 = arith.constant 0 : i32
      %dma_start3A_74 = tpu.memref_slice %arg7[%mul3A_4, %dma_start3A_73] : memref<10000x128xf32, #tpu.memory_space<vmem_shared>> -> memref<624x128xf32, #tpu.memory_space<vmem_shared>>
      %dma_start3A_75 = arith.constant 0 : i32
      %dma_start3A_76 = tpu.memref_slice %arg2[%mul3A_4, %dma_start3A_75] : memref<10000x128xf32, #tpu.memory_space<hbm>> -> memref<624x128xf32, #tpu.memory_space<hbm>>
      tpu.enqueue_dma source(%dma_start3A_76 : memref<624x128xf32, #tpu.memory_space<hbm>>) target(%dma_start3A_74 : memref<624x128xf32, #tpu.memory_space<vmem_shared>>) target_semaphore(%arg16 : memref<!tpu.dma_semaphore, #tpu.memory_space<semaphore_mem>>)
      %eq3A_77 = arith.constant 0 : i32
      %eq3A_78 = arith.cmpi eq, %arg1, %eq3A_77 : i32
      %convert_element_type3A_79 = arith.extui %eq3A_78 : i1 to i32
      %cond3A_80 = arith.constant 0 : i32
      %cond3A_81 = arith.cmpi ne, %convert_element_type3A_79, %cond3A_80 : i32
      scf.if %cond3A_81 {
        %dma_start3A_82 = arith.constant 9984 : i32
        %dma_start3A_83 = arith.constant 0 : i32
        %dma_start3A_84 = tpu.memref_slice %arg7[%dma_start3A_82, %dma_start3A_83] : memref<10000x128xf32, #tpu.memory_space<vmem_shared>> -> memref<16x128xf32, #tpu.memory_space<vmem_shared>>
        %dma_start3A_85 = arith.constant 9984 : i32
        %dma_start3A_86 = arith.constant 0 : i32
        %dma_start3A_87 = tpu.memref_slice %arg2[%dma_start3A_85, %dma_start3A_86] : memref<10000x128xf32, #tpu.memory_space<hbm>> -> memref<16x128xf32, #tpu.memory_space<hbm>>
        tpu.enqueue_dma source(%dma_start3A_87 : memref<16x128xf32, #tpu.memory_space<hbm>>) target(%dma_start3A_84 : memref<16x128xf32, #tpu.memory_space<vmem_shared>>) target_semaphore(%arg16 : memref<!tpu.dma_semaphore, #tpu.memory_space<semaphore_mem>>)
      } else {
      }
    } else {
    }
    %ne3A = arith.constant 0 : i32
    %ne3A_7 = arith.cmpi ne, %arg0, %ne3A : i32
    %convert_element_type3A_8 = arith.extui %ne3A_7 : i1 to i32
    %cond3A_9 = arith.constant 0 : i32
    %cond3A_10 = arith.cmpi ne, %convert_element_type3A_8, %cond3A_9 : i32
    scf.if %cond3A_10 {
      %dma_start3A_73 = arith.constant 0 : i32
      %dma_start3A_74 = tpu.memref_slice %arg7[%mul3A_4, %dma_start3A_73] : memref<10000x128xf32, #tpu.memory_space<vmem_shared>> -> memref<624x128xf32, #tpu.memory_space<vmem_shared>>
      %dma_start3A_75 = arith.constant 0 : i32
      %dma_start3A_76 = tpu.memref_slice %arg5[%mul3A_4, %dma_start3A_75] : memref<10000x128xf32, #tpu.memory_space<hbm>> -> memref<624x128xf32, #tpu.memory_space<hbm>>
      tpu.enqueue_dma source(%dma_start3A_76 : memref<624x128xf32, #tpu.memory_space<hbm>>) target(%dma_start3A_74 : memref<624x128xf32, #tpu.memory_space<vmem_shared>>) target_semaphore(%arg16 : memref<!tpu.dma_semaphore, #tpu.memory_space<semaphore_mem>>)
      %eq3A_77 = arith.constant 0 : i32
      %eq3A_78 = arith.cmpi eq, %arg1, %eq3A_77 : i32
      %convert_element_type3A_79 = arith.extui %eq3A_78 : i1 to i32
      %cond3A_80 = arith.constant 0 : i32
      %cond3A_81 = arith.cmpi ne, %convert_element_type3A_79, %cond3A_80 : i32
      scf.if %cond3A_81 {
        %dma_start3A_82 = arith.constant 9984 : i32
        %dma_start3A_83 = arith.constant 0 : i32
        %dma_start3A_84 = tpu.memref_slice %arg7[%dma_start3A_82, %dma_start3A_83] : memref<10000x128xf32, #tpu.memory_space<vmem_shared>> -> memref<16x128xf32, #tpu.memory_space<vmem_shared>>
        %dma_start3A_85 = arith.constant 9984 : i32
        %dma_start3A_86 = arith.constant 0 : i32
        %dma_start3A_87 = tpu.memref_slice %arg5[%dma_start3A_85, %dma_start3A_86] : memref<10000x128xf32, #tpu.memory_space<hbm>> -> memref<16x128xf32, #tpu.memory_space<hbm>>
        tpu.enqueue_dma source(%dma_start3A_87 : memref<16x128xf32, #tpu.memory_space<hbm>>) target(%dma_start3A_84 : memref<16x128xf32, #tpu.memory_space<vmem_shared>>) target_semaphore(%arg16 : memref<!tpu.dma_semaphore, #tpu.memory_space<semaphore_mem>>)
      } else {
      }
    } else {
    }
    %scan3A = arith.constant 0 : i32
    %scan3A_11 = arith.constant 0 : i32
    %scan3A_12 = arith.constant 78 : i32
    %scan3A_13 = arith.addi %scan3A_11, %scan3A_12 : i32
    %scan3A_14 = arith.constant 1 : i32
    scf.for %scan3A_73 = %scan3A_11 to %scan3A_13 step %scan3A_14  : i32 {
      %mul3A_74 = arith.constant 128 : i32
      %mul3A_75 = arith.muli %scan3A_73, %mul3A_74 : i32
      %add3A_76 = arith.addi %mul3A_2, %mul3A_75 : i32
      %dma_start3A_77 = arith.constant 0 : i32
      %dma_start3A_78 = tpu.memref_slice %arg8[%scan3A_73, %dma_start3A_77] : memref<78x128xi32, #tpu.memory_space<vmem>> -> memref<1x128xi32, #tpu.memory_space<vmem>>
      %dma_start3A_79 = tpu.memref_squeeze %dma_start3A_78 : memref<1x128xi32, #tpu.memory_space<vmem>> -> memref<128xi32, #tpu.memory_space<vmem>>
      %dma_start3A_80 = tpu.memref_slice %arg4[%add3A_76] : memref<320000xi32, #tpu.memory_space<hbm>> -> memref<128xi32, #tpu.memory_space<hbm>>
      %dma_start3A_81 = arith.constant 0 : i32
      %dma_start3A_82 = tpu.memref_slice %arg8[%scan3A_73, %dma_start3A_81] : memref<78x128xi32, #tpu.memory_space<vmem>> -> memref<1x128xi32, #tpu.memory_space<vmem>>
      %dma_start3A_83 = tpu.memref_squeeze %dma_start3A_82 : memref<1x128xi32, #tpu.memory_space<vmem>> -> memref<128xi32, #tpu.memory_space<vmem>>
      %dma_start3A_84 = tpu.memref_slice %arg4[%add3A_76] : memref<320000xi32, #tpu.memory_space<hbm>> -> memref<128xi32, #tpu.memory_space<hbm>>
      tpu.enqueue_dma source(%dma_start3A_84 : memref<128xi32, #tpu.memory_space<hbm>>) target(%dma_start3A_83 : memref<128xi32, #tpu.memory_space<vmem>>) target_semaphore(%arg18 : memref<!tpu.dma_semaphore, #tpu.memory_space<semaphore_mem>>)
    }
    %scan3A_15 = arith.constant 78 : i32
    %scan3A_16 = arith.constant 0 : i32
    %scan3A_17 = arith.constant 0 : i32
    %scan3A_18 = arith.constant 78 : i32
    %scan3A_19 = arith.addi %scan3A_17, %scan3A_18 : i32
    %scan3A_20 = arith.constant 1 : i32
    scf.for %scan3A_73 = %scan3A_17 to %scan3A_19 step %scan3A_20  : i32 {
      %mul3A_74 = arith.constant 128 : i32
      %mul3A_75 = arith.muli %scan3A_73, %mul3A_74 : i32
      %add3A_76 = arith.addi %mul3A_2, %mul3A_75 : i32
      %dma_wait3A_77 = arith.constant 0 : i32
      %dma_wait3A_78 = tpu.memref_slice %arg8[%scan3A_73, %dma_wait3A_77] : memref<78x128xi32, #tpu.memory_space<vmem>> -> memref<1x128xi32, #tpu.memory_space<vmem>>
      %dma_wait3A_79 = tpu.memref_squeeze %dma_wait3A_78 : memref<1x128xi32, #tpu.memory_space<vmem>> -> memref<128xi32, #tpu.memory_space<vmem>>
      %dma_wait3A_80 = tpu.memref_slice %arg4[%add3A_76] : memref<320000xi32, #tpu.memory_space<hbm>> -> memref<128xi32, #tpu.memory_space<hbm>>
      %dma_wait3A_81 = arith.constant 0 : i32
      %dma_wait3A_82 = tpu.memref_slice %arg8[%scan3A_73, %dma_wait3A_81] : memref<78x128xi32, #tpu.memory_space<vmem>> -> memref<1x128xi32, #tpu.memory_space<vmem>>
      %dma_wait3A_83 = tpu.memref_squeeze %dma_wait3A_82 : memref<1x128xi32, #tpu.memory_space<vmem>> -> memref<128xi32, #tpu.memory_space<vmem>>
      %dma_wait3A_84 = tpu.memref_slice %arg4[%add3A_76] : memref<320000xi32, #tpu.memory_space<hbm>> -> memref<128xi32, #tpu.memory_space<hbm>>
      tpu.wait_dma2 semaphore(%arg18 : memref<!tpu.dma_semaphore, #tpu.memory_space<semaphore_mem>>) src(%dma_wait3A_84 : memref<128xi32, #tpu.memory_space<hbm>>) dst(%dma_wait3A_83 : memref<128xi32, #tpu.memory_space<vmem>>)
    }
    %scan3A_21 = arith.constant 78 : i32
    %dma_wait3A = arith.constant 0 : i32
    %dma_wait3A_22 = tpu.memref_slice %arg7[%mul3A_4, %dma_wait3A] : memref<10000x128xf32, #tpu.memory_space<vmem_shared>> -> memref<624x128xf32, #tpu.memory_space<vmem_shared>>
    %dma_wait3A_23 = arith.constant 0 : i32
    %dma_wait3A_24 = tpu.memref_slice %arg2[%mul3A_4, %dma_wait3A_23] : memref<10000x128xf32, #tpu.memory_space<hbm>> -> memref<624x128xf32, #tpu.memory_space<hbm>>
    tpu.wait_dma2 semaphore(%arg16 : memref<!tpu.dma_semaphore, #tpu.memory_space<semaphore_mem>>) src(%dma_wait3A_24 : memref<624x128xf32, #tpu.memory_space<hbm>>) dst(%dma_wait3A_22 : memref<624x128xf32, #tpu.memory_space<vmem_shared>>)
    %eq3A_25 = arith.constant 0 : i32
    %eq3A_26 = arith.cmpi eq, %arg1, %eq3A_25 : i32
    %convert_element_type3A_27 = arith.extui %eq3A_26 : i1 to i32
    %cond3A_28 = arith.constant 0 : i32
    %cond3A_29 = arith.cmpi ne, %convert_element_type3A_27, %cond3A_28 : i32
    scf.if %cond3A_29 {
      %dma_wait3A_73 = arith.constant 9984 : i32
      %dma_wait3A_74 = arith.constant 0 : i32
      %dma_wait3A_75 = tpu.memref_slice %arg7[%dma_wait3A_73, %dma_wait3A_74] : memref<10000x128xf32, #tpu.memory_space<vmem_shared>> -> memref<16x128xf32, #tpu.memory_space<vmem_shared>>
      %dma_wait3A_76 = arith.constant 9984 : i32
      %dma_wait3A_77 = arith.constant 0 : i32
      %dma_wait3A_78 = tpu.memref_slice %arg2[%dma_wait3A_76, %dma_wait3A_77] : memref<10000x128xf32, #tpu.memory_space<hbm>> -> memref<16x128xf32, #tpu.memory_space<hbm>>
      tpu.wait_dma2 semaphore(%arg16 : memref<!tpu.dma_semaphore, #tpu.memory_space<semaphore_mem>>) src(%dma_wait3A_78 : memref<16x128xf32, #tpu.memory_space<hbm>>) dst(%dma_wait3A_75 : memref<16x128xf32, #tpu.memory_space<vmem_shared>>)
    } else {
    }
    %barrier3A = arith.constant 0 : index
    tpu.barrier barrier_id(%barrier3A)
    %add3A_30 = arith.constant 0 : i32
    %add3A_31 = arith.addi %mul3A_2, %add3A_30 : i32
    %dma_start3A = tpu.memref_slice %arg3[%add3A_31] : memref<320000xi32, #tpu.memory_space<hbm>> -> memref<128xi32, #tpu.memory_space<hbm>>
    %dma_start3A_32 = tpu.memref_slice %arg3[%add3A_31] : memref<320000xi32, #tpu.memory_space<hbm>> -> memref<128xi32, #tpu.memory_space<hbm>>
    tpu.enqueue_dma source(%dma_start3A_32 : memref<128xi32, #tpu.memory_space<hbm>>) target(%arg11 : memref<128xi32, #tpu.memory_space<vmem>>) target_semaphore(%arg18 : memref<!tpu.dma_semaphore, #tpu.memory_space<semaphore_mem>>)
    %add3A_33 = arith.constant 128 : i32
    %add3A_34 = arith.addi %mul3A_2, %add3A_33 : i32
    %dma_start3A_35 = tpu.memref_slice %arg3[%add3A_34] : memref<320000xi32, #tpu.memory_space<hbm>> -> memref<128xi32, #tpu.memory_space<hbm>>
    %dma_start3A_36 = tpu.memref_slice %arg3[%add3A_34] : memref<320000xi32, #tpu.memory_space<hbm>> -> memref<128xi32, #tpu.memory_space<hbm>>
    tpu.enqueue_dma source(%dma_start3A_36 : memref<128xi32, #tpu.memory_space<hbm>>) target(%arg12 : memref<128xi32, #tpu.memory_space<vmem>>) target_semaphore(%arg19 : memref<!tpu.dma_semaphore, #tpu.memory_space<semaphore_mem>>)
    %add3A_37 = arith.constant 0 : i32
    %add3A_38 = arith.addi %mul3A_2, %add3A_37 : i32
    %dma_wait3A_39 = tpu.memref_slice %arg3[%add3A_38] : memref<320000xi32, #tpu.memory_space<hbm>> -> memref<128xi32, #tpu.memory_space<hbm>>
    %dma_wait3A_40 = tpu.memref_slice %arg3[%add3A_38] : memref<320000xi32, #tpu.memory_space<hbm>> -> memref<128xi32, #tpu.memory_space<hbm>>
    tpu.wait_dma2 semaphore(%arg18 : memref<!tpu.dma_semaphore, #tpu.memory_space<semaphore_mem>>) src(%dma_wait3A_40 : memref<128xi32, #tpu.memory_space<hbm>>) dst(%arg11 : memref<128xi32, #tpu.memory_space<vmem>>)
    %dma_start3A_41 = arith.constant 0 : i32
    %dma_start3A_42 = arith.constant 0 : i32
    %dma_start3A_43 = tpu.memref_slice %arg2[%dma_start3A_41, %dma_start3A_42] : memref<10000x128xf32, #tpu.memory_space<hbm>> -> memref<10000x128xf32, #tpu.memory_space<hbm>>
    tpu.enqueue_indirect_dma source(%dma_start3A_43 : memref<10000x128xf32, #tpu.memory_space<hbm>>) target(%arg9 : memref<128x128xf32, #tpu.memory_space<vmem>>) offsets(%arg11 : memref<128xi32, #tpu.memory_space<vmem>>) semaphore(%arg16 : memref<!tpu.dma_semaphore, #tpu.memory_space<semaphore_mem>>)
    %scan3A_44 = arith.constant 0 : i32
    %scan3A_45 = arith.constant 0 : i32
    %scan3A_46 = arith.constant 39 : i32
    %scan3A_47 = arith.addi %scan3A_45, %scan3A_46 : i32
    %scan3A_48 = arith.constant 1 : i32
    scf.for %scan3A_73 = %scan3A_45 to %scan3A_47 step %scan3A_48  : i32 {
      %mul3A_74 = arith.constant 2 : i32
      %mul3A_75 = arith.muli %mul3A_74, %scan3A_73 : i32
      %dma_wait3A_76 = arith.constant 0 : i32
      %dma_wait3A_77 = arith.constant 0 : i32
      %dma_wait3A_78 = tpu.memref_slice %arg2[%dma_wait3A_76, %dma_wait3A_77] : memref<10000x128xf32, #tpu.memory_space<hbm>> -> memref<10000x128xf32, #tpu.memory_space<hbm>>
      tpu.wait_indirect_dma semaphore(%arg16 : memref<!tpu.dma_semaphore, #tpu.memory_space<semaphore_mem>>) src(%dma_wait3A_78 : memref<10000x128xf32, #tpu.memory_space<hbm>>) dst(%arg9 : memref<128x128xf32, #tpu.memory_space<vmem>>)
      %dma_start3A_79 = arith.constant 0 : i32
      %dma_start3A_80 = tpu.memref_slice %arg8[%mul3A_75, %dma_start3A_79] : memref<78x128xi32, #tpu.memory_space<vmem>> -> memref<1x128xi32, #tpu.memory_space<vmem>>
      %dma_start3A_81 = tpu.memref_squeeze %dma_start3A_80 : memref<1x128xi32, #tpu.memory_space<vmem>> -> memref<128xi32, #tpu.memory_space<vmem>>
      %dma_start3A_82 = arith.constant 0 : i32
      %dma_start3A_83 = arith.constant 0 : i32
      %dma_start3A_84 = tpu.memref_slice %arg7[%dma_start3A_82, %dma_start3A_83] : memref<10000x128xf32, #tpu.memory_space<vmem_shared>> -> memref<10000x128xf32, #tpu.memory_space<vmem_shared>>
      tpu.enqueue_indirect_dma source(%arg9 : memref<128x128xf32, #tpu.memory_space<vmem>>) target(%dma_start3A_84 : memref<10000x128xf32, #tpu.memory_space<vmem_shared>>) offsets(%dma_start3A_81 : memref<128xi32, #tpu.memory_space<vmem>>) semaphore(%arg20 : memref<!tpu.dma_semaphore, #tpu.memory_space<semaphore_mem>>) {add = true}
      %gt3A = arith.constant 0 : i32
      %gt3A_85 = arith.cmpi sgt, %scan3A_73, %gt3A : i32
      %convert_element_type3A_86 = arith.extui %gt3A_85 : i1 to i32
      %cond3A_87 = arith.constant 0 : i32
      %cond3A_88 = arith.cmpi ne, %convert_element_type3A_86, %cond3A_87 : i32
      scf.if %cond3A_88 {
        %sub3A = arith.constant 1 : i32
        %sub3A_136 = arith.subi %mul3A_75, %sub3A : i32
        %dma_wait3A_137 = arith.constant 0 : i32
        %dma_wait3A_138 = tpu.memref_slice %arg8[%sub3A_136, %dma_wait3A_137] : memref<78x128xi32, #tpu.memory_space<vmem>> -> memref<1x128xi32, #tpu.memory_space<vmem>>
        %dma_wait3A_139 = tpu.memref_squeeze %dma_wait3A_138 : memref<1x128xi32, #tpu.memory_space<vmem>> -> memref<128xi32, #tpu.memory_space<vmem>>
        %dma_wait3A_140 = arith.constant 0 : i32
        %dma_wait3A_141 = arith.constant 0 : i32
        %dma_wait3A_142 = tpu.memref_slice %arg7[%dma_wait3A_140, %dma_wait3A_141] : memref<10000x128xf32, #tpu.memory_space<vmem_shared>> -> memref<10000x128xf32, #tpu.memory_space<vmem_shared>>
        tpu.wait_indirect_dma semaphore(%arg21 : memref<!tpu.dma_semaphore, #tpu.memory_space<semaphore_mem>>) src(%arg10 : memref<128x128xf32, #tpu.memory_space<vmem>>) dst(%dma_wait3A_142 : memref<10000x128xf32, #tpu.memory_space<vmem_shared>>)
      } else {
      }
      %add3A_89 = arith.constant 1 : i32
      %add3A_90 = arith.addi %mul3A_75, %add3A_89 : i32
      %mul3A_91 = arith.constant 128 : i32
      %mul3A_92 = arith.muli %add3A_90, %mul3A_91 : i32
      %add3A_93 = arith.addi %mul3A_2, %mul3A_92 : i32
      %dma_wait3A_94 = tpu.memref_slice %arg3[%add3A_93] : memref<320000xi32, #tpu.memory_space<hbm>> -> memref<128xi32, #tpu.memory_space<hbm>>
      %dma_wait3A_95 = tpu.memref_slice %arg3[%add3A_93] : memref<320000xi32, #tpu.memory_space<hbm>> -> memref<128xi32, #tpu.memory_space<hbm>>
      tpu.wait_dma2 semaphore(%arg19 : memref<!tpu.dma_semaphore, #tpu.memory_space<semaphore_mem>>) src(%dma_wait3A_95 : memref<128xi32, #tpu.memory_space<hbm>>) dst(%arg12 : memref<128xi32, #tpu.memory_space<vmem>>)
      %dma_start3A_96 = arith.constant 0 : i32
      %dma_start3A_97 = arith.constant 0 : i32
      %dma_start3A_98 = tpu.memref_slice %arg2[%dma_start3A_96, %dma_start3A_97] : memref<10000x128xf32, #tpu.memory_space<hbm>> -> memref<10000x128xf32, #tpu.memory_space<hbm>>
      tpu.enqueue_indirect_dma source(%dma_start3A_98 : memref<10000x128xf32, #tpu.memory_space<hbm>>) target(%arg10 : memref<128x128xf32, #tpu.memory_space<vmem>>) offsets(%arg12 : memref<128xi32, #tpu.memory_space<vmem>>) semaphore(%arg17 : memref<!tpu.dma_semaphore, #tpu.memory_space<semaphore_mem>>)
      %add3A_99 = arith.constant 2 : i32
      %add3A_100 = arith.addi %mul3A_75, %add3A_99 : i32
      %lt3A = arith.constant 78 : i32
      %lt3A_101 = arith.cmpi slt, %add3A_100, %lt3A : i32
      %convert_element_type3A_102 = arith.extui %lt3A_101 : i1 to i32
      %cond3A_103 = arith.constant 0 : i32
      %cond3A_104 = arith.cmpi ne, %convert_element_type3A_102, %cond3A_103 : i32
      scf.if %cond3A_104 {
        %add3A_136 = arith.constant 2 : i32
        %add3A_137 = arith.addi %mul3A_75, %add3A_136 : i32
        %mul3A_138 = arith.constant 128 : i32
        %mul3A_139 = arith.muli %add3A_137, %mul3A_138 : i32
        %add3A_140 = arith.addi %mul3A_2, %mul3A_139 : i32
        %dma_start3A_141 = tpu.memref_slice %arg3[%add3A_140] : memref<320000xi32, #tpu.memory_space<hbm>> -> memref<128xi32, #tpu.memory_space<hbm>>
        %dma_start3A_142 = tpu.memref_slice %arg3[%add3A_140] : memref<320000xi32, #tpu.memory_space<hbm>> -> memref<128xi32, #tpu.memory_space<hbm>>
        tpu.enqueue_dma source(%dma_start3A_142 : memref<128xi32, #tpu.memory_space<hbm>>) target(%arg11 : memref<128xi32, #tpu.memory_space<vmem>>) target_semaphore(%arg18 : memref<!tpu.dma_semaphore, #tpu.memory_space<semaphore_mem>>)
      } else {
      }
      %dma_wait3A_105 = arith.constant 0 : i32
      %dma_wait3A_106 = arith.constant 0 : i32
      %dma_wait3A_107 = tpu.memref_slice %arg2[%dma_wait3A_105, %dma_wait3A_106] : memref<10000x128xf32, #tpu.memory_space<hbm>> -> memref<10000x128xf32, #tpu.memory_space<hbm>>
      tpu.wait_indirect_dma semaphore(%arg17 : memref<!tpu.dma_semaphore, #tpu.memory_space<semaphore_mem>>) src(%dma_wait3A_107 : memref<10000x128xf32, #tpu.memory_space<hbm>>) dst(%arg10 : memref<128x128xf32, #tpu.memory_space<vmem>>)
      %add3A_108 = arith.constant 1 : i32
      %add3A_109 = arith.addi %mul3A_75, %add3A_108 : i32
      %dma_start3A_110 = arith.constant 0 : i32
      %dma_start3A_111 = tpu.memref_slice %arg8[%add3A_109, %dma_start3A_110] : memref<78x128xi32, #tpu.memory_space<vmem>> -> memref<1x128xi32, #tpu.memory_space<vmem>>
      %dma_start3A_112 = tpu.memref_squeeze %dma_start3A_111 : memref<1x128xi32, #tpu.memory_space<vmem>> -> memref<128xi32, #tpu.memory_space<vmem>>
      %dma_start3A_113 = arith.constant 0 : i32
      %dma_start3A_114 = arith.constant 0 : i32
      %dma_start3A_115 = tpu.memref_slice %arg7[%dma_start3A_113, %dma_start3A_114] : memref<10000x128xf32, #tpu.memory_space<vmem_shared>> -> memref<10000x128xf32, #tpu.memory_space<vmem_shared>>
      tpu.enqueue_indirect_dma source(%arg10 : memref<128x128xf32, #tpu.memory_space<vmem>>) target(%dma_start3A_115 : memref<10000x128xf32, #tpu.memory_space<vmem_shared>>) offsets(%dma_start3A_112 : memref<128xi32, #tpu.memory_space<vmem>>) semaphore(%arg21 : memref<!tpu.dma_semaphore, #tpu.memory_space<semaphore_mem>>) {add = true}
      %dma_wait3A_116 = arith.constant 0 : i32
      %dma_wait3A_117 = tpu.memref_slice %arg8[%mul3A_75, %dma_wait3A_116] : memref<78x128xi32, #tpu.memory_space<vmem>> -> memref<1x128xi32, #tpu.memory_space<vmem>>
      %dma_wait3A_118 = tpu.memref_squeeze %dma_wait3A_117 : memref<1x128xi32, #tpu.memory_space<vmem>> -> memref<128xi32, #tpu.memory_space<vmem>>
      %dma_wait3A_119 = arith.constant 0 : i32
      %dma_wait3A_120 = arith.constant 0 : i32
      %dma_wait3A_121 = tpu.memref_slice %arg7[%dma_wait3A_119, %dma_wait3A_120] : memref<10000x128xf32, #tpu.memory_space<vmem_shared>> -> memref<10000x128xf32, #tpu.memory_space<vmem_shared>>
      tpu.wait_indirect_dma semaphore(%arg20 : memref<!tpu.dma_semaphore, #tpu.memory_space<semaphore_mem>>) src(%arg9 : memref<128x128xf32, #tpu.memory_space<vmem>>) dst(%dma_wait3A_121 : memref<10000x128xf32, #tpu.memory_space<vmem_shared>>)
      %add3A_122 = arith.constant 2 : i32
      %add3A_123 = arith.addi %mul3A_75, %add3A_122 : i32
      %lt3A_124 = arith.constant 78 : i32
      %lt3A_125 = arith.cmpi slt, %add3A_123, %lt3A_124 : i32
      %convert_element_type3A_126 = arith.extui %lt3A_125 : i1 to i32
      %cond3A_127 = arith.constant 0 : i32
      %cond3A_128 = arith.cmpi ne, %convert_element_type3A_126, %cond3A_127 : i32
      scf.if %cond3A_128 {
        %add3A_136 = arith.constant 2 : i32
        %add3A_137 = arith.addi %mul3A_75, %add3A_136 : i32
        %mul3A_138 = arith.constant 128 : i32
        %mul3A_139 = arith.muli %add3A_137, %mul3A_138 : i32
        %add3A_140 = arith.addi %mul3A_2, %mul3A_139 : i32
        %dma_wait3A_141 = tpu.memref_slice %arg3[%add3A_140] : memref<320000xi32, #tpu.memory_space<hbm>> -> memref<128xi32, #tpu.memory_space<hbm>>
        %dma_wait3A_142 = tpu.memref_slice %arg3[%add3A_140] : memref<320000xi32, #tpu.memory_space<hbm>> -> memref<128xi32, #tpu.memory_space<hbm>>
        tpu.wait_dma2 semaphore(%arg18 : memref<!tpu.dma_semaphore, #tpu.memory_space<semaphore_mem>>) src(%dma_wait3A_142 : memref<128xi32, #tpu.memory_space<hbm>>) dst(%arg11 : memref<128xi32, #tpu.memory_space<vmem>>)
        %dma_start3A_143 = arith.constant 0 : i32
        %dma_start3A_144 = arith.constant 0 : i32
        %dma_start3A_145 = tpu.memref_slice %arg2[%dma_start3A_143, %dma_start3A_144] : memref<10000x128xf32, #tpu.memory_space<hbm>> -> memref<10000x128xf32, #tpu.memory_space<hbm>>
        tpu.enqueue_indirect_dma source(%dma_start3A_145 : memref<10000x128xf32, #tpu.memory_space<hbm>>) target(%arg9 : memref<128x128xf32, #tpu.memory_space<vmem>>) offsets(%arg11 : memref<128xi32, #tpu.memory_space<vmem>>) semaphore(%arg16 : memref<!tpu.dma_semaphore, #tpu.memory_space<semaphore_mem>>)
      } else {
      }
      %add3A_129 = arith.constant 3 : i32
      %add3A_130 = arith.addi %mul3A_75, %add3A_129 : i32
      %lt3A_131 = arith.constant 78 : i32
      %lt3A_132 = arith.cmpi slt, %add3A_130, %lt3A_131 : i32
      %convert_element_type3A_133 = arith.extui %lt3A_132 : i1 to i32
      %cond3A_134 = arith.constant 0 : i32
      %cond3A_135 = arith.cmpi ne, %convert_element_type3A_133, %cond3A_134 : i32
      scf.if %cond3A_135 {
        %add3A_136 = arith.constant 3 : i32
        %add3A_137 = arith.addi %mul3A_75, %add3A_136 : i32
        %mul3A_138 = arith.constant 128 : i32
        %mul3A_139 = arith.muli %add3A_137, %mul3A_138 : i32
        %add3A_140 = arith.addi %mul3A_2, %mul3A_139 : i32
        %dma_start3A_141 = tpu.memref_slice %arg3[%add3A_140] : memref<320000xi32, #tpu.memory_space<hbm>> -> memref<128xi32, #tpu.memory_space<hbm>>
        %dma_start3A_142 = tpu.memref_slice %arg3[%add3A_140] : memref<320000xi32, #tpu.memory_space<hbm>> -> memref<128xi32, #tpu.memory_space<hbm>>
        tpu.enqueue_dma source(%dma_start3A_142 : memref<128xi32, #tpu.memory_space<hbm>>) target(%arg12 : memref<128xi32, #tpu.memory_space<vmem>>) target_semaphore(%arg19 : memref<!tpu.dma_semaphore, #tpu.memory_space<semaphore_mem>>)
      } else {
      }
    }
    %scan3A_49 = arith.constant 39 : i32
    %dma_wait3A_50 = arith.constant 77 : i32
    %dma_wait3A_51 = arith.constant 0 : i32
    %dma_wait3A_52 = tpu.memref_slice %arg8[%dma_wait3A_50, %dma_wait3A_51] : memref<78x128xi32, #tpu.memory_space<vmem>> -> memref<1x128xi32, #tpu.memory_space<vmem>>
    %dma_wait3A_53 = tpu.memref_squeeze %dma_wait3A_52 : memref<1x128xi32, #tpu.memory_space<vmem>> -> memref<128xi32, #tpu.memory_space<vmem>>
    %dma_wait3A_54 = arith.constant 0 : i32
    %dma_wait3A_55 = arith.constant 0 : i32
    %dma_wait3A_56 = tpu.memref_slice %arg7[%dma_wait3A_54, %dma_wait3A_55] : memref<10000x128xf32, #tpu.memory_space<vmem_shared>> -> memref<10000x128xf32, #tpu.memory_space<vmem_shared>>
    tpu.wait_indirect_dma semaphore(%arg21 : memref<!tpu.dma_semaphore, #tpu.memory_space<semaphore_mem>>) src(%arg10 : memref<128x128xf32, #tpu.memory_space<vmem>>) dst(%dma_wait3A_56 : memref<10000x128xf32, #tpu.memory_space<vmem_shared>>)
    %add3A_57 = arith.constant 9984 : i32
    %add3A_58 = arith.addi %mul3A_2, %add3A_57 : i32
    "tpu.region"() ({
      %run_scoped3A = tpu.sem_alloc : memref<!tpu.dma_semaphore, #tpu.memory_space<semaphore_mem>>
      %dma_start3A_73 = tpu.memref_slice %arg3[%add3A_58] : memref<320000xi32, #tpu.memory_space<hbm>> -> memref<16xi32, #tpu.memory_space<hbm>>
      %dma_start3A_74 = tpu.memref_slice %arg3[%add3A_58] : memref<320000xi32, #tpu.memory_space<hbm>> -> memref<16xi32, #tpu.memory_space<hbm>>
      tpu.enqueue_dma source(%dma_start3A_74 : memref<16xi32, #tpu.memory_space<hbm>>) target(%arg13 : memref<16xi32, #tpu.memory_space<vmem>>) target_semaphore(%run_scoped3A : memref<!tpu.dma_semaphore, #tpu.memory_space<semaphore_mem>>)
      %dma_wait3A_75 = tpu.memref_slice %arg3[%add3A_58] : memref<320000xi32, #tpu.memory_space<hbm>> -> memref<16xi32, #tpu.memory_space<hbm>>
      %dma_wait3A_76 = tpu.memref_slice %arg3[%add3A_58] : memref<320000xi32, #tpu.memory_space<hbm>> -> memref<16xi32, #tpu.memory_space<hbm>>
      tpu.wait_dma2 semaphore(%run_scoped3A : memref<!tpu.dma_semaphore, #tpu.memory_space<semaphore_mem>>) src(%dma_wait3A_76 : memref<16xi32, #tpu.memory_space<hbm>>) dst(%arg13 : memref<16xi32, #tpu.memory_space<vmem>>)
      tpu.yield
    }) : () -> ()
    "tpu.region"() ({
      %run_scoped3A = tpu.sem_alloc : memref<!tpu.dma_semaphore, #tpu.memory_space<semaphore_mem>>
      %dma_start3A_73 = tpu.memref_slice %arg4[%add3A_58] : memref<320000xi32, #tpu.memory_space<hbm>> -> memref<16xi32, #tpu.memory_space<hbm>>
      %dma_start3A_74 = tpu.memref_slice %arg4[%add3A_58] : memref<320000xi32, #tpu.memory_space<hbm>> -> memref<16xi32, #tpu.memory_space<hbm>>
      tpu.enqueue_dma source(%dma_start3A_74 : memref<16xi32, #tpu.memory_space<hbm>>) target(%arg14 : memref<16xi32, #tpu.memory_space<vmem>>) target_semaphore(%run_scoped3A : memref<!tpu.dma_semaphore, #tpu.memory_space<semaphore_mem>>)
      %dma_wait3A_75 = tpu.memref_slice %arg4[%add3A_58] : memref<320000xi32, #tpu.memory_space<hbm>> -> memref<16xi32, #tpu.memory_space<hbm>>
      %dma_wait3A_76 = tpu.memref_slice %arg4[%add3A_58] : memref<320000xi32, #tpu.memory_space<hbm>> -> memref<16xi32, #tpu.memory_space<hbm>>
      tpu.wait_dma2 semaphore(%run_scoped3A : memref<!tpu.dma_semaphore, #tpu.memory_space<semaphore_mem>>) src(%dma_wait3A_76 : memref<16xi32, #tpu.memory_space<hbm>>) dst(%arg14 : memref<16xi32, #tpu.memory_space<vmem>>)
      tpu.yield
    }) : () -> ()
    %dma_start3A_59 = arith.constant 0 : i32
    %dma_start3A_60 = arith.constant 0 : i32
    %dma_start3A_61 = tpu.memref_slice %arg2[%dma_start3A_59, %dma_start3A_60] : memref<10000x128xf32, #tpu.memory_space<hbm>> -> memref<10000x128xf32, #tpu.memory_space<hbm>>
    tpu.enqueue_indirect_dma source(%dma_start3A_61 : memref<10000x128xf32, #tpu.memory_space<hbm>>) target(%arg15 : memref<16x128xf32, #tpu.memory_space<vmem>>) offsets(%arg13 : memref<16xi32, #tpu.memory_space<vmem>>) semaphore(%arg16 : memref<!tpu.dma_semaphore, #tpu.memory_space<semaphore_mem>>)
    %dma_wait3A_62 = arith.constant 0 : i32
    %dma_wait3A_63 = arith.constant 0 : i32
    %dma_wait3A_64 = tpu.memref_slice %arg2[%dma_wait3A_62, %dma_wait3A_63] : memref<10000x128xf32, #tpu.memory_space<hbm>> -> memref<10000x128xf32, #tpu.memory_space<hbm>>
    tpu.wait_indirect_dma semaphore(%arg16 : memref<!tpu.dma_semaphore, #tpu.memory_space<semaphore_mem>>) src(%dma_wait3A_64 : memref<10000x128xf32, #tpu.memory_space<hbm>>) dst(%arg15 : memref<16x128xf32, #tpu.memory_space<vmem>>)
    "tpu.region"() ({
      %run_scoped3A = tpu.sem_alloc : memref<!tpu.dma_semaphore, #tpu.memory_space<semaphore_mem>>
      %dma_start3A_73 = arith.constant 0 : i32
      %dma_start3A_74 = arith.constant 0 : i32
      %dma_start3A_75 = tpu.memref_slice %arg7[%dma_start3A_73, %dma_start3A_74] : memref<10000x128xf32, #tpu.memory_space<vmem_shared>> -> memref<10000x128xf32, #tpu.memory_space<vmem_shared>>
      tpu.enqueue_indirect_dma source(%arg15 : memref<16x128xf32, #tpu.memory_space<vmem>>) target(%dma_start3A_75 : memref<10000x128xf32, #tpu.memory_space<vmem_shared>>) offsets(%arg14 : memref<16xi32, #tpu.memory_space<vmem>>) semaphore(%run_scoped3A : memref<!tpu.dma_semaphore, #tpu.memory_space<semaphore_mem>>) {add = true}
      %dma_wait3A_76 = arith.constant 0 : i32
      %dma_wait3A_77 = arith.constant 0 : i32
      %dma_wait3A_78 = tpu.memref_slice %arg7[%dma_wait3A_76, %dma_wait3A_77] : memref<10000x128xf32, #tpu.memory_space<vmem_shared>> -> memref<10000x128xf32, #tpu.memory_space<vmem_shared>>
      tpu.wait_indirect_dma semaphore(%run_scoped3A : memref<!tpu.dma_semaphore, #tpu.memory_space<semaphore_mem>>) src(%arg15 : memref<16x128xf32, #tpu.memory_space<vmem>>) dst(%dma_wait3A_78 : memref<10000x128xf32, #tpu.memory_space<vmem_shared>>)
      tpu.yield
    }) : () -> ()
    %barrier3A_65 = arith.constant 0 : index
    tpu.barrier barrier_id(%barrier3A_65)
    %mul3A_66 = arith.constant 624 : i32
    %mul3A_67 = arith.muli %arg1, %mul3A_66 : i32
    "tpu.region"() ({
      %run_scoped3A = tpu.sem_alloc : memref<!tpu.dma_semaphore, #tpu.memory_space<semaphore_mem>>
      %dma_start3A_73 = arith.constant 0 : i32
      %dma_start3A_74 = tpu.memref_slice %arg6[%arg0, %mul3A_67, %dma_start3A_73] : memref<2x10000x128xf32, #tpu.memory_space<hbm>> -> memref<1x624x128xf32, #tpu.memory_space<hbm>>
      %dma_start3A_75 = tpu.memref_squeeze %dma_start3A_74 : memref<1x624x128xf32, #tpu.memory_space<hbm>> -> memref<624x128xf32, #tpu.memory_space<hbm>>
      %dma_start3A_76 = arith.constant 0 : i32
      %dma_start3A_77 = tpu.memref_slice %arg7[%mul3A_67, %dma_start3A_76] : memref<10000x128xf32, #tpu.memory_space<vmem_shared>> -> memref<624x128xf32, #tpu.memory_space<vmem_shared>>
      tpu.enqueue_dma source(%dma_start3A_77 : memref<624x128xf32, #tpu.memory_space<vmem_shared>>) target(%dma_start3A_75 : memref<624x128xf32, #tpu.memory_space<hbm>>) target_semaphore(%run_scoped3A : memref<!tpu.dma_semaphore, #tpu.memory_space<semaphore_mem>>)
      %dma_wait3A_78 = arith.constant 0 : i32
      %dma_wait3A_79 = tpu.memref_slice %arg6[%arg0, %mul3A_67, %dma_wait3A_78] : memref<2x10000x128xf32, #tpu.memory_space<hbm>> -> memref<1x624x128xf32, #tpu.memory_space<hbm>>
      %dma_wait3A_80 = tpu.memref_squeeze %dma_wait3A_79 : memref<1x624x128xf32, #tpu.memory_space<hbm>> -> memref<624x128xf32, #tpu.memory_space<hbm>>
      %dma_wait3A_81 = arith.constant 0 : i32
      %dma_wait3A_82 = tpu.memref_slice %arg7[%mul3A_67, %dma_wait3A_81] : memref<10000x128xf32, #tpu.memory_space<vmem_shared>> -> memref<624x128xf32, #tpu.memory_space<vmem_shared>>
      tpu.wait_dma2 semaphore(%run_scoped3A : memref<!tpu.dma_semaphore, #tpu.memory_space<semaphore_mem>>) src(%dma_wait3A_82 : memref<624x128xf32, #tpu.memory_space<vmem_shared>>) dst(%dma_wait3A_80 : memref<624x128xf32, #tpu.memory_space<hbm>>)
      tpu.yield
    }) : () -> ()
    %eq3A_68 = arith.constant 0 : i32
    %eq3A_69 = arith.cmpi eq, %arg1, %eq3A_68 : i32
    %convert_element_type3A_70 = arith.extui %eq3A_69 : i1 to i32
    %cond3A_71 = arith.constant 0 : i32
    %cond3A_72 = arith.cmpi ne, %convert_element_type3A_70, %cond3A_71 : i32
    scf.if %cond3A_72 {
      "tpu.region"() ({
        %run_scoped3A = tpu.sem_alloc : memref<!tpu.dma_semaphore, #tpu.memory_space<semaphore_mem>>
        %dma_start3A_73 = arith.constant 9984 : i32
        %dma_start3A_74 = arith.constant 0 : i32
        %dma_start3A_75 = tpu.memref_slice %arg6[%arg0, %dma_start3A_73, %dma_start3A_74] : memref<2x10000x128xf32, #tpu.memory_space<hbm>> -> memref<1x16x128xf32, #tpu.memory_space<hbm>>
        %dma_start3A_76 = tpu.memref_squeeze %dma_start3A_75 : memref<1x16x128xf32, #tpu.memory_space<hbm>> -> memref<16x128xf32, #tpu.memory_space<hbm>>
        %dma_start3A_77 = arith.constant 9984 : i32
        %dma_start3A_78 = arith.constant 0 : i32
        %dma_start3A_79 = tpu.memref_slice %arg7[%dma_start3A_77, %dma_start3A_78] : memref<10000x128xf32, #tpu.memory_space<vmem_shared>> -> memref<16x128xf32, #tpu.memory_space<vmem_shared>>
        tpu.enqueue_dma source(%dma_start3A_79 : memref<16x128xf32, #tpu.memory_space<vmem_shared>>) target(%dma_start3A_76 : memref<16x128xf32, #tpu.memory_space<hbm>>) target_semaphore(%run_scoped3A : memref<!tpu.dma_semaphore, #tpu.memory_space<semaphore_mem>>)
        %dma_wait3A_80 = arith.constant 9984 : i32
        %dma_wait3A_81 = arith.constant 0 : i32
        %dma_wait3A_82 = tpu.memref_slice %arg6[%arg0, %dma_wait3A_80, %dma_wait3A_81] : memref<2x10000x128xf32, #tpu.memory_space<hbm>> -> memref<1x16x128xf32, #tpu.memory_space<hbm>>
        %dma_wait3A_83 = tpu.memref_squeeze %dma_wait3A_82 : memref<1x16x128xf32, #tpu.memory_space<hbm>> -> memref<16x128xf32, #tpu.memory_space<hbm>>
        %dma_wait3A_84 = arith.constant 9984 : i32
        %dma_wait3A_85 = arith.constant 0 : i32
        %dma_wait3A_86 = tpu.memref_slice %arg7[%dma_wait3A_84, %dma_wait3A_85] : memref<10000x128xf32, #tpu.memory_space<vmem_shared>> -> memref<16x128xf32, #tpu.memory_space<vmem_shared>>
        tpu.wait_dma2 semaphore(%run_scoped3A : memref<!tpu.dma_semaphore, #tpu.memory_space<semaphore_mem>>) src(%dma_wait3A_86 : memref<16x128xf32, #tpu.memory_space<vmem_shared>>) dst(%dma_wait3A_83 : memref<16x128xf32, #tpu.memory_space<hbm>>)
        tpu.yield
      }) : () -> ()
    } else {
    }
    return
  }
}

module attributes {stable_mosaic.version = 14 : i64} {
  func.func @body(%arg0: i32, %arg1: memref<1000x128xf32, #tpu.memory_space<vmem>>, %arg2: memref<128x128xf32, #tpu.memory_space<vmem>>, %arg3: memref<1000x128xf32, #tpu.memory_space<vmem>>) attributes {dimension_semantics = [#tpu.dimension_semantics<arbitrary>], iteration_bounds = array<i64: 10>, scalar_prefetch = 0 : i64, scratch_operands = 0 : i64, tpu.core_type = #tpu.core_type<tc>, window_params = [{transform_indices = @transform_0, window_bounds = array<i64: 1000, 128>}, {pipeline_mode = #tpu.pipeline_mode<synchronous>, transform_indices = @transform_1, window_bounds = array<i64: 128, 128>}, {transform_indices = @transform_2, window_bounds = array<i64: 1000, 128>}]} {
    %get3A = arith.constant 0 : index
    %get3A_0 = arith.constant 0 : index
    %get3A_1 = vector.load %arg1[%get3A, %get3A_0] : memref<1000x128xf32, #tpu.memory_space<vmem>>, vector<1000x128xf32>
    %get3A_2 = arith.constant 0 : index
    %get3A_3 = arith.constant 0 : index
    %get3A_4 = vector.load %arg2[%get3A_2, %get3A_3] : memref<128x128xf32, #tpu.memory_space<vmem>>, vector<128x128xf32>
    %dot_general3A = arith.constant dense<0.000000e+00> : vector<1000x128xf32>
    %dot_general3A_5 = tpu.matmul %get3A_1, %get3A_4, %dot_general3A {dimension_numbers = #tpu.dot_dimension_numbers<[1], [0], [0], [1], [0, 0, 1, 1], [], []>, transpose_lhs_hint = false} : vector<1000x128xf32>, vector<128x128xf32>, vector<1000x128xf32> -> vector<1000x128xf32>
    %swap3A = arith.constant 0 : index
    %swap3A_6 = arith.constant 0 : index
    %swap3A_7 = vector.load %arg3[%swap3A, %swap3A_6] : memref<1000x128xf32, #tpu.memory_space<vmem>>, vector<1000x128xf32>
    tpu.vector_store %arg3[%swap3A, %swap3A_6], %dot_general3A_5 {strides = array<i32>} : memref<1000x128xf32, #tpu.memory_space<vmem>>, vector<1000x128xf32>,
    return
  }
  func.func @transform_0(%arg0: i32) -> (i32, i32) {
    %c0_i32 = arith.constant 0 : i32
    %c0_i32_0 = arith.constant 0 : i32
    return %arg0, %c0_i32 : i32, i32
  }
  func.func @transform_1(%arg0: i32) -> (i32, i32) {
    %c0_i32 = arith.constant 0 : i32
    %c0_i32_0 = arith.constant 0 : i32
    %c0_i32_1 = arith.constant 0 : i32
    return %c0_i32, %c0_i32_0 : i32, i32
  }
  func.func @transform_2(%arg0: i32) -> (i32, i32) {
    %c0_i32 = arith.constant 0 : i32
    %c0_i32_0 = arith.constant 0 : i32
    return %arg0, %c0_i32 : i32, i32
  }
}

module attributes {stable_mosaic.version = 14 : i64} {
  func.func @body(%arg0: i32, %arg1: memref<2x1000x128xf32, #tpu.memory_space<vmem>>, %arg2: memref<1000x128xf32, #tpu.memory_space<vmem>>, %arg3: memref<1000x1xf32, #tpu.memory_space<vmem>>, %arg4: memref<1000x128xf32, #tpu.memory_space<vmem>>) attributes {dimension_semantics = [#tpu.dimension_semantics<arbitrary>], iteration_bounds = array<i64: 10>, scalar_prefetch = 0 : i64, scratch_operands = 0 : i64, tpu.core_type = #tpu.core_type<tc>, window_params = [{transform_indices = @transform_0, window_bounds = array<i64: 2, 1000, 128>}, {transform_indices = @transform_1, window_bounds = array<i64: 1000, 128>}, {transform_indices = @transform_2, window_bounds = array<i64: 1000, 1>}, {transform_indices = @transform_3, window_bounds = array<i64: 1000, 128>}]} {
    %get3A = arith.constant 0 : index
    %get3A_0 = arith.constant 0 : index
    %get3A_1 = arith.constant 0 : index
    %get3A_2 = vector.load %arg1[%get3A, %get3A_0, %get3A_1] : memref<2x1000x128xf32, #tpu.memory_space<vmem>>, vector<2x1000x128xf32>
    %slice3A = vector.extract_strided_slice %get3A_2 {offsets = [0, 0, 0], sizes = [1, 1000, 1], strides = [1, 1, 1]} : vector<2x1000x128xf32> to vector<1x1000x1xf32>
    %squeeze3A = vector.shape_cast %slice3A : vector<1x1000x1xf32> to vector<1000x1xf32>
    %slice3A_3 = vector.extract_strided_slice %get3A_2 {offsets = [1, 0, 0], sizes = [1, 1000, 1], strides = [1, 1, 1]} : vector<2x1000x128xf32> to vector<1x1000x1xf32>
    %squeeze3A_4 = vector.shape_cast %slice3A_3 : vector<1x1000x1xf32> to vector<1000x1xf32>
    %add3A = arith.addf %squeeze3A, %squeeze3A_4 : vector<1000x1xf32>
    %add3A_5 = arith.constant 1.000000e+00 : f32
    %add3A_6 = vector.broadcast %add3A_5 : f32 to vector<1000x1xf32>
    %add3A_7 = arith.addf %add3A, %add3A_6 : vector<1000x1xf32>
    %rsqrt3A = math.rsqrt %add3A_7 : vector<1000x1xf32>
    %swap3A = arith.constant 0 : index
    %swap3A_8 = arith.constant 0 : index
    %swap3A_9 = vector.load %arg3[%swap3A, %swap3A_8] : memref<1000x1xf32, #tpu.memory_space<vmem>>, vector<1000x1xf32>
    tpu.vector_store %arg3[%swap3A, %swap3A_8], %rsqrt3A {strides = array<i32>} : memref<1000x1xf32, #tpu.memory_space<vmem>>, vector<1000x1xf32>,
    %get3A_10 = arith.constant 0 : index
    %get3A_11 = arith.constant 0 : index
    %get3A_12 = vector.load %arg2[%get3A_10, %get3A_11] : memref<1000x128xf32, #tpu.memory_space<vmem>>, vector<1000x128xf32>
    %mul3A = vector.broadcast %rsqrt3A : vector<1000x1xf32> to vector<1000x128xf32>
    %mul3A_13 = arith.mulf %get3A_12, %mul3A : vector<1000x128xf32>
    %swap3A_14 = arith.constant 0 : index
    %swap3A_15 = arith.constant 0 : index
    %swap3A_16 = vector.load %arg4[%swap3A_14, %swap3A_15] : memref<1000x128xf32, #tpu.memory_space<vmem>>, vector<1000x128xf32>
    tpu.vector_store %arg4[%swap3A_14, %swap3A_15], %mul3A_13 {strides = array<i32>} : memref<1000x128xf32, #tpu.memory_space<vmem>>, vector<1000x128xf32>,
    return
  }
  func.func @transform_0(%arg0: i32) -> (i32, i32, i32) {
    %c0_i32 = arith.constant 0 : i32
    %c0_i32_0 = arith.constant 0 : i32
    %c0_i32_1 = arith.constant 0 : i32
    return %c0_i32, %arg0, %c0_i32_0 : i32, i32, i32
  }
  func.func @transform_1(%arg0: i32) -> (i32, i32) {
    %c0_i32 = arith.constant 0 : i32
    %c0_i32_0 = arith.constant 0 : i32
    return %arg0, %c0_i32 : i32, i32
  }
  func.func @transform_2(%arg0: i32) -> (i32, i32) {
    %c0_i32 = arith.constant 0 : i32
    %c0_i32_0 = arith.constant 0 : i32
    return %arg0, %c0_i32 : i32, i32
  }
  func.func @transform_3(%arg0: i32) -> (i32, i32) {
    %c0_i32 = arith.constant 0 : i32
    %c0_i32_0 = arith.constant 0 : i32
    return %arg0, %c0_i32 : i32, i32
  }
}

module attributes {stable_mosaic.version = 14 : i64} {
  func.func @body(%arg0: i32, %arg1: memref<2x1000x128xf32, #tpu.memory_space<vmem>>, %arg2: memref<1000x1xf32, #tpu.memory_space<vmem>>, %arg3: memref<1x128xf32, #tpu.memory_space<vmem>>, %arg4: memref<1x128xf32, #tpu.memory_space<vmem>>, %arg5: memref<1x128xf32, #tpu.memory_space<vmem>>, %arg6: memref<128x4xf32, #tpu.memory_space<vmem>>, %arg7: memref<1x4xf32, #tpu.memory_space<vmem>>, %arg8: memref<1000x4xf32, #tpu.memory_space<vmem>>) attributes {dimension_semantics = [#tpu.dimension_semantics<arbitrary>], iteration_bounds = array<i64: 10>, scalar_prefetch = 0 : i64, scratch_operands = 0 : i64, tpu.core_type = #tpu.core_type<tc>, window_params = [{transform_indices = @transform_0, window_bounds = array<i64: 2, 1000, 128>}, {transform_indices = @transform_1, window_bounds = array<i64: 1000, 1>}, {pipeline_mode = #tpu.pipeline_mode<synchronous>, transform_indices = @transform_2, window_bounds = array<i64: 1, 128>}, {pipeline_mode = #tpu.pipeline_mode<synchronous>, transform_indices = @transform_3, window_bounds = array<i64: 1, 128>}, {pipeline_mode = #tpu.pipeline_mode<synchronous>, transform_indices = @transform_4, window_bounds = array<i64: 1, 128>}, {pipeline_mode = #tpu.pipeline_mode<synchronous>, transform_indices = @transform_5, window_bounds = array<i64: 128, 4>}, {pipeline_mode = #tpu.pipeline_mode<synchronous>, transform_indices = @transform_6, window_bounds = array<i64: 1, 4>}, {transform_indices = @transform_7, window_bounds = array<i64: 1000, 4>}]} {
    %get3A = arith.constant 0 : index
    %get3A_0 = arith.constant 0 : index
    %get3A_1 = arith.constant 0 : index
    %get3A_2 = vector.load %arg1[%get3A, %get3A_0, %get3A_1] : memref<2x1000x128xf32, #tpu.memory_space<vmem>>, vector<2x1000x128xf32>
    %get3A_3 = arith.constant 0 : index
    %get3A_4 = arith.constant 0 : index
    %get3A_5 = vector.load %arg2[%get3A_3, %get3A_4] : memref<1000x1xf32, #tpu.memory_space<vmem>>, vector<1000x1xf32>
    %get3A_6 = arith.constant 0 : index
    %get3A_7 = arith.constant 0 : index
    %get3A_8 = vector.load %arg3[%get3A_6, %get3A_7] : memref<1x128xf32, #tpu.memory_space<vmem>>, vector<1x128xf32>
    %get3A_9 = arith.constant 0 : index
    %get3A_10 = arith.constant 0 : index
    %get3A_11 = vector.load %arg4[%get3A_9, %get3A_10] : memref<1x128xf32, #tpu.memory_space<vmem>>, vector<1x128xf32>
    %get3A_12 = arith.constant 0 : index
    %get3A_13 = arith.constant 0 : index
    %get3A_14 = vector.load %arg5[%get3A_12, %get3A_13] : memref<1x128xf32, #tpu.memory_space<vmem>>, vector<1x128xf32>
    %slice3A = vector.extract_strided_slice %get3A_2 {offsets = [0, 0, 0], sizes = [1, 1000, 128], strides = [1, 1, 1]} : vector<2x1000x128xf32> to vector<1x1000x128xf32>
    %squeeze3A = vector.shape_cast %slice3A : vector<1x1000x128xf32> to vector<1000x128xf32>
    %slice3A_15 = vector.extract_strided_slice %get3A_2 {offsets = [1, 0, 0], sizes = [1, 1000, 128], strides = [1, 1, 1]} : vector<2x1000x128xf32> to vector<1x1000x128xf32>
    %squeeze3A_16 = vector.shape_cast %slice3A_15 : vector<1x1000x128xf32> to vector<1000x128xf32>
    %add3A = arith.addf %squeeze3A, %squeeze3A_16 : vector<1000x128xf32>
    %mul3A = vector.broadcast %get3A_5 : vector<1000x1xf32> to vector<1000x128xf32>
    %mul3A_17 = arith.mulf %add3A, %mul3A : vector<1000x128xf32>
    %add3A_18 = vector.broadcast %get3A_8 : vector<1x128xf32> to vector<1000x128xf32>
    %add3A_19 = arith.addf %mul3A_17, %add3A_18 : vector<1000x128xf32>
    %max3A = arith.constant 0.000000e+00 : f32
    %max3A_20 = vector.broadcast %max3A : f32 to vector<1000x128xf32>
    %max3A_21 = arith.maximumf %add3A_19, %max3A_20 : vector<1000x128xf32>
    %reduce_sum3A = arith.constant dense<0.000000e+00> : vector<1000xf32>
    %reduce_sum3A_22 = vector.multi_reduction <add>, %max3A_21, %reduce_sum3A [1] : vector<1000x128xf32> to vector<1000xf32>
    %broadcast_in_dim3A = vector.shape_cast %reduce_sum3A_22 : vector<1000xf32> to vector<1000x1xf32>
    %div3A = arith.constant 1.280000e+02 : f32
    %div3A_23 = vector.broadcast %div3A : f32 to vector<1000x1xf32>
    %div3A_24 = arith.divf %broadcast_in_dim3A, %div3A_23 : vector<1000x1xf32>
    %sub3A = vector.broadcast %div3A_24 : vector<1000x1xf32> to vector<1000x128xf32>
    %sub3A_25 = arith.subf %max3A_21, %sub3A : vector<1000x128xf32>
    %mul3A_26 = arith.mulf %sub3A_25, %sub3A_25 : vector<1000x128xf32>
    %reduce_sum3A_27 = arith.constant dense<0.000000e+00> : vector<1000xf32>
    %reduce_sum3A_28 = vector.multi_reduction <add>, %mul3A_26, %reduce_sum3A_27 [1] : vector<1000x128xf32> to vector<1000xf32>
    %broadcast_in_dim3A_29 = vector.shape_cast %reduce_sum3A_28 : vector<1000xf32> to vector<1000x1xf32>
    %div3A_30 = arith.constant 1.280000e+02 : f32
    %div3A_31 = vector.broadcast %div3A_30 : f32 to vector<1000x1xf32>
    %div3A_32 = arith.divf %broadcast_in_dim3A_29, %div3A_31 : vector<1000x1xf32>
    %add3A_33 = arith.constant 9.99999974E-6 : f32
    %add3A_34 = vector.broadcast %add3A_33 : f32 to vector<1000x1xf32>
    %add3A_35 = arith.addf %div3A_32, %add3A_34 : vector<1000x1xf32>
    %rsqrt3A = math.rsqrt %add3A_35 : vector<1000x1xf32>
    %mul3A_36 = vector.broadcast %rsqrt3A : vector<1000x1xf32> to vector<1000x128xf32>
    %mul3A_37 = arith.mulf %sub3A_25, %mul3A_36 : vector<1000x128xf32>
    %mul3A_38 = vector.broadcast %get3A_11 : vector<1x128xf32> to vector<1000x128xf32>
    %mul3A_39 = arith.mulf %mul3A_37, %mul3A_38 : vector<1000x128xf32>
    %add3A_40 = vector.broadcast %get3A_14 : vector<1x128xf32> to vector<1000x128xf32>
    %add3A_41 = arith.addf %mul3A_39, %add3A_40 : vector<1000x128xf32>
    %get3A_42 = arith.constant 0 : index
    %get3A_43 = arith.constant 0 : index
    %get3A_44 = vector.load %arg6[%get3A_42, %get3A_43] : memref<128x4xf32, #tpu.memory_space<vmem>>, vector<128x4xf32>
    %dot_general3A = arith.constant dense<0.000000e+00> : vector<1000x4xf32>
    %dot_general3A_45 = tpu.matmul %add3A_41, %get3A_44, %dot_general3A {dimension_numbers = #tpu.dot_dimension_numbers<[1], [0], [0], [1], [0, 0, 1, 1], [], []>, transpose_lhs_hint = false} : vector<1000x128xf32>, vector<128x4xf32>, vector<1000x4xf32> -> vector<1000x4xf32>
    %get3A_46 = arith.constant 0 : index
    %get3A_47 = arith.constant 0 : index
    %get3A_48 = vector.load %arg7[%get3A_46, %get3A_47] : memref<1x4xf32, #tpu.memory_space<vmem>>, vector<1x4xf32>
    %add3A_49 = vector.broadcast %get3A_48 : vector<1x4xf32> to vector<1000x4xf32>
    %add3A_50 = arith.addf %dot_general3A_45, %add3A_49 : vector<1000x4xf32>
    %swap3A = arith.constant 0 : index
    %swap3A_51 = arith.constant 0 : index
    %swap3A_52 = vector.load %arg8[%swap3A, %swap3A_51] : memref<1000x4xf32, #tpu.memory_space<vmem>>, vector<1000x4xf32>
    tpu.vector_store %arg8[%swap3A, %swap3A_51], %add3A_50 {strides = array<i32>} : memref<1000x4xf32, #tpu.memory_space<vmem>>, vector<1000x4xf32>,
    return
  }
  func.func @transform_0(%arg0: i32) -> (i32, i32, i32) {
    %c0_i32 = arith.constant 0 : i32
    %c0_i32_0 = arith.constant 0 : i32
    %c0_i32_1 = arith.constant 0 : i32
    return %c0_i32, %arg0, %c0_i32_0 : i32, i32, i32
  }
  func.func @transform_1(%arg0: i32) -> (i32, i32) {
    %c0_i32 = arith.constant 0 : i32
    %c0_i32_0 = arith.constant 0 : i32
    return %arg0, %c0_i32 : i32, i32
  }
  func.func @transform_2(%arg0: i32) -> (i32, i32) {
    %c0_i32 = arith.constant 0 : i32
    %c0_i32_0 = arith.constant 0 : i32
    %c0_i32_1 = arith.constant 0 : i32
    return %c0_i32, %c0_i32_0 : i32, i32
  }
  func.func @transform_3(%arg0: i32) -> (i32, i32) {
    %c0_i32 = arith.constant 0 : i32
    %c0_i32_0 = arith.constant 0 : i32
    %c0_i32_1 = arith.constant 0 : i32
    return %c0_i32, %c0_i32_0 : i32, i32
  }
  func.func @transform_4(%arg0: i32) -> (i32, i32) {
    %c0_i32 = arith.constant 0 : i32
    %c0_i32_0 = arith.constant 0 : i32
    %c0_i32_1 = arith.constant 0 : i32
    return %c0_i32, %c0_i32_0 : i32, i32
  }
  func.func @transform_5(%arg0: i32) -> (i32, i32) {
    %c0_i32 = arith.constant 0 : i32
    %c0_i32_0 = arith.constant 0 : i32
    %c0_i32_1 = arith.constant 0 : i32
    return %c0_i32, %c0_i32_0 : i32, i32
  }
  func.func @transform_6(%arg0: i32) -> (i32, i32) {
    %c0_i32 = arith.constant 0 : i32
    %c0_i32_0 = arith.constant 0 : i32
    %c0_i32_1 = arith.constant 0 : i32
    return %c0_i32, %c0_i32_0 : i32, i32
  }
  func.func @transform_7(%arg0: i32) -> (i32, i32) {
    %c0_i32 = arith.constant 0 : i32
    %c0_i32_0 = arith.constant 0 : i32
    return %arg0, %c0_i32 : i32, i32
  }
}

module attributes {stable_mosaic.version = 14 : i64} {
  func.func @body(%arg0: i32, %arg1: memref<2x1000x128xf32, #tpu.memory_space<vmem>>, %arg2: memref<1000x1xf32, #tpu.memory_space<vmem>>, %arg3: memref<1x128xf32, #tpu.memory_space<vmem>>, %arg4: memref<1x128xf32, #tpu.memory_space<vmem>>, %arg5: memref<1x128xf32, #tpu.memory_space<vmem>>, %arg6: memref<128x128xf32, #tpu.memory_space<vmem>>, %arg7: memref<1000x128xf32, #tpu.memory_space<vmem>>) attributes {dimension_semantics = [#tpu.dimension_semantics<arbitrary>], iteration_bounds = array<i64: 10>, scalar_prefetch = 0 : i64, scratch_operands = 0 : i64, tpu.core_type = #tpu.core_type<tc>, window_params = [{transform_indices = @transform_0, window_bounds = array<i64: 2, 1000, 128>}, {transform_indices = @transform_1, window_bounds = array<i64: 1000, 1>}, {pipeline_mode = #tpu.pipeline_mode<synchronous>, transform_indices = @transform_2, window_bounds = array<i64: 1, 128>}, {pipeline_mode = #tpu.pipeline_mode<synchronous>, transform_indices = @transform_3, window_bounds = array<i64: 1, 128>}, {pipeline_mode = #tpu.pipeline_mode<synchronous>, transform_indices = @transform_4, window_bounds = array<i64: 1, 128>}, {pipeline_mode = #tpu.pipeline_mode<synchronous>, transform_indices = @transform_5, window_bounds = array<i64: 128, 128>}, {transform_indices = @transform_6, window_bounds = array<i64: 1000, 128>}]} {
    %get3A = arith.constant 0 : index
    %get3A_0 = arith.constant 0 : index
    %get3A_1 = vector.load %arg2[%get3A, %get3A_0] : memref<1000x1xf32, #tpu.memory_space<vmem>>, vector<1000x1xf32>
    %get3A_2 = arith.constant 0 : index
    %get3A_3 = arith.constant 0 : index
    %get3A_4 = arith.constant 0 : index
    %get3A_5 = vector.load %arg1[%get3A_2, %get3A_3, %get3A_4] : memref<2x1000x128xf32, #tpu.memory_space<vmem>>, vector<2x1000x128xf32>
    %get3A_6 = arith.constant 0 : index
    %get3A_7 = arith.constant 0 : index
    %get3A_8 = vector.load %arg3[%get3A_6, %get3A_7] : memref<1x128xf32, #tpu.memory_space<vmem>>, vector<1x128xf32>
    %get3A_9 = arith.constant 0 : index
    %get3A_10 = arith.constant 0 : index
    %get3A_11 = vector.load %arg4[%get3A_9, %get3A_10] : memref<1x128xf32, #tpu.memory_space<vmem>>, vector<1x128xf32>
    %get3A_12 = arith.constant 0 : index
    %get3A_13 = arith.constant 0 : index
    %get3A_14 = vector.load %arg5[%get3A_12, %get3A_13] : memref<1x128xf32, #tpu.memory_space<vmem>>, vector<1x128xf32>
    %slice3A = vector.extract_strided_slice %get3A_5 {offsets = [0, 0, 0], sizes = [1, 1000, 128], strides = [1, 1, 1]} : vector<2x1000x128xf32> to vector<1x1000x128xf32>
    %squeeze3A = vector.shape_cast %slice3A : vector<1x1000x128xf32> to vector<1000x128xf32>
    %slice3A_15 = vector.extract_strided_slice %get3A_5 {offsets = [1, 0, 0], sizes = [1, 1000, 128], strides = [1, 1, 1]} : vector<2x1000x128xf32> to vector<1x1000x128xf32>
    %squeeze3A_16 = vector.shape_cast %slice3A_15 : vector<1x1000x128xf32> to vector<1000x128xf32>
    %add3A = arith.addf %squeeze3A, %squeeze3A_16 : vector<1000x128xf32>
    %mul3A = vector.broadcast %get3A_1 : vector<1000x1xf32> to vector<1000x128xf32>
    %mul3A_17 = arith.mulf %add3A, %mul3A : vector<1000x128xf32>
    %add3A_18 = vector.broadcast %get3A_8 : vector<1x128xf32> to vector<1000x128xf32>
    %add3A_19 = arith.addf %mul3A_17, %add3A_18 : vector<1000x128xf32>
    %max3A = arith.constant 0.000000e+00 : f32
    %max3A_20 = vector.broadcast %max3A : f32 to vector<1000x128xf32>
    %max3A_21 = arith.maximumf %add3A_19, %max3A_20 : vector<1000x128xf32>
    %reduce_sum3A = arith.constant dense<0.000000e+00> : vector<1000xf32>
    %reduce_sum3A_22 = vector.multi_reduction <add>, %max3A_21, %reduce_sum3A [1] : vector<1000x128xf32> to vector<1000xf32>
    %broadcast_in_dim3A = vector.shape_cast %reduce_sum3A_22 : vector<1000xf32> to vector<1000x1xf32>
    %div3A = arith.constant 1.280000e+02 : f32
    %div3A_23 = vector.broadcast %div3A : f32 to vector<1000x1xf32>
    %div3A_24 = arith.divf %broadcast_in_dim3A, %div3A_23 : vector<1000x1xf32>
    %sub3A = vector.broadcast %div3A_24 : vector<1000x1xf32> to vector<1000x128xf32>
    %sub3A_25 = arith.subf %max3A_21, %sub3A : vector<1000x128xf32>
    %mul3A_26 = arith.mulf %sub3A_25, %sub3A_25 : vector<1000x128xf32>
    %reduce_sum3A_27 = arith.constant dense<0.000000e+00> : vector<1000xf32>
    %reduce_sum3A_28 = vector.multi_reduction <add>, %mul3A_26, %reduce_sum3A_27 [1] : vector<1000x128xf32> to vector<1000xf32>
    %broadcast_in_dim3A_29 = vector.shape_cast %reduce_sum3A_28 : vector<1000xf32> to vector<1000x1xf32>
    %div3A_30 = arith.constant 1.280000e+02 : f32
    %div3A_31 = vector.broadcast %div3A_30 : f32 to vector<1000x1xf32>
    %div3A_32 = arith.divf %broadcast_in_dim3A_29, %div3A_31 : vector<1000x1xf32>
    %add3A_33 = arith.constant 9.99999974E-6 : f32
    %add3A_34 = vector.broadcast %add3A_33 : f32 to vector<1000x1xf32>
    %add3A_35 = arith.addf %div3A_32, %add3A_34 : vector<1000x1xf32>
    %rsqrt3A = math.rsqrt %add3A_35 : vector<1000x1xf32>
    %mul3A_36 = vector.broadcast %rsqrt3A : vector<1000x1xf32> to vector<1000x128xf32>
    %mul3A_37 = arith.mulf %sub3A_25, %mul3A_36 : vector<1000x128xf32>
    %mul3A_38 = vector.broadcast %get3A_11 : vector<1x128xf32> to vector<1000x128xf32>
    %mul3A_39 = arith.mulf %mul3A_37, %mul3A_38 : vector<1000x128xf32>
    %add3A_40 = vector.broadcast %get3A_14 : vector<1x128xf32> to vector<1000x128xf32>
    %add3A_41 = arith.addf %mul3A_39, %add3A_40 : vector<1000x128xf32>
    %get3A_42 = arith.constant 0 : index
    %get3A_43 = arith.constant 0 : index
    %get3A_44 = vector.load %arg6[%get3A_42, %get3A_43] : memref<128x128xf32, #tpu.memory_space<vmem>>, vector<128x128xf32>
    %dot_general3A = arith.constant dense<0.000000e+00> : vector<1000x128xf32>
    %dot_general3A_45 = tpu.matmul %add3A_41, %get3A_44, %dot_general3A {dimension_numbers = #tpu.dot_dimension_numbers<[1], [0], [0], [1], [0, 0, 1, 1], [], []>, transpose_lhs_hint = false} : vector<1000x128xf32>, vector<128x128xf32>, vector<1000x128xf32> -> vector<1000x128xf32>
    %mul3A_46 = vector.broadcast %get3A_1 : vector<1000x1xf32> to vector<1000x128xf32>
    %mul3A_47 = arith.mulf %dot_general3A_45, %mul3A_46 : vector<1000x128xf32>
    %swap3A = arith.constant 0 : index
    %swap3A_48 = arith.constant 0 : index
    %swap3A_49 = vector.load %arg7[%swap3A, %swap3A_48] : memref<1000x128xf32, #tpu.memory_space<vmem>>, vector<1000x128xf32>
    tpu.vector_store %arg7[%swap3A, %swap3A_48], %mul3A_47 {strides = array<i32>} : memref<1000x128xf32, #tpu.memory_space<vmem>>, vector<1000x128xf32>,
    return
  }
  func.func @transform_0(%arg0: i32) -> (i32, i32, i32) {
    %c0_i32 = arith.constant 0 : i32
    %c0_i32_0 = arith.constant 0 : i32
    %c0_i32_1 = arith.constant 0 : i32
    return %c0_i32, %arg0, %c0_i32_0 : i32, i32, i32
  }
  func.func @transform_1(%arg0: i32) -> (i32, i32) {
    %c0_i32 = arith.constant 0 : i32
    %c0_i32_0 = arith.constant 0 : i32
    return %arg0, %c0_i32 : i32, i32
  }
  func.func @transform_2(%arg0: i32) -> (i32, i32) {
    %c0_i32 = arith.constant 0 : i32
    %c0_i32_0 = arith.constant 0 : i32
    %c0_i32_1 = arith.constant 0 : i32
    return %c0_i32, %c0_i32_0 : i32, i32
  }
  func.func @transform_3(%arg0: i32) -> (i32, i32) {
    %c0_i32 = arith.constant 0 : i32
    %c0_i32_0 = arith.constant 0 : i32
    %c0_i32_1 = arith.constant 0 : i32
    return %c0_i32, %c0_i32_0 : i32, i32
  }
  func.func @transform_4(%arg0: i32) -> (i32, i32) {
    %c0_i32 = arith.constant 0 : i32
    %c0_i32_0 = arith.constant 0 : i32
    %c0_i32_1 = arith.constant 0 : i32
    return %c0_i32, %c0_i32_0 : i32, i32
  }
  func.func @transform_5(%arg0: i32) -> (i32, i32) {
    %c0_i32 = arith.constant 0 : i32
    %c0_i32_0 = arith.constant 0 : i32
    %c0_i32_1 = arith.constant 0 : i32
    return %c0_i32, %c0_i32_0 : i32, i32
  }
  func.func @transform_6(%arg0: i32) -> (i32, i32) {
    %c0_i32 = arith.constant 0 : i32
    %c0_i32_0 = arith.constant 0 : i32
    return %arg0, %c0_i32 : i32, i32
  }
}

</mosaic_0001>

<sc_bundles>
// kernel: kernel.11.cloned.1.call-start
scs
__scs_entry_jumppad:
0x0: {  	(pc) =	sbr.rel $0x88, $3  }
0x1: {  	(tag) =	ssettag $0x0;
	lr =	simm.s32 $0x1  }
0x2: {  	[smem:$0x3F95] =	sst lr;
	_ =	strace $0xD0000000  }
0x3: {  	_ = 	snop  }
0x4: {  	_ = 	snop  }
0x5: {  	_ = 	snop  }
0x6: {  	_ = 	snop  }
0x7: {  	_ = 	snop  }
__scs_overlays_trampoline_lowered:
0x8: {  	[smem:$0x3FA4] =	sst s0  }
0x9: {  	[smem:$0x3FA5] =	sst s1  }
0xa: {  	[smem:$0x3FA6] =	sst s2  }
0xb: {  	[smem:$0x3FA7] =	sst s3  }
0xc: {  	[smem:$0x3FA8] =	sst s4  }
0xd: {  	[smem:$0x3FA9] =	sst s5  }
0xe: {  	[smem:$0x3FAA] =	sst s6  }
0xf: {  	[smem:$0x3FAB] =	sst s7  }
0x10: {  	[smem:$0x3FAC] =	sst s8  }
0x11: {  	[smem:$0x3FAD] =	sst s9;
	s0 =	simm.s32 @!p0 $0x0  }
0x12: {  	s1 =	sld [smem:$0x3F93];
	s0 =	simm.s32 @p0 $0x1  }
0x13: {  	[smem:$0x3FAE] =	sst s0;
	s0 =	simm.s32 @!p1 $0x0  }
0x14: {  	s2 =	sld [smem:$0x3F92];
	s0 =	simm.s32 @p1 $0x1  }
0x15: {  	[smem:$0x3FAF] =	sst s0;
	s0 =	simm.s32 @!p2 $0x0  }
0x16: {  	s3 =	sld [smem:$0x3FDB];
	s0 =	simm.s32 @p2 $0x1  }
0x17: {  	s4 =	simm.s32 $0x1BF5;
	[smem:$0x3FB1] =	sst s0  }
0x18: {  	s0 =	sld [smem:$0x3F94];
	_ =	swait.ge [sflag:s4], $0x0  }
0x19: {  	s7 =	sld [smem:$0x3F95]  }
0x1a: {  	s8 =	sadd.s32 $0xFFFFE003, lr  }
0x1b: {  	s9 =	sadd.s32 $0xFFFFFEF7, lr;
	s5 =	simm.s32 $0xFFFFFFFF;
	p2 =	slt.u32 s8, $0xFFFFF086  }
0x1c: {  	p1 =	slt.u32 s9, $0xF7A;
	s5 =	simm.s32 @!p2 $0x0  }
0x1d: {  	s5 =	simm.s32 @p1 $0x1;
	p0 =	seq.s32 s7, s2  }
0x1e: {  	s7 =	smul.u32 @!p0 $0xF7A, s2;
	p2 =	seq.s32 @!p0 s5, $0x0  }
0x1f: {  	s9 =	smul.u32 $0xF7A, s1;
	s8 =	simm.s32 @!p0 $0x1BF5;
	p2 =	por !p2, p0  }
0x20: {  	[sflag:s8] =	ssyncset.s32 @!p0 $0xFFFFF086;
	s6 =	sadd.s32 @!p0 s3, s7;
	s7 =	simm.s32 @!p0 $0x108  }
0x21: {  	s3 =	sadd.s32 s3, s9;
	s6 =	sadd.s32 @!p0 $0x88, s6;
	s7 =	simm.s32 @p2 $0x1082  }
0x22: {  	[simem:s7], [sflag:s8] =	dma.local @!p0 [hbm:s6], $0xF7A  }
0x23: {  	s9 =	sor.u32 $0xD0000000, s2;
	s6 =	simm.s32 $0x108;
	_ =	swait.ge @!p0 [sflag:s8], $0x0  }
0x24: {  	s3 =	sadd.s32 $0x88, s3;
	s6 =	simm.s32 @!p1 $0x1082;
	[sflag:s4] =	ssyncset.s32 $0xFFFFF086  }
0x25: {  	[simem:s6], [sflag:s4] =	dma.local [hbm:s3], $0xF7A  }
0x26: {  	[smem:$0x3F95] =	sst s1;
	(tag) =	ssettag s2;
	_ =	strace s9  }
0x27: {  	s1 =	sld [smem:$0x3FA5]  }
0x28: {  	s2 =	sld [smem:$0x3FA6]  }
0x29: {  	s4 =	sld [smem:$0x3FA8]  }
0x2a: {  	p0 =	seq.s32 s5, $0x0;
	s5 =	sld [smem:$0x3FA9]  }
0x2b: {  	s6 =	sld [smem:$0x3FAA]  }
0x2c: {  	s7 =	sld [smem:$0x3FAB]  }
0x2d: {  	s3 =	simm.s32 $0x108;
	s8 =	sld [smem:$0x3FAC]  }
0x2e: {  	s3 =	simm.s32 @!p0 $0x1082;
	s9 =	sld [smem:$0x3FAD]  }
0x2f: {  	lr =	sadd.s32 s0, s3;
	s0 =	sld [smem:$0x3FA4]  }
0x30: {  	s3 =	sld [smem:$0x3FA7]  }
0x31: {  	[smem:$0x3FB0] =	sst s10  }
0x32: {  	s10 =	sld [smem:$0x3FAE];
	_ =	sdelay $0x3  }
0x33: {  	p0 =	seq.s32 s10, $0x1;
	s10 =	sld [smem:$0x3FB0];
	_ =	sdelay $0x3  }
0x34: {  	[smem:$0x3FB0] =	sst s10  }
0x35: {  	s10 =	sld [smem:$0x3FAF];
	_ =	sdelay $0x3  }
0x36: {  	p1 =	seq.s32 s10, $0x1;
	s10 =	sld [smem:$0x3FB0];
	_ =	sdelay $0x3  }
0x37: {  	[smem:$0x3FB0] =	sst s10  }
0x38: {  	s10 =	sld [smem:$0x3FB1]  }
0x39: {  	_ = 	snop;
	(pc) =	sbr.ind lr, $3  }
0x3a: {  	_ = 	snop  }
0x3b: {  	_ = 	snop  }
0x3c: {  	p2 =	seq.s32 s10, $0x1;
	s10 =	sld [smem:$0x3FB0]  }
0x3d: {  	_ =	shalt  }
0x3e: {  	_ =	shalt  }
0x3f: {  	_ =	shalt  }
0x40: {  	_ =	shalt  }
0x41: {  	_ =	shalt  }
0x42: {  	_ =	shalt  }
0x43: {  	_ =	shalt  }
0x44: {  	_ =	shalt  }
0x45: {  	_ =	shalt  }
0x46: {  	_ =	shalt  }
0x47: {  	_ =	shalt  }
0x48: {  	_ =	shalt  }
0x49: {  	_ =	shalt  }
0x4a: {  	_ =	shalt  }
0x4b: {  	_ =	shalt  }
0x4c: {  	_ =	shalt  }
0x4d: {  	_ =	shalt  }
0x4e: {  	_ =	shalt  }
0x4f: {  	_ =	shalt  }
0x50: {  	_ =	shalt  }
0x51: {  	_ =	shalt  }
0x52: {  	_ =	shalt  }
0x53: {  	_ =	shalt  }
0x54: {  	_ =	shalt  }
0x55: {  	_ =	shalt  }
0x56: {  	_ =	shalt  }
0x57: {  	_ =	shalt  }
0x58: {  	_ =	shalt  }
0x59: {  	_ =	shalt  }
0x5a: {  	_ =	shalt  }
0x5b: {  	_ =	shalt  }
0x5c: {  	_ =	shalt  }
0x5d: {  	_ =	shalt  }
0x5e: {  	_ =	shalt  }
0x5f: {  	_ =	shalt  }
0x60: {  	_ =	shalt  }
0x61: {  	_ =	shalt  }
0x62: {  	_ =	shalt  }
0x63: {  	_ =	shalt  }
0x64: {  	_ =	shalt  }
0x65: {  	_ =	shalt  }
0x66: {  	_ =	shalt  }
0x67: {  	_ =	shalt  }
0x68: {  	_ =	shalt  }
0x69: {  	_ =	shalt  }
0x6a: {  	_ =	shalt  }
0x6b: {  	_ =	shalt  }
0x6c: {  	_ =	shalt  }
0x6d: {  	_ =	shalt  }
0x6e: {  	_ =	shalt  }
0x6f: {  	_ =	shalt  }
0x70: {  	_ =	shalt  }
0x71: {  	_ =	shalt  }
0x72: {  	_ =	shalt  }
0x73: {  	_ =	shalt  }
0x74: {  	_ =	shalt  }
0x75: {  	_ =	shalt  }
0x76: {  	_ =	shalt  }
0x77: {  	_ =	shalt  }
0x78: {  	_ =	shalt  }
0x79: {  	_ =	shalt  }
0x7a: {  	_ =	shalt  }
0x7b: {  	_ =	shalt  }
0x7c: {  	_ =	shalt  }
0x7d: {  	_ =	shalt  }
0x7e: {  	_ =	shalt  }
0x7f: {  	_ =	shalt  }
0x80: {  	_ =	shalt  }
0x81: {  	_ =	shalt  }
0x82: {  	_ =	shalt  }
0x83: {  	_ =	shalt  }
0x84: {  	_ =	shalt  }
0x85: {  	_ =	shalt  }
0x86: {  	_ =	shalt  }
0x87: {  	_ =	shalt  }
.Lfunc_end0:
.L_simem_size_0:
called_computation_lowered:
.L_overlay_start_0:
0x88: {  	s2 =	sld [smem:$0x3FD9]  }
0x89: {  	s3 =	sld [smem:$0x3FFE];
	_ =	sdelay $0x1  }
0x8a: {  	s1 =	srdreg.scid  }
0x8b: {  	s0 =	sand.u32 $0x1, s1  }
0x8c: {  	s17 =	sshll.u32 s0, $0xA;
	s2 =	sadd.s32 s3, s2  }
0x8d: {  	s2 =	sadd.s32 s2, s17  }
0x8e: {  	[smem:$0x3FBC] =	sst s2  }
0x8f: {  	_ = 	snop  }
0x90: {  	s2 =	sld [smem:$0x3FD0];
	(tm) =	ssettm $0x1  }
0x91: {  	s18 =	sld [smem:$0x3FFB];
	_ =	sdelay $0x3  }
0x92: {  	_ =	strace s18  }
0x93: {  	s3 =	sld [smem:$0x3FFC];
	_ =	sdelay $0x3  }
0x94: {  	_ =	strace s3  }
0x95: {  	s3 =	sld [smem:$0x3FFD];
	_ =	sdelay $0x3  }
0x96: {  	_ =	strace s3  }
0x97: {  	_ =	strace $0x8FFFFFFF  }
0x98: {  	s19 =	sld [smem:$0x3FDB];
	_ =	sdelay $0x1  }
0x99: {  	s4 =	simm.s32 $_scs_section_size  }
0x9a: {  	s5 =	simm.s32 $_size__tile_overlayer_lowered;
	s6 =	simm.s32 $_tile_overlayer_lowered  }
0x9b: {  	s22 =	simm.s32 $0x1BFF;
	s21 =	sshll.u32 s6, $0x1;
	s3 =	sadd.s32 s4, s19  }
0x9c: {  	s7 =	simm.s32 $0x0;
	s20 =	sshll.u32 s5, $0x1;
	s5 =	sadd.s32 s21, s3  }
0x9d: {  	[timem:s7], [sflag:s22] =	dma.local [hbm:s5], s20  }
0x9e: {  	_ =	swait.ge [sflag:s22], s20  }
0x9f: {  	s4 =	ssub.s32 $0x0, s20;
	[sflag:s22] =	ssyncset.done $0x0  }
0xa0: {  	[sflag:s22] =	ssyncadd.s32 s4;
	_ =	sdelay $0x1  }
0xa1: {  	s23 =	simm.s32 $0x1B8B  }
0xa2: {  	_ =	swait.ge [sflag:s23], $0x1  }
0xa3: {  	[sflag:s23] =	ssyncset.done $0x0  }
0xa4: {  	s25 =	simm.s32 $0x1B8E;
	s24 =	sld [smem:$0x3FFE];
	[sflag:s23] =	ssyncadd.s32 $0xFFFFFFFF  }
0xa5: {  	s26 =	simm.s32 $execute0_lowered;
	[smem:$0x3FD2] =	sst s25  }
0xa6: {  	s5 =	sshll.u32 s26, $0x1;
	_ =	strace $0x80000046;
	[dreg:$0x1] =	wrdreg $0xFFFFFFFF  }
0xa7: {  	s28 =	simm.s32 $_size_execute0_lowered;
	s3 =	sadd.s32 s3, s5;
	[dreg:$0x0] =	wrdreg $0x0  }
0xa8: {  	s5 =	sshll.u32 s28, $0x1;
	[dreg:$0x2] =	wrdreg s3  }
0xa9: {  	[dreg:$0x3] =	wrdreg s5  }
0xaa: {  	[dreg:$0x4] =	wrdreg $0xC0  }
0xab: {  	_ =	task [dreg:s7], $0x5FFFF  }
0xac: {  	[dreg:$0x1] =	wrdreg $0xFFFFFFFF  }
0xad: {  	[dreg:$0x0] =	wrdreg $0x60  }
0xae: {  	[dreg:$0x2] =	wrdreg s24  }
0xaf: {  	[dreg:$0x3] =	wrdreg s2  }
0xb0: {  	[dreg:$0x4] =	wrdreg $0x0  }
0xb1: {  	[dreg:$0x5] =	wrdreg $0x9  }
0xb2: {  	_ =	task.clear_ibuf [dreg:s7], $0x6FFFF;
	_ =	strace $0x90000046  }
0xb3: {  	s29 =	simm.s32 $0x9;
	_ =	strace $0x80000048  }
0xb4: {  	_ =	swait.ge [sflag:s29], $0x1  }
0xb5: {  	[sflag:s29] =	ssyncadd.s32 $0xFFFFFFFF  }
0xb6: {  	_ =	strace $0x90000048  }
0xb7: {  	_ =	sfence  }
0xb8: {  	s30 =	sld [smem:$0x0];
	_ =	sdelay $0x2  }
0xb9: {  	s31 =	sshll.u32 s1, $0xD;
	s1 =	sshrl.u32 s1, $0x2  }
0xba: {  	s3 =	sand.u32 $0x4000, s31;
	s1 =	sadd.s32 s1, s30  }
0xbb: {  	s0 =	sor.u32 s3, s0;
	s1 =	sshll.u32 s1, $0x11  }
0xbc: {  	s0 =	sor.u32 s1, s0  }
0xbd: {  	s0 =	sadd.s32 $0x8F2B, s0  }
0xbe: {  	[sflag:s0] =	ssyncadd.remote.s32 $0x1  }
0xbf: {  	_ =	sfence.sel $0xFFFF  }
0xc0: {  	[dreg:$0x0] =	wrdreg $0xFFFFFFFF;
	(pc) =	sbr.abs _section_cstart, $3  }
0xc1: {  	[dreg:$0x1] =	wrdreg $0xFFFFFFFF  }
0xc2: {  	_ =	task.clear_ibuf [dreg:s7], $0x2FFFF;
	_ =	strace $0x9FFFFFFF  }
0xc3: {  	(tm) =	ssettm $0x7FFFFFFF  }
tec
execute0_lowered:
.L_overlay_start_1:
0x0: {  	(tag) =	ssettag $0x1  }
0x1: {  	s6 =	rddreg [dreg:$0x0]  }
0x2: {  	s1 =	rddreg [dreg:$0x1]  }
0x3: {  	s2 =	rddreg [dreg:$0x2]  }
0x4: {  	s12 =	stileid.u32;
	s0 =	rddreg [dreg:$0x3]  }
0x5: {  	s3 =	simm.s32 $0x0;
	s5 =	srdreg.scid;
	s19 =	simm.s32 $0x1A080  }
0x6: {  	s20 =	simm.s32 $0x10;
	s21 =	simm.s32 $0x0;
	s7 =	smul.u32 $0x13800, s12  }
0x7: {  	[smem:$0x7FF] =	sst s3;
	s11 =	sadd.s32 $0xD000, s6;
	s8 =	sand.u32 $0x1, s5  }
0x8: {  	s10 =	smul.u32 $0x4E000, s12;
	s13 =	sadd.s32 $0x3E000, s6;
	s24 =	sshll.u32 s12, $0x6  }
0x9: {  	s16 =	sadd.s32 $0x138000, s2;
	s18 =	smul.u32 $0x2710, s12;
	p0 =	sne.s32 s12, $0x0  }
0xa: {  	_ =	strace $0x80000047;
	s5 =	ssub.s32 $0x2, s8;
	s25 =	smul.u32 $0x138800, s8  }
0xb: {  	s9 =	sshll.u32 s8, $0x4;
	s17 =	smul.u32 $0x27100, s8;
	s4 =	sshrl.u32 s7, $0x3  }
0xc: {  	s14 =	sshrl.u32 s5, $0x1;
	s9 =	sor.u32 s12, s9;
	s23 =	sshrl.u32 s10, $0x2  }
0xd: {  	s4 =	sadd.s32 s4, s6;
	s14 =	ssub.s32 s5, s14;
	s9 =	smul.u32 $0x2710, s9  }
0xe: {  	s15 =	sadd.s32 s23, s2;
	s5 =	sor.u32 $0x1C03, s24;
	s6 =	sadd.s32 $0x3DE00, s6  }
0xf: {  	s28 =	sadd.s32 s7, s25;
	s30 =	sshrl.u32 s25, $0x3;
	s31 =	sadd.s32 s18, s17  }
0x10: {  	s17 =	simm.s32 $0x80;
	s18 =	simm.s32 $0x1;
	s4 =	sadd.s32 $0x16E00, s4  }
0x11: {  	s29 =	sshrl.u32 s28, $0x3;
	s10 =	smax.u32 s14, $0x1;
	s12 =	sshrl.u32 s15, $0x3  }
0x12: {  	s14 =	sshrl.u32 @!p0 s16, $0x3;
	s15 =	simm.s32 $0x16080;
	s9 =	sshrl.u32 s9, $0x3  }
0x13: {  	s16 =	simm.s32 $0x2;
	s8 =	sadd.s32 s13, s29;
	s26 =	sadd.s32 s11, s9  }
0x14: {  	s9 =	sadd.s32 s13, s30;
	s13 =	sshrl.u32 s31, $0x3;
	s7 =	sadd.s32 $0x4E0, s26  }
0x15: {  	s9 =	sadd.s32 $0x27000, s9;
	s11 =	sadd.s32 s13, s11;
	s13 =	simm.s32 $0x3  }
.LBB2_1:
0x16: {  	[spmem:s12], [sflag:s5] =	dma.local [hbm:s4], $0x2700  }
0x17: {  	_ =	swait.ge [sflag:s13], $0x2700  }
0x18: {  	[sflag:s13] =	ssyncset.done $0x0  }
0x19: {  	s22 =	simm.s32 @!p0 $0x3;
	[sflag:s13] =	ssyncadd.s32 $0xFFFFD900  }
0x1a: {  	[spmem:s14], [sflag:s5] =	dma.local @!p0 [hbm:s6], $0x100  }
0x1b: {  	_ =	swait.ge @!p0 [sflag:s22], $0x100  }
0x1c: {  	s23 =	simm.s32 $0x10;
	s25 =	sadd.s32 $0x0, s11;
	[sflag:s22] =	ssyncset.done @!p0 $0x0  }
0x1d: {  	s24 =	simm.s32 $0x13900;
	[sflag:s22] =	ssyncadd.s32 @!p0 $0xFFFFFF00;
	s22 =	simm.s32 $0x13880  }
0x1e: {  	[tilespmem:s15], [sflag:$0x2] =	stream.linear.gather [hbm4b:s1+s3], $0x4000, $0x38;
	[tilespmem:$0x1A100] =	vst v63  }
.LBB2_2:
0x1f: {  	[tilespmem:s22], [sflag:$0x2] =	stream.linear.gather [hbm4b:s25+s3], $0x80, $0x38;
	[tilespmem:$0x1A100] =	vst v63  }
0x20: {  	s25 =	smov.u32 s23;
	s22 =	smov.u32 s24;
	p1 =	sne.s32 s23, $0x4D0  }
.Ltmp0:
0x21: {  	s23 =	sadd.s32 $0x10, s23;
	(pc) =	sbr.rel @p1 .LBB2_2-.Ltmp0, $2  }
0x22: {  	_ =	sdelay $0x2  }
0x23: {  	s24 =	sadd.s32 $0x80, s24;
	s25 =	sadd.s32 s25, s11  }
0x24: {  	[tilespmem:s22], [sflag:$0x2] =	stream.linear.gather [hbm4b:s25+s3], $0x80, $0x38;
	[tilespmem:$0x1A100] =	vst v63  }
0x25: {  	_ =	swait.ge [sflag:s16], $0x4000  }
0x26: {  	[sflag:s16] =	ssyncset.done $0x0  }
0x27: {  	[sflag:s16] =	ssyncadd.s32 $0xFFFFC000  }
0x28: {  	_ =	swait.ge [sflag:s16], $0x80  }
0x29: {  	s22 =	simm.s32 $0x4D;
	[sflag:s16] =	ssyncset.done $0x0  }
.LBB2_4:
0x2a: {  	p1 =	sne.s32 s22, $0x1;
	s22 =	sadd.s32 $0xFFFFFFFF, s22;
	[sflag:s16] =	ssyncadd.s32 $0xFFFFFF80  }
.Ltmp1:
0x2b: {  	(pc) =	sbr.rel @p1 .LBB2_4-.Ltmp1, $3  }
0x2c: {  	_ =	sdelay $0x1  }
0x2d: {  	_ =	swait.ge [sflag:s16], $0x80  }
0x2e: {  	[sflag:s16] =	ssyncset.done $0x0  }
0x2f: {  	[sflag:s16] =	ssyncadd.s32 $0xFFFFFF80  }
0x30: {  	s22 =	simm.s32 $0x0;
	[bflag:$0x0] =	sbarrier.arrive $0xFFFF  }
.LBB2_6:
0x31: {  	p1 =	sne.s32 s22, $0x9A00  }
.Ltmp2:
0x32: {  	_ = 	snop;
	(pc) =	sbr.rel @p1 .LBB2_6-.Ltmp2, $4  }
0x33: {  	_ = 	snop  }
0x34: {  	s23 =	sshra.s32 s22, $0x2  }
0x35: {  	s22 =	sadd.s32 $0x200, s22;
	s23 =	sadd.s32 $0x13880, s23  }
0x36: {  	[spmem:s2] =	stream.indirect.scatter.add.f32 [tilespmem:s15], [sflag:$0x1], $0x80, s23, s17, $0xb8;
	[tilespmem:$0x1A100] =	vst v63  }
0x37: {  	_ =	swait.ge [sflag:s18], $0x4000  }
0x38: {  	s22 =	simm.s32 $0x4D;
	[sflag:s18] =	ssyncset.done $0x0  }
.LBB2_8:
0x39: {  	p1 =	sne.s32 s22, $0x1;
	s22 =	sadd.s32 $0xFFFFFFFF, s22;
	[sflag:s18] =	ssyncadd.s32 $0xFFFFC000  }
.Ltmp3:
0x3a: {  	(pc) =	sbr.rel @p1 .LBB2_8-.Ltmp3, $3  }
0x3b: {  	_ =	sdelay $0x1  }
0x3c: {  	_ =	swait.ge [sflag:s18], $0x4000  }
0x3d: {  	[sflag:s18] =	ssyncset.done $0x0  }
0x3e: {  	[sflag:s18] =	ssyncadd.s32 $0xFFFFC000  }
0x3f: {  	[tilespmem:s19], [sflag:$0x3] =	stream.linear.gather [hbm4b:s7+s3], $0x10, $0x38;
	[tilespmem:$0x1A100] =	vst v63  }
0x40: {  	_ =	swait.ge [sflag:s13], $0x10  }
0x41: {  	[sflag:s13] =	ssyncset.done $0x0  }
0x42: {  	[sflag:s13] =	ssyncadd.s32 $0xFFFFFFF0  }
0x43: {  	[spmem:s2] =	stream.indirect.scatter.add.f32 [tilespmem:s15], [sflag:$0x3], $0x80, s19, s20, $0xb8;
	[tilespmem:$0x1A100] =	vst v63  }
0x44: {  	_ =	swait.ge [sflag:s13], $0x800  }
0x45: {  	[sflag:s13] =	ssyncset.done $0x0  }
0x46: {  	[sflag:s13] =	ssyncadd.s32 $0xFFFFF800  }
0x47: {  	[bflag:$0x0] =	sbarrier.arrive $0xFFFF  }
0x48: {  	[hbm:s8], [sflag:s5] =	dma.local [spmem:s12], $0x2700  }
0x49: {  	s21 =	sadd.s32 $0x1, s21;
	_ =	swait.ge [sflag:s13], $0x2700  }
0x4a: {  	p1 =	sne.s32 s21, s10;
	[sflag:s13] =	ssyncset.done $0x0  }
.Ltmp4:
0x4b: {  	s22 =	simm.s32 @!p0 $0x3;
	[sflag:s13] =	ssyncadd.s32 $0xFFFFD900;
	(pc) =	sbr.rel @p1 .LBB2_1-.Ltmp4, $4  }
0x4c: {  	[hbm:s9], [sflag:s5] =	dma.local @!p0 [spmem:s14], $0x100  }
0x4d: {  	_ =	swait.ge @!p0 [sflag:s22], $0x100  }
0x4e: {  	[sflag:s22] =	ssyncset.done @!p0 $0x0  }
0x4f: {  	[sflag:s22] =	ssyncadd.s32 @!p0 $0xFFFFFF00  }
0x50: {  	_ =	sfence.sel $0x180000  }
0x51: {  	[bflag:$0x0] =	sbarrier.arrive $0xFFFF  }
0x52: {  	_ =	strace $0x90000047  }
0x53: {  	s0 =	sadd.s32 @!p0 $0x100000, s0;
	[bflag:$0x2] =	sbarrier.arrive $0xFFFF  }
0x54: {  	[sflag:s0] =	ssyncadd.tile.s32 @!p0 $0x1;
	_ =	shalt  }
.Lfunc_end2:
_tile_overlayer_lowered:
.L_overlay_start_2:
0x55: {  	(tag) =	ssettag $0x2  }
0x56: {  	s0 =	rddreg [dreg:$0x0];
	s2 =	stileid.u32  }
0x57: {  	s1 =	rddreg [dreg:$0x1];
	p0 =	sne.s32 s2, $0x0  }
0x58: {  	s3 =	rddreg [dreg:$0x2];
	[bflag:$0x3] =	sbarrier.arrive $0xFFFF;
	s2 =	simm.s32 @!p0 $0x1C03  }
0x59: {  	[timem:s3], [sflag:s2] =	dma.local @!p0 [hbm:s0], s1  }
0x5a: {  	s0 =	simm.s32 @!p0 $0x3  }
0x5b: {  	_ =	swait.ge @!p0 [sflag:s0], s1  }
0x5c: {  	s1 =	ssub.s32 @!p0 $0x0, s1;
	[sflag:s0] =	ssyncset.done @!p0 $0x0  }
0x5d: {  	[sflag:s0] =	ssyncadd.s32 @!p0 s1  }
0x5e: {  	[bflag:$0x3] =	sbarrier.arrive $0xFFFF  }
0x5f: {  	_ =	shalt  }

// kernel: kernel.14.cloned.1.call-start
scs
__scs_entry_jumppad:
0x0: {  	(pc) =	sbr.rel $0x88, $3  }
0x1: {  	(tag) =	ssettag $0x0;
	lr =	simm.s32 $0x1  }
0x2: {  	[smem:$0x3F95] =	sst lr;
	_ =	strace $0xD0000000  }
0x3: {  	_ = 	snop  }
0x4: {  	_ = 	snop  }
0x5: {  	_ = 	snop  }
0x6: {  	_ = 	snop  }
0x7: {  	_ = 	snop  }
__scs_overlays_trampoline_lowered:
0x8: {  	[smem:$0x3FA4] =	sst s0  }
0x9: {  	[smem:$0x3FA5] =	sst s1  }
0xa: {  	[smem:$0x3FA6] =	sst s2  }
0xb: {  	[smem:$0x3FA7] =	sst s3  }
0xc: {  	[smem:$0x3FA8] =	sst s4  }
0xd: {  	[smem:$0x3FA9] =	sst s5  }
0xe: {  	[smem:$0x3FAA] =	sst s6  }
0xf: {  	[smem:$0x3FAB] =	sst s7  }
0x10: {  	[smem:$0x3FAC] =	sst s8  }
0x11: {  	[smem:$0x3FAD] =	sst s9;
	s0 =	simm.s32 @!p0 $0x0  }
0x12: {  	s1 =	sld [smem:$0x3F93];
	s0 =	simm.s32 @p0 $0x1  }
0x13: {  	[smem:$0x3FAE] =	sst s0;
	s0 =	simm.s32 @!p1 $0x0  }
0x14: {  	s2 =	sld [smem:$0x3F92];
	s0 =	simm.s32 @p1 $0x1  }
0x15: {  	[smem:$0x3FAF] =	sst s0;
	s0 =	simm.s32 @!p2 $0x0  }
0x16: {  	s3 =	sld [smem:$0x3FDB];
	s0 =	simm.s32 @p2 $0x1  }
0x17: {  	s4 =	simm.s32 $0x1BF5;
	[smem:$0x3FB1] =	sst s0  }
0x18: {  	s0 =	sld [smem:$0x3F94];
	_ =	swait.ge [sflag:s4], $0x0  }
0x19: {  	s7 =	sld [smem:$0x3F95]  }
0x1a: {  	s8 =	sadd.s32 $0xFFFFE003, lr  }
0x1b: {  	s9 =	sadd.s32 $0xFFFFFEF7, lr;
	s5 =	simm.s32 $0xFFFFFFFF;
	p2 =	slt.u32 s8, $0xFFFFF086  }
0x1c: {  	p1 =	slt.u32 s9, $0xF7A;
	s5 =	simm.s32 @!p2 $0x0  }
0x1d: {  	s5 =	simm.s32 @p1 $0x1;
	p0 =	seq.s32 s7, s2  }
0x1e: {  	s7 =	smul.u32 @!p0 $0xF7A, s2;
	p2 =	seq.s32 @!p0 s5, $0x0  }
0x1f: {  	s9 =	smul.u32 $0xF7A, s1;
	s8 =	simm.s32 @!p0 $0x1BF5;
	p2 =	por !p2, p0  }
0x20: {  	[sflag:s8] =	ssyncset.s32 @!p0 $0xFFFFF086;
	s6 =	sadd.s32 @!p0 s3, s7;
	s7 =	simm.s32 @!p0 $0x108  }
0x21: {  	s3 =	sadd.s32 s3, s9;
	s6 =	sadd.s32 @!p0 $0x88, s6;
	s7 =	simm.s32 @p2 $0x1082  }
0x22: {  	[simem:s7], [sflag:s8] =	dma.local @!p0 [hbm:s6], $0xF7A  }
0x23: {  	s9 =	sor.u32 $0xD0000000, s2;
	s6 =	simm.s32 $0x108;
	_ =	swait.ge @!p0 [sflag:s8], $0x0  }
0x24: {  	s3 =	sadd.s32 $0x88, s3;
	s6 =	simm.s32 @!p1 $0x1082;
	[sflag:s4] =	ssyncset.s32 $0xFFFFF086  }
0x25: {  	[simem:s6], [sflag:s4] =	dma.local [hbm:s3], $0xF7A  }
0x26: {  	[smem:$0x3F95] =	sst s1;
	(tag) =	ssettag s2;
	_ =	strace s9  }
0x27: {  	s1 =	sld [smem:$0x3FA5]  }
0x28: {  	s2 =	sld [smem:$0x3FA6]  }
0x29: {  	s4 =	sld [smem:$0x3FA8]  }
0x2a: {  	p0 =	seq.s32 s5, $0x0;
	s5 =	sld [smem:$0x3FA9]  }
0x2b: {  	s6 =	sld [smem:$0x3FAA]  }
0x2c: {  	s7 =	sld [smem:$0x3FAB]  }
0x2d: {  	s3 =	simm.s32 $0x108;
	s8 =	sld [smem:$0x3FAC]  }
0x2e: {  	s3 =	simm.s32 @!p0 $0x1082;
	s9 =	sld [smem:$0x3FAD]  }
0x2f: {  	lr =	sadd.s32 s0, s3;
	s0 =	sld [smem:$0x3FA4]  }
0x30: {  	s3 =	sld [smem:$0x3FA7]  }
0x31: {  	[smem:$0x3FB0] =	sst s10  }
0x32: {  	s10 =	sld [smem:$0x3FAE];
	_ =	sdelay $0x3  }
0x33: {  	p0 =	seq.s32 s10, $0x1;
	s10 =	sld [smem:$0x3FB0];
	_ =	sdelay $0x3  }
0x34: {  	[smem:$0x3FB0] =	sst s10  }
0x35: {  	s10 =	sld [smem:$0x3FAF];
	_ =	sdelay $0x3  }
0x36: {  	p1 =	seq.s32 s10, $0x1;
	s10 =	sld [smem:$0x3FB0];
	_ =	sdelay $0x3  }
0x37: {  	[smem:$0x3FB0] =	sst s10  }
0x38: {  	s10 =	sld [smem:$0x3FB1]  }
0x39: {  	_ = 	snop;
	(pc) =	sbr.ind lr, $3  }
0x3a: {  	_ = 	snop  }
0x3b: {  	_ = 	snop  }
0x3c: {  	p2 =	seq.s32 s10, $0x1;
	s10 =	sld [smem:$0x3FB0]  }
0x3d: {  	_ =	shalt  }
0x3e: {  	_ =	shalt  }
0x3f: {  	_ =	shalt  }
0x40: {  	_ =	shalt  }
0x41: {  	_ =	shalt  }
0x42: {  	_ =	shalt  }
0x43: {  	_ =	shalt  }
0x44: {  	_ =	shalt  }
0x45: {  	_ =	shalt  }
0x46: {  	_ =	shalt  }
0x47: {  	_ =	shalt  }
0x48: {  	_ =	shalt  }
0x49: {  	_ =	shalt  }
0x4a: {  	_ =	shalt  }
0x4b: {  	_ =	shalt  }
0x4c: {  	_ =	shalt  }
0x4d: {  	_ =	shalt  }
0x4e: {  	_ =	shalt  }
0x4f: {  	_ =	shalt  }
0x50: {  	_ =	shalt  }
0x51: {  	_ =	shalt  }
0x52: {  	_ =	shalt  }
0x53: {  	_ =	shalt  }
0x54: {  	_ =	shalt  }
0x55: {  	_ =	shalt  }
0x56: {  	_ =	shalt  }
0x57: {  	_ =	shalt  }
0x58: {  	_ =	shalt  }
0x59: {  	_ =	shalt  }
0x5a: {  	_ =	shalt  }
0x5b: {  	_ =	shalt  }
0x5c: {  	_ =	shalt  }
0x5d: {  	_ =	shalt  }
0x5e: {  	_ =	shalt  }
0x5f: {  	_ =	shalt  }
0x60: {  	_ =	shalt  }
0x61: {  	_ =	shalt  }
0x62: {  	_ =	shalt  }
0x63: {  	_ =	shalt  }
0x64: {  	_ =	shalt  }
0x65: {  	_ =	shalt  }
0x66: {  	_ =	shalt  }
0x67: {  	_ =	shalt  }
0x68: {  	_ =	shalt  }
0x69: {  	_ =	shalt  }
0x6a: {  	_ =	shalt  }
0x6b: {  	_ =	shalt  }
0x6c: {  	_ =	shalt  }
0x6d: {  	_ =	shalt  }
0x6e: {  	_ =	shalt  }
0x6f: {  	_ =	shalt  }
0x70: {  	_ =	shalt  }
0x71: {  	_ =	shalt  }
0x72: {  	_ =	shalt  }
0x73: {  	_ =	shalt  }
0x74: {  	_ =	shalt  }
0x75: {  	_ =	shalt  }
0x76: {  	_ =	shalt  }
0x77: {  	_ =	shalt  }
0x78: {  	_ =	shalt  }
0x79: {  	_ =	shalt  }
0x7a: {  	_ =	shalt  }
0x7b: {  	_ =	shalt  }
0x7c: {  	_ =	shalt  }
0x7d: {  	_ =	shalt  }
0x7e: {  	_ =	shalt  }
0x7f: {  	_ =	shalt  }
0x80: {  	_ =	shalt  }
0x81: {  	_ =	shalt  }
0x82: {  	_ =	shalt  }
0x83: {  	_ =	shalt  }
0x84: {  	_ =	shalt  }
0x85: {  	_ =	shalt  }
0x86: {  	_ =	shalt  }
0x87: {  	_ =	shalt  }
.Lfunc_end0:
.L_simem_size_0:
called_computation.1_lowered:
.L_overlay_start_0:
0x88: {  	s2 =	sld [smem:$0x3FD9]  }
0x89: {  	s3 =	sld [smem:$0x3FFE];
	_ =	sdelay $0x1  }
0x8a: {  	s1 =	srdreg.scid  }
0x8b: {  	s0 =	sand.u32 $0x1, s1  }
0x8c: {  	s16 =	sshll.u32 s0, $0xA;
	s2 =	sadd.s32 s3, s2  }
0x8d: {  	s2 =	sadd.s32 s2, s16  }
0x8e: {  	[smem:$0x3FBC] =	sst s2  }
0x8f: {  	_ = 	snop  }
0x90: {  	(tm) =	ssettm $0x1  }
0x91: {  	s17 =	sld [smem:$0x3FFB];
	_ =	sdelay $0x3  }
0x92: {  	_ =	strace s17  }
0x93: {  	s2 =	sld [smem:$0x3FFC];
	_ =	sdelay $0x3  }
0x94: {  	_ =	strace s2  }
0x95: {  	s2 =	sld [smem:$0x3FFD];
	_ =	sdelay $0x3  }
0x96: {  	_ =	strace s2  }
0x97: {  	_ =	strace $0x8FFFFFFF  }
0x98: {  	s18 =	sld [smem:$0x3FDB];
	_ =	sdelay $0x1  }
0x99: {  	s19 =	simm.s32 $_scs_section_size  }
0x9a: {  	s4 =	simm.s32 $_size__tile_overlayer_lowered;
	s5 =	simm.s32 $_tile_overlayer_lowered  }
0x9b: {  	s22 =	simm.s32 $0x1BFF;
	s21 =	sshll.u32 s5, $0x1;
	s2 =	sadd.s32 s19, s18  }
0x9c: {  	s6 =	simm.s32 $0x0;
	s20 =	sshll.u32 s4, $0x1;
	s4 =	sadd.s32 s21, s2  }
0x9d: {  	[timem:s6], [sflag:s22] =	dma.local [hbm:s4], s20  }
0x9e: {  	_ =	swait.ge [sflag:s22], s20  }
0x9f: {  	s3 =	ssub.s32 $0x0, s20;
	[sflag:s22] =	ssyncset.done $0x0  }
0xa0: {  	[sflag:s22] =	ssyncadd.s32 s3;
	_ =	sdelay $0x1  }
0xa1: {  	s23 =	simm.s32 $0x1B8B  }
0xa2: {  	_ =	swait.ge [sflag:s23], $0x1  }
0xa3: {  	[sflag:s23] =	ssyncset.done $0x0  }
0xa4: {  	s25 =	simm.s32 $0x1B8E;
	s24 =	sld [smem:$0x3FFE];
	[sflag:s23] =	ssyncadd.s32 $0xFFFFFFFF  }
0xa5: {  	s26 =	simm.s32 $execute0_lowered;
	[smem:$0x3FD2] =	sst s25  }
0xa6: {  	s4 =	sshll.u32 s26, $0x1;
	_ =	strace $0x80000049;
	[dreg:$0x1] =	wrdreg $0xFFFFFFFF  }
0xa7: {  	s28 =	simm.s32 $_size_execute0_lowered;
	s2 =	sadd.s32 s2, s4;
	[dreg:$0x0] =	wrdreg $0x0  }
0xa8: {  	s4 =	sshll.u32 s28, $0x1;
	[dreg:$0x2] =	wrdreg s2  }
0xa9: {  	[dreg:$0x3] =	wrdreg s4  }
0xaa: {  	[dreg:$0x4] =	wrdreg $0xC0  }
0xab: {  	_ =	task [dreg:s6], $0x5FFFF  }
0xac: {  	[dreg:$0x1] =	wrdreg $0xFFFFFFFF  }
0xad: {  	[dreg:$0x0] =	wrdreg $0x60  }
0xae: {  	[dreg:$0x2] =	wrdreg s24  }
0xaf: {  	[dreg:$0x3] =	wrdreg $0x0  }
0xb0: {  	[dreg:$0x4] =	wrdreg $0x9  }
0xb1: {  	_ =	task.clear_ibuf [dreg:s6], $0x5FFFF;
	_ =	strace $0x90000049  }
0xb2: {  	s29 =	simm.s32 $0x9;
	_ =	strace $0x8000004B  }
0xb3: {  	_ =	swait.ge [sflag:s29], $0x1  }
0xb4: {  	[sflag:s29] =	ssyncadd.s32 $0xFFFFFFFF  }
0xb5: {  	_ =	strace $0x9000004B  }
0xb6: {  	_ =	sfence  }
0xb7: {  	s30 =	sld [smem:$0x0];
	_ =	sdelay $0x2  }
0xb8: {  	s31 =	sshll.u32 s1, $0xD;
	s1 =	sshrl.u32 s1, $0x2  }
0xb9: {  	s3 =	sand.u32 $0x4000, s31;
	s1 =	sadd.s32 s1, s30  }
0xba: {  	s0 =	sor.u32 s3, s0;
	s1 =	sshll.u32 s1, $0x11  }
0xbb: {  	s0 =	sor.u32 s1, s0  }
0xbc: {  	s0 =	sadd.s32 $0x8F2B, s0  }
0xbd: {  	[sflag:s0] =	ssyncadd.remote.s32 $0x1  }
0xbe: {  	_ =	sfence.sel $0xFFFF  }
0xbf: {  	[dreg:$0x0] =	wrdreg $0xFFFFFFFF;
	(pc) =	sbr.abs _section_cstart, $3  }
0xc0: {  	[dreg:$0x1] =	wrdreg $0xFFFFFFFF  }
0xc1: {  	_ =	task.clear_ibuf [dreg:s6], $0x2FFFF;
	_ =	strace $0x9FFFFFFF  }
0xc2: {  	(tm) =	ssettm $0x7FFFFFFF  }
0xc3: {  	_ =	shalt  }
tec
execute0_lowered:
.L_overlay_start_1:
0x0: {  	(tag) =	ssettag $0x1  }
0x1: {  	s0 =	rddreg [dreg:$0x0]  }
0x2: {  	s1 =	rddreg [dreg:$0x1]  }
0x3: {  	s2 =	simm.s32 $0x0;
	s4 =	srdreg.scid;
	s15 =	stileid.u32  }
0x4: {  	s28 =	simm.s32 $0x16080;
	s30 =	simm.s32 $0x4;
	s31 =	simm.s32 $0x1A080  }
0x5: {  	s29 =	simm.s32 $0x6;
	[smem:$0x7FF] =	sst s2;
	s3 =	sadd.s32 $0x3E000, s0  }
0x6: {  	s4 =	sand.u32 $0x1, s4;
	s5 =	sadd.s32 $0x3200, s0;
	s8 =	smul.u32 $0x4E000, s15  }
0x7: {  	s7 =	sadd.s32 $0xD000, s0;
	s12 =	sadd.s32 $0x16E00, s0;
	s11 =	smul.u32 $0x2700, s15  }
0x8: {  	s0 =	sadd.s32 $0x65200, s0;
	p2 =	seq.s32 s15, $0x0;
	p0 =	sne.s32 s15, $0x0  }
0x9: {  	_ =	strace $0x8000004A;
	s6 =	sshll.u32 s4, $0x4;
	s14 =	smul.u32 $0x138800, s4  }
0xa: {  	s9 =	ssub.s32 $0x2, s4;
	[dreg:$0x3] =	wrdreg s12;
	s19 =	smul.u32 $0x27100, s4  }
0xb: {  	p1 =	sne.s32 s4, $0x0;
	s4 =	simm.s32 $0x1E180;
	s6 =	sor.u32 s15, s6  }
0xc: {  	s10 =	sshrl.u32 s9, $0x1;
	s8 =	sshrl.u32 s8, $0x2;
	s13 =	sadd.s32 s12, s11  }
0xd: {  	s11 =	sadd.s32 s3, s11;
	s6 =	smul.u32 $0x2710, s6;
	[dreg:$0x5] =	wrdreg s13  }
0xe: {  	s10 =	ssub.s32 s9, s10;
	s8 =	sadd.s32 s8, s1;
	[dreg:$0x6] =	wrdreg s11  }
0xf: {  	s13 =	smul.u32 $0x13800, s15;
	s12 =	sshrl.u32 s14, $0x3;
	[dreg:$0x4] =	wrdreg s8  }
0x10: {  	s8 =	sadd.s32 $0x138000, s1;
	s21 =	smax.u32 s10, $0x1;
	s6 =	sshrl.u32 s6, $0x3  }
0x11: {  	s10 =	simm.s32 $0x5;
	s18 =	sadd.s32 s13, s14;
	s9 =	sadd.s32 s5, s6  }
0x12: {  	[dreg:$0xc] =	wrdreg s21;
	s6 =	sadd.s32 $0x4E0, s6;
	s16 =	sadd.s32 $0x10, s9  }
0x13: {  	s14 =	smul.u32 $0x2710, s15;
	s17 =	sadd.s32 s5, s6;
	[dreg:$0x7] =	wrdreg s16  }
0x14: {  	s11 =	sshrl.u32 s18, $0x3;
	s6 =	sadd.s32 s7, s6;
	[dreg:$0x8] =	wrdreg s17  }
0x15: {  	s20 =	sadd.s32 s0, s11;
	s0 =	sadd.s32 s0, s12;
	[dreg:$0x9] =	wrdreg s6  }
0x16: {  	s22 =	sadd.s32 s14, s19;
	s23 =	sadd.s32 $0x20, s9;
	[dreg:$0xa] =	wrdreg s20  }
0x17: {  	s24 =	sadd.s32 $0x30, s9;
	s11 =	simm.s32 $0x1E280;
	[dreg:$0xd] =	wrdreg s23  }
0x18: {  	s12 =	simm.s32 $0x0;
	s0 =	sadd.s32 $0x27000, s0;
	[dreg:$0xe] =	wrdreg s24  }
0x19: {  	s25 =	sadd.s32 $0x280, s22;
	s26 =	sshrl.u32 s22, $0x3;
	s23 =	simm.s32 $0x1  }
0x1a: {  	s24 =	simm.s32 $0x1E080;
	[dreg:$0xb] =	wrdreg s0;
	s6 =	sshrl.u32 s25, $0x3  }
0x1b: {  	s0 =	sadd.s32 $0x200, s22;
	s19 =	sadd.s32 s26, s7;
	s22 =	simm.s32 $0x3  }
0x1c: {  	s25 =	simm.s32 $0x1E100;
	s26 =	simm.s32 $0x80;
	s7 =	simm.s32 $0x7  }
0x1d: {  	s20 =	sadd.s32 s6, s5;
	s0 =	sshrl.u32 s0, $0x3;
	s6 =	simm.s32 $0x10  }
0x1e: {  	s21 =	sadd.s32 s0, s5;
	s0 =	simm.s32 $0x2;
	s5 =	simm.s32 $0x1E200  }
.LBB2_1:
.Ltmp0:
0x1f: {  	(pc) =	sbr.rel @p1 .LBB2_3-.Ltmp0, $4  }
0x20: {  	_ = 	snop  }
0x21: {  	s13 =	stileid.u32  }
0x22: {  	s14 =	rddreg [dreg:$0x4];
	s13 =	sshll.u32 s13, $0x6  }
0x23: {  	s14 =	sshrl.u32 s14, $0x3;
	s15 =	sor.u32 $0x1C01, s13  }
.Ltmp1:
0x24: {  	(pc) =	sbr.rel @!p2 .LBB2_5-.Ltmp1, $4  }
.Ltmp2:
0x25: {  	(pc) =	sbr.rel @p2 .LBB2_4-.Ltmp2, $4  }
0x26: {  	s15 =	sor.u32 $0x1C01, s13;
	s16 =	rddreg [dreg:$0x6]  }
0x27: {  	[spmem:s14], [sflag:s15] =	dma.local [hbm:s16], $0x2700  }
0x28: {  	s16 =	smov.u32 s3  }
0x29: {  	_ = 	snop  }
.LBB2_3:
.Ltmp3:
0x2a: {  	(pc) =	sbr.rel @p0 .LBB2_5-.Ltmp3, $4  }
0x2b: {  	_ = 	snop  }
0x2c: {  	s16 =	rddreg [dreg:$0x5]  }
0x2d: {  	[spmem:s14], [sflag:s15] =	dma.local [hbm:s16], $0x2700  }
0x2e: {  	s16 =	rddreg [dreg:$0x3]  }
.LBB2_4:
0x2f: {  	s16 =	sadd.s32 $0x27000, s16;
	s17 =	sshrl.u32 s8, $0x3  }
0x30: {  	[spmem:s17], [sflag:s15] =	dma.local [hbm:s16], $0x100  }
.LBB2_5:
0x31: {  	s15 =	simm.s32 $0x0;
	s16 =	simm.s32 $0x13880  }
.LBB2_6:
0x32: {  	p3 =	sne.s32 s15, $0x4D0  }
.Ltmp4:
0x33: {  	_ = 	snop;
	(pc) =	sbr.rel @p3 .LBB2_6-.Ltmp4, $4  }
0x34: {  	_ = 	snop  }
0x35: {  	s17 =	sadd.s32 s15, s19  }
0x36: {  	[tilespmem:s16], [sflag:$0x3] =	stream.linear.gather [hbm4b:s17+s2], $0x80, $0x38;
	[tilespmem:$0x1EA80] =	vst v63  }
0x37: {  	s15 =	sadd.s32 $0x10, s15;
	s16 =	sadd.s32 $0x80, s16  }
0x38: {  	_ =	swait.ge [sflag:s22], $0x80  }
0x39: {  	s15 =	simm.s32 $0x4D;
	[sflag:s22] =	ssyncset.done $0x0  }
.LBB2_8:
0x3a: {  	p3 =	sne.s32 s15, $0x1;
	s15 =	sadd.s32 $0xFFFFFFFF, s15;
	[sflag:s22] =	ssyncadd.s32 $0xFFFFFF80  }
.Ltmp5:
0x3b: {  	(pc) =	sbr.rel @p3 .LBB2_8-.Ltmp5, $3  }
0x3c: {  	_ =	sdelay $0x1  }
0x3d: {  	_ =	swait.ge [sflag:s22], $0x80  }
0x3e: {  	[sflag:s22] =	ssyncset.done $0x0  }
0x3f: {  	[sflag:s22] =	ssyncadd.s32 $0xFFFFFF80  }
0x40: {  	_ =	swait.ge [sflag:s23], $0x2700  }
0x41: {  	[sflag:s23] =	ssyncset.done $0x0  }
0x42: {  	s15 =	simm.s32 @!p0 $0x1;
	[sflag:s23] =	ssyncadd.s32 $0xFFFFD900  }
0x43: {  	_ =	swait.ge @!p0 [sflag:s15], $0x100  }
0x44: {  	[sflag:s15] =	ssyncset.done @!p0 $0x0  }
0x45: {  	[sflag:s15] =	ssyncadd.s32 @!p0 $0xFFFFFF00  }
0x46: {  	s15 =	simm.s32 $0x0;
	[bflag:$0x0] =	sbarrier.arrive $0xFFFF  }
0x47: {  	[tilespmem:s24], [sflag:$0x3] =	stream.linear.gather [hbm4b:s9+s15], $0x80, $0x38;
	[tilespmem:$0x1EA80] =	vst v63  }
0x48: {  	s16 =	rddreg [dreg:$0x7]  }
0x49: {  	[tilespmem:s25], [sflag:$0x4] =	stream.linear.gather [hbm4b:s16+s15], $0x80, $0x38;
	[tilespmem:$0x1EA80] =	vst v63  }
0x4a: {  	_ =	swait.ge [sflag:s22], $0x80  }
0x4b: {  	[sflag:s22] =	ssyncset.done $0x0  }
0x4c: {  	[sflag:s22] =	ssyncadd.s32 $0xFFFFFF80  }
0x4d: {  	[tilespmem:s28], [sflag:$0x1] =	stream.indirect.gather [hbm4b:s3+s26], $0x80, s24, s26, $0xb8;
	[tilespmem:$0x1EA80] =	vst v63  }
0x4e: {  	_ =	swait.ge [sflag:s23], $0x4000  }
0x4f: {  	[sflag:s23] =	ssyncset.done $0x0  }
0x50: {  	s17 =	simm.s32 $0x13880;
	[sflag:s23] =	ssyncadd.s32 $0xFFFFC000  }
0x51: {  	[spmem:s1] =	stream.indirect.scatter.add.f32 [tilespmem:s28], [sflag:$0x5], $0x80, s17, s26, $0xb8;
	[tilespmem:$0x1EA80] =	vst v63  }
0x52: {  	_ =	swait.ge [sflag:s30], $0x80  }
0x53: {  	[sflag:s30] =	ssyncset.done $0x0  }
0x54: {  	[sflag:s30] =	ssyncadd.s32 $0xFFFFFF80  }
0x55: {  	[tilespmem:s31], [sflag:$0x2] =	stream.indirect.gather [hbm4b:s3+s26], $0x80, s25, s26, $0xb8;
	[tilespmem:$0x1EA80] =	vst v63  }
0x56: {  	s18 =	rddreg [dreg:$0xd]  }
0x57: {  	[tilespmem:s24], [sflag:$0x3] =	stream.linear.gather [hbm4b:s18+s15], $0x80, $0x38;
	[tilespmem:$0x1EA80] =	vst v63  }
0x58: {  	_ =	swait.ge [sflag:s0], $0x4000  }
0x59: {  	[sflag:s0] =	ssyncset.done $0x0  }
0x5a: {  	s17 =	simm.s32 $0x13900;
	[sflag:s0] =	ssyncadd.s32 $0xFFFFC000  }
0x5b: {  	[spmem:s1] =	stream.indirect.scatter.add.f32 [tilespmem:s31], [sflag:$0x6], $0x80, s17, s26, $0xb8;
	[tilespmem:$0x1EA80] =	vst v63  }
0x5c: {  	_ =	swait.ge [sflag:s10], $0x4000  }
0x5d: {  	[sflag:s10] =	ssyncset.done $0x0  }
0x5e: {  	[sflag:s10] =	ssyncadd.s32 $0xFFFFC000  }
0x5f: {  	_ =	swait.ge [sflag:s22], $0x80  }
0x60: {  	[sflag:s22] =	ssyncset.done $0x0  }
0x61: {  	[sflag:s22] =	ssyncadd.s32 $0xFFFFFF80  }
0x62: {  	[tilespmem:s28], [sflag:$0x1] =	stream.indirect.gather [hbm4b:s3+s26], $0x80, s24, s26, $0xb8;
	[tilespmem:$0x1EA80] =	vst v63  }
0x63: {  	s18 =	rddreg [dreg:$0xe]  }
0x64: {  	[tilespmem:s25], [sflag:$0x4] =	stream.linear.gather [hbm4b:s18+s15], $0x80, $0x38;
	[tilespmem:$0x1EA80] =	vst v63  }
0x65: {  	_ =	swait.ge [sflag:s23], $0x4000  }
0x66: {  	[sflag:s23] =	ssyncset.done $0x0  }
0x67: {  	s17 =	simm.s32 $0x13980;
	[sflag:s23] =	ssyncadd.s32 $0xFFFFC000  }
0x68: {  	[spmem:s1] =	stream.indirect.scatter.add.f32 [tilespmem:s28], [sflag:$0x5], $0x80, s17, s26, $0xb8;
	[tilespmem:$0x1EA80] =	vst v63  }
0x69: {  	_ =	swait.ge [sflag:s29], $0x4000  }
0x6a: {  	[sflag:s29] =	ssyncset.done $0x0  }
0x6b: {  	[sflag:s29] =	ssyncadd.s32 $0xFFFFC000  }
0x6c: {  	_ =	swait.ge [sflag:s30], $0x80  }
0x6d: {  	[sflag:s30] =	ssyncset.done $0x0  }
0x6e: {  	[sflag:s30] =	ssyncadd.s32 $0xFFFFFF80  }
0x6f: {  	[tilespmem:s31], [sflag:$0x2] =	stream.indirect.gather [hbm4b:s3+s26], $0x80, s25, s26, $0xb8;
	[tilespmem:$0x1EA80] =	vst v63  }
0x70: {  	s18 =	sadd.s32 $0x0, s21  }
0x71: {  	[tilespmem:s24], [sflag:$0x3] =	stream.linear.gather [hbm4b:s18+s2], $0x80, $0x38;
	[tilespmem:$0x1EA80] =	vst v63  }
0x72: {  	_ =	swait.ge [sflag:s0], $0x4000  }
0x73: {  	[sflag:s0] =	ssyncset.done $0x0  }
0x74: {  	s16 =	simm.s32 $0x13A00;
	[sflag:s0] =	ssyncadd.s32 $0xFFFFC000  }
0x75: {  	[spmem:s1] =	stream.indirect.scatter.add.f32 [tilespmem:s31], [sflag:$0x6], $0x80, s16, s26, $0xb8;
	[tilespmem:$0x1EA80] =	vst v63  }
0x76: {  	_ =	swait.ge [sflag:s10], $0x4000  }
0x77: {  	[sflag:s10] =	ssyncset.done $0x0  }
0x78: {  	[sflag:s10] =	ssyncadd.s32 $0xFFFFC000  }
0x79: {  	_ =	swait.ge [sflag:s22], $0x80  }
0x7a: {  	[sflag:s22] =	ssyncset.done $0x0  }
0x7b: {  	[sflag:s22] =	ssyncadd.s32 $0xFFFFFF80  }
0x7c: {  	[tilespmem:s28], [sflag:$0x1] =	stream.indirect.gather [hbm4b:s3+s26], $0x80, s24, s26, $0xb8;
	[tilespmem:$0x1EA80] =	vst v63  }
0x7d: {  	s17 =	sadd.s32 $0x0, s20  }
0x7e: {  	[tilespmem:s25], [sflag:$0x4] =	stream.linear.gather [hbm4b:s17+s2], $0x80, $0x38;
	[tilespmem:$0x1EA80] =	vst v63  }
0x7f: {  	_ =	swait.ge [sflag:s23], $0x4000  }
0x80: {  	[sflag:s23] =	ssyncset.done $0x0  }
0x81: {  	s18 =	simm.s32 $0x13A80;
	[sflag:s23] =	ssyncadd.s32 $0xFFFFC000  }
0x82: {  	[spmem:s1] =	stream.indirect.scatter.add.f32 [tilespmem:s28], [sflag:$0x5], $0x80, s18, s26, $0xb8;
	[tilespmem:$0x1EA80] =	vst v63  }
0x83: {  	_ =	swait.ge [sflag:s29], $0x4000  }
0x84: {  	[sflag:s29] =	ssyncset.done $0x0  }
0x85: {  	[sflag:s29] =	ssyncadd.s32 $0xFFFFC000  }
0x86: {  	_ =	swait.ge [sflag:s30], $0x80  }
0x87: {  	[sflag:s30] =	ssyncset.done $0x0  }
0x88: {  	s15 =	simm.s32 $0x13B00;
	s16 =	simm.s32 $0x20;
	[sflag:s30] =	ssyncadd.s32 $0xFFFFFF80  }
.LBB2_10:
0x89: {  	[tilespmem:s31], [sflag:$0x2] =	stream.indirect.gather [hbm4b:s3+s26], $0x80, s25, s26, $0xb8;
	[tilespmem:$0x1EA80] =	vst v63  }
0x8a: {  	s17 =	smov.u32 s16  }
0x8b: {  	p3 =	sne.s32 s16, $0x480;
	s16 =	sadd.s32 $0x20, s16;
	s18 =	sadd.s32 s17, s21  }
0x8c: {  	[tilespmem:s24], [sflag:$0x3] =	stream.linear.gather [hbm4b:s18+s2], $0x80, $0x38;
	[tilespmem:$0x1EA80] =	vst v63  }
0x8d: {  	_ =	swait.ge [sflag:s0], $0x4000  }
0x8e: {  	[sflag:s0] =	ssyncset.done $0x0  }
0x8f: {  	[sflag:s0] =	ssyncadd.s32 $0xFFFFC000  }
0x90: {  	[spmem:s1] =	stream.indirect.scatter.add.f32 [tilespmem:s31], [sflag:$0x6], $0x80, s15, s26, $0xb8;
	[tilespmem:$0x1EA80] =	vst v63  }
0x91: {  	_ =	swait.ge [sflag:s10], $0x4000  }
0x92: {  	[sflag:s10] =	ssyncset.done $0x0  }
0x93: {  	[sflag:s10] =	ssyncadd.s32 $0xFFFFC000  }
0x94: {  	_ =	swait.ge [sflag:s22], $0x80  }
0x95: {  	[sflag:s22] =	ssyncset.done $0x0  }
0x96: {  	[sflag:s22] =	ssyncadd.s32 $0xFFFFFF80  }
0x97: {  	[tilespmem:s28], [sflag:$0x1] =	stream.indirect.gather [hbm4b:s3+s26], $0x80, s24, s26, $0xb8;
	[tilespmem:$0x1EA80] =	vst v63  }
0x98: {  	s17 =	sadd.s32 s17, s20  }
0x99: {  	[tilespmem:s25], [sflag:$0x4] =	stream.linear.gather [hbm4b:s17+s2], $0x80, $0x38;
	[tilespmem:$0x1EA80] =	vst v63  }
0x9a: {  	_ =	swait.ge [sflag:s23], $0x4000  }
0x9b: {  	[sflag:s23] =	ssyncset.done $0x0  }
0x9c: {  	s17 =	sadd.s32 $0x80, s15;
	[sflag:s23] =	ssyncadd.s32 $0xFFFFC000  }
0x9d: {  	[spmem:s1] =	stream.indirect.scatter.add.f32 [tilespmem:s28], [sflag:$0x5], $0x80, s17, s26, $0xb8;
	[tilespmem:$0x1EA80] =	vst v63  }
0x9e: {  	_ =	swait.ge [sflag:s29], $0x4000  }
.Ltmp6:
0x9f: {  	[sflag:s29] =	ssyncset.done $0x0;
	(pc) =	sbr.rel @p3 .LBB2_10-.Ltmp6, $4  }
0xa0: {  	[sflag:s29] =	ssyncadd.s32 $0xFFFFC000  }
0xa1: {  	_ =	swait.ge [sflag:s30], $0x80  }
0xa2: {  	[sflag:s30] =	ssyncset.done $0x0  }
0xa3: {  	s15 =	sadd.s32 $0x100, s15;
	[sflag:s30] =	ssyncadd.s32 $0xFFFFFF80  }
0xa4: {  	[tilespmem:s31], [sflag:$0x2] =	stream.indirect.gather [hbm4b:s3+s26], $0x80, s25, s26, $0xb8;
	[tilespmem:$0x1EA80] =	vst v63  }
0xa5: {  	_ =	swait.ge [sflag:s0], $0x4000  }
0xa6: {  	[sflag:s0] =	ssyncset.done $0x0  }
0xa7: {  	[sflag:s0] =	ssyncadd.s32 $0xFFFFC000  }
0xa8: {  	[spmem:s1] =	stream.indirect.scatter.add.f32 [tilespmem:s31], [sflag:$0x6], $0x80, s15, s26, $0xb8;
	[tilespmem:$0x1EA80] =	vst v63  }
0xa9: {  	_ =	swait.ge [sflag:s10], $0x4000  }
0xaa: {  	[sflag:s10] =	ssyncset.done $0x0  }
0xab: {  	[sflag:s10] =	ssyncadd.s32 $0xFFFFC000  }
0xac: {  	_ =	swait.ge [sflag:s29], $0x4000  }
0xad: {  	[sflag:s29] =	ssyncset.done $0x0  }
0xae: {  	s18 =	rddreg [dreg:$0x8];
	[sflag:s29] =	ssyncadd.s32 $0xFFFFC000  }
0xaf: {  	[tilespmem:s4], [sflag:$0x7] =	stream.linear.gather [hbm4b:s18+s2], $0x10, $0x38;
	[tilespmem:$0x1EA80] =	vst v63  }
0xb0: {  	_ =	swait.ge [sflag:s7], $0x10  }
0xb1: {  	[sflag:s7] =	ssyncset.done $0x0  }
0xb2: {  	s16 =	rddreg [dreg:$0x9];
	[sflag:s7] =	ssyncadd.s32 $0xFFFFFFF0  }
0xb3: {  	[tilespmem:s5], [sflag:$0x7] =	stream.linear.gather [hbm4b:s16+s2], $0x10, $0x38;
	[tilespmem:$0x1EA80] =	vst v63  }
0xb4: {  	_ =	swait.ge [sflag:s7], $0x10  }
0xb5: {  	[sflag:s7] =	ssyncset.done $0x0  }
0xb6: {  	[sflag:s7] =	ssyncadd.s32 $0xFFFFFFF0  }
0xb7: {  	[tilespmem:s11], [sflag:$0x1] =	stream.indirect.gather [hbm4b:s3+s6], $0x80, s4, s6, $0xb8;
	[tilespmem:$0x1EA80] =	vst v63  }
0xb8: {  	_ =	swait.ge [sflag:s23], $0x800  }
0xb9: {  	[sflag:s23] =	ssyncset.done $0x0  }
0xba: {  	[sflag:s23] =	ssyncadd.s32 $0xFFFFF800  }
0xbb: {  	[spmem:s1] =	stream.indirect.scatter.add.f32 [tilespmem:s11], [sflag:$0x7], $0x80, s5, s6, $0xb8;
	[tilespmem:$0x1EA80] =	vst v63  }
0xbc: {  	_ =	swait.ge [sflag:s7], $0x800  }
0xbd: {  	[sflag:s7] =	ssyncset.done $0x0  }
0xbe: {  	[sflag:s7] =	ssyncadd.s32 $0xFFFFF800  }
0xbf: {  	[bflag:$0x0] =	sbarrier.arrive $0xFFFF  }
0xc0: {  	s13 =	sor.u32 $0x1C07, s13;
	s17 =	rddreg [dreg:$0xa]  }
0xc1: {  	[hbm:s17], [sflag:s13] =	dma.local [spmem:s14], $0x2700  }
0xc2: {  	_ =	swait.ge [sflag:s7], $0x2700  }
0xc3: {  	[sflag:s7] =	ssyncset.done $0x0  }
0xc4: {  	s14 =	sshrl.u32 @!p0 s8, $0x3;
	s15 =	rddreg [dreg:$0xb];
	[sflag:s7] =	ssyncadd.s32 $0xFFFFD900  }
0xc5: {  	[hbm:s15], [sflag:s13] =	dma.local @!p0 [spmem:s14], $0x100  }
0xc6: {  	s13 =	simm.s32 @!p0 $0x7  }
0xc7: {  	_ =	swait.ge @!p0 [sflag:s13], $0x100  }
0xc8: {  	s12 =	sadd.s32 $0x1, s12;
	s18 =	rddreg [dreg:$0xc]  }
0xc9: {  	p3 =	sne.s32 s12, s18  }
.Ltmp7:
0xca: {  	_ = 	snop;
	(pc) =	sbr.rel @p3 .LBB2_1-.Ltmp7, $3  }
0xcb: {  	_ =	sdelay $0x1  }
0xcc: {  	[sflag:s13] =	ssyncset.done @!p0 $0x0  }
0xcd: {  	[sflag:s13] =	ssyncadd.s32 @!p0 $0xFFFFFF00  }
0xce: {  	_ =	sfence.sel $0x180000  }
0xcf: {  	[bflag:$0x0] =	sbarrier.arrive $0xFFFF  }
0xd0: {  	_ =	strace $0x9000004A  }
0xd1: {  	[bflag:$0x2] =	sbarrier.arrive $0xFFFF  }
0xd2: {  	s0 =	rddreg [dreg:$0x2]  }
0xd3: {  	s0 =	sadd.s32 @!p0 $0x100000, s0  }
0xd4: {  	[sflag:s0] =	ssyncadd.tile.s32 @!p0 $0x1;
	_ =	shalt  }
.Lfunc_end2:
_tile_overlayer_lowered:
.L_overlay_start_2:
0xd5: {  	(tag) =	ssettag $0x2  }
0xd6: {  	s0 =	rddreg [dreg:$0x0];
	s2 =	stileid.u32  }
0xd7: {  	s1 =	rddreg [dreg:$0x1];
	p0 =	sne.s32 s2, $0x0  }
0xd8: {  	s3 =	rddreg [dreg:$0x2];
	[bflag:$0x3] =	sbarrier.arrive $0xFFFF;
	s2 =	simm.s32 @!p0 $0x1C07  }
0xd9: {  	[timem:s3], [sflag:s2] =	dma.local @!p0 [hbm:s0], s1  }
0xda: {  	s0 =	simm.s32 @!p0 $0x7  }
0xdb: {  	_ =	swait.ge @!p0 [sflag:s0], s1  }
0xdc: {  	s1 =	ssub.s32 @!p0 $0x0, s1;
	[sflag:s0] =	ssyncset.done @!p0 $0x0  }
0xdd: {  	[sflag:s0] =	ssyncadd.s32 @!p0 s1  }
0xde: {  	[bflag:$0x3] =	sbarrier.arrive $0xFFFF  }
0xdf: {  	_ =	shalt  }

// kernel: kernel.17.cloned.1.call-start
scs
__scs_entry_jumppad:
0x0: {  	(pc) =	sbr.rel $0x88, $3  }
0x1: {  	(tag) =	ssettag $0x0;
	lr =	simm.s32 $0x1  }
0x2: {  	[smem:$0x3F95] =	sst lr;
	_ =	strace $0xD0000000  }
0x3: {  	_ = 	snop  }
0x4: {  	_ = 	snop  }
0x5: {  	_ = 	snop  }
0x6: {  	_ = 	snop  }
0x7: {  	_ = 	snop  }
__scs_overlays_trampoline_lowered:
0x8: {  	[smem:$0x3FA4] =	sst s0  }
0x9: {  	[smem:$0x3FA5] =	sst s1  }
0xa: {  	[smem:$0x3FA6] =	sst s2  }
0xb: {  	[smem:$0x3FA7] =	sst s3  }
0xc: {  	[smem:$0x3FA8] =	sst s4  }
0xd: {  	[smem:$0x3FA9] =	sst s5  }
0xe: {  	[smem:$0x3FAA] =	sst s6  }
0xf: {  	[smem:$0x3FAB] =	sst s7  }
0x10: {  	[smem:$0x3FAC] =	sst s8  }
0x11: {  	[smem:$0x3FAD] =	sst s9;
	s0 =	simm.s32 @!p0 $0x0  }
0x12: {  	s1 =	sld [smem:$0x3F93];
	s0 =	simm.s32 @p0 $0x1  }
0x13: {  	[smem:$0x3FAE] =	sst s0;
	s0 =	simm.s32 @!p1 $0x0  }
0x14: {  	s2 =	sld [smem:$0x3F92];
	s0 =	simm.s32 @p1 $0x1  }
0x15: {  	[smem:$0x3FAF] =	sst s0;
	s0 =	simm.s32 @!p2 $0x0  }
0x16: {  	s3 =	sld [smem:$0x3FDB];
	s0 =	simm.s32 @p2 $0x1  }
0x17: {  	s4 =	simm.s32 $0x1BF5;
	[smem:$0x3FB1] =	sst s0  }
0x18: {  	s0 =	sld [smem:$0x3F94];
	_ =	swait.ge [sflag:s4], $0x0  }
0x19: {  	s7 =	sld [smem:$0x3F95]  }
0x1a: {  	s8 =	sadd.s32 $0xFFFFE003, lr  }
0x1b: {  	s9 =	sadd.s32 $0xFFFFFEF7, lr;
	s5 =	simm.s32 $0xFFFFFFFF;
	p2 =	slt.u32 s8, $0xFFFFF086  }
0x1c: {  	p1 =	slt.u32 s9, $0xF7A;
	s5 =	simm.s32 @!p2 $0x0  }
0x1d: {  	s5 =	simm.s32 @p1 $0x1;
	p0 =	seq.s32 s7, s2  }
0x1e: {  	s7 =	smul.u32 @!p0 $0xF7A, s2;
	p2 =	seq.s32 @!p0 s5, $0x0  }
0x1f: {  	s9 =	smul.u32 $0xF7A, s1;
	s8 =	simm.s32 @!p0 $0x1BF5;
	p2 =	por !p2, p0  }
0x20: {  	[sflag:s8] =	ssyncset.s32 @!p0 $0xFFFFF086;
	s6 =	sadd.s32 @!p0 s3, s7;
	s7 =	simm.s32 @!p0 $0x108  }
0x21: {  	s3 =	sadd.s32 s3, s9;
	s6 =	sadd.s32 @!p0 $0x88, s6;
	s7 =	simm.s32 @p2 $0x1082  }
0x22: {  	[simem:s7], [sflag:s8] =	dma.local @!p0 [hbm:s6], $0xF7A  }
0x23: {  	s9 =	sor.u32 $0xD0000000, s2;
	s6 =	simm.s32 $0x108;
	_ =	swait.ge @!p0 [sflag:s8], $0x0  }
0x24: {  	s3 =	sadd.s32 $0x88, s3;
	s6 =	simm.s32 @!p1 $0x1082;
	[sflag:s4] =	ssyncset.s32 $0xFFFFF086  }
0x25: {  	[simem:s6], [sflag:s4] =	dma.local [hbm:s3], $0xF7A  }
0x26: {  	[smem:$0x3F95] =	sst s1;
	(tag) =	ssettag s2;
	_ =	strace s9  }
0x27: {  	s1 =	sld [smem:$0x3FA5]  }
0x28: {  	s2 =	sld [smem:$0x3FA6]  }
0x29: {  	s4 =	sld [smem:$0x3FA8]  }
0x2a: {  	p0 =	seq.s32 s5, $0x0;
	s5 =	sld [smem:$0x3FA9]  }
0x2b: {  	s6 =	sld [smem:$0x3FAA]  }
0x2c: {  	s7 =	sld [smem:$0x3FAB]  }
0x2d: {  	s3 =	simm.s32 $0x108;
	s8 =	sld [smem:$0x3FAC]  }
0x2e: {  	s3 =	simm.s32 @!p0 $0x1082;
	s9 =	sld [smem:$0x3FAD]  }
0x2f: {  	lr =	sadd.s32 s0, s3;
	s0 =	sld [smem:$0x3FA4]  }
0x30: {  	s3 =	sld [smem:$0x3FA7]  }
0x31: {  	[smem:$0x3FB0] =	sst s10  }
0x32: {  	s10 =	sld [smem:$0x3FAE];
	_ =	sdelay $0x3  }
0x33: {  	p0 =	seq.s32 s10, $0x1;
	s10 =	sld [smem:$0x3FB0];
	_ =	sdelay $0x3  }
0x34: {  	[smem:$0x3FB0] =	sst s10  }
0x35: {  	s10 =	sld [smem:$0x3FAF];
	_ =	sdelay $0x3  }
0x36: {  	p1 =	seq.s32 s10, $0x1;
	s10 =	sld [smem:$0x3FB0];
	_ =	sdelay $0x3  }
0x37: {  	[smem:$0x3FB0] =	sst s10  }
0x38: {  	s10 =	sld [smem:$0x3FB1]  }
0x39: {  	_ = 	snop;
	(pc) =	sbr.ind lr, $3  }
0x3a: {  	_ = 	snop  }
0x3b: {  	_ = 	snop  }
0x3c: {  	p2 =	seq.s32 s10, $0x1;
	s10 =	sld [smem:$0x3FB0]  }
0x3d: {  	_ =	shalt  }
0x3e: {  	_ =	shalt  }
0x3f: {  	_ =	shalt  }
0x40: {  	_ =	shalt  }
0x41: {  	_ =	shalt  }
0x42: {  	_ =	shalt  }
0x43: {  	_ =	shalt  }
0x44: {  	_ =	shalt  }
0x45: {  	_ =	shalt  }
0x46: {  	_ =	shalt  }
0x47: {  	_ =	shalt  }
0x48: {  	_ =	shalt  }
0x49: {  	_ =	shalt  }
0x4a: {  	_ =	shalt  }
0x4b: {  	_ =	shalt  }
0x4c: {  	_ =	shalt  }
0x4d: {  	_ =	shalt  }
0x4e: {  	_ =	shalt  }
0x4f: {  	_ =	shalt  }
0x50: {  	_ =	shalt  }
0x51: {  	_ =	shalt  }
0x52: {  	_ =	shalt  }
0x53: {  	_ =	shalt  }
0x54: {  	_ =	shalt  }
0x55: {  	_ =	shalt  }
0x56: {  	_ =	shalt  }
0x57: {  	_ =	shalt  }
0x58: {  	_ =	shalt  }
0x59: {  	_ =	shalt  }
0x5a: {  	_ =	shalt  }
0x5b: {  	_ =	shalt  }
0x5c: {  	_ =	shalt  }
0x5d: {  	_ =	shalt  }
0x5e: {  	_ =	shalt  }
0x5f: {  	_ =	shalt  }
0x60: {  	_ =	shalt  }
0x61: {  	_ =	shalt  }
0x62: {  	_ =	shalt  }
0x63: {  	_ =	shalt  }
0x64: {  	_ =	shalt  }
0x65: {  	_ =	shalt  }
0x66: {  	_ =	shalt  }
0x67: {  	_ =	shalt  }
0x68: {  	_ =	shalt  }
0x69: {  	_ =	shalt  }
0x6a: {  	_ =	shalt  }
0x6b: {  	_ =	shalt  }
0x6c: {  	_ =	shalt  }
0x6d: {  	_ =	shalt  }
0x6e: {  	_ =	shalt  }
0x6f: {  	_ =	shalt  }
0x70: {  	_ =	shalt  }
0x71: {  	_ =	shalt  }
0x72: {  	_ =	shalt  }
0x73: {  	_ =	shalt  }
0x74: {  	_ =	shalt  }
0x75: {  	_ =	shalt  }
0x76: {  	_ =	shalt  }
0x77: {  	_ =	shalt  }
0x78: {  	_ =	shalt  }
0x79: {  	_ =	shalt  }
0x7a: {  	_ =	shalt  }
0x7b: {  	_ =	shalt  }
0x7c: {  	_ =	shalt  }
0x7d: {  	_ =	shalt  }
0x7e: {  	_ =	shalt  }
0x7f: {  	_ =	shalt  }
0x80: {  	_ =	shalt  }
0x81: {  	_ =	shalt  }
0x82: {  	_ =	shalt  }
0x83: {  	_ =	shalt  }
0x84: {  	_ =	shalt  }
0x85: {  	_ =	shalt  }
0x86: {  	_ =	shalt  }
0x87: {  	_ =	shalt  }
.Lfunc_end0:
.L_simem_size_0:
called_computation.2_lowered:
.L_overlay_start_0:
0x88: {  	s2 =	sld [smem:$0x3FD9]  }
0x89: {  	s3 =	sld [smem:$0x3FFE];
	_ =	sdelay $0x1  }
0x8a: {  	s1 =	srdreg.scid  }
0x8b: {  	s0 =	sand.u32 $0x1, s1  }
0x8c: {  	s16 =	sshll.u32 s0, $0xA;
	s2 =	sadd.s32 s3, s2  }
0x8d: {  	s2 =	sadd.s32 s2, s16  }
0x8e: {  	[smem:$0x3FBC] =	sst s2  }
0x8f: {  	_ = 	snop  }
0x90: {  	(tm) =	ssettm $0x1  }
0x91: {  	s17 =	sld [smem:$0x3FFB];
	_ =	sdelay $0x3  }
0x92: {  	_ =	strace s17  }
0x93: {  	s2 =	sld [smem:$0x3FFC];
	_ =	sdelay $0x3  }
0x94: {  	_ =	strace s2  }
0x95: {  	s2 =	sld [smem:$0x3FFD];
	_ =	sdelay $0x3  }
0x96: {  	_ =	strace s2  }
0x97: {  	_ =	strace $0x8FFFFFFF  }
0x98: {  	s18 =	sld [smem:$0x3FDB];
	_ =	sdelay $0x1  }
0x99: {  	s19 =	simm.s32 $_scs_section_size  }
0x9a: {  	s4 =	simm.s32 $_size__tile_overlayer_lowered;
	s5 =	simm.s32 $_tile_overlayer_lowered  }
0x9b: {  	s22 =	simm.s32 $0x1BFF;
	s21 =	sshll.u32 s5, $0x1;
	s2 =	sadd.s32 s19, s18  }
0x9c: {  	s6 =	simm.s32 $0x0;
	s20 =	sshll.u32 s4, $0x1;
	s4 =	sadd.s32 s21, s2  }
0x9d: {  	[timem:s6], [sflag:s22] =	dma.local [hbm:s4], s20  }
0x9e: {  	_ =	swait.ge [sflag:s22], s20  }
0x9f: {  	s3 =	ssub.s32 $0x0, s20;
	[sflag:s22] =	ssyncset.done $0x0  }
0xa0: {  	[sflag:s22] =	ssyncadd.s32 s3;
	_ =	sdelay $0x1  }
0xa1: {  	s23 =	simm.s32 $0x1B8B  }
0xa2: {  	_ =	swait.ge [sflag:s23], $0x1  }
0xa3: {  	[sflag:s23] =	ssyncset.done $0x0  }
0xa4: {  	s25 =	simm.s32 $0x1B8E;
	s24 =	sld [smem:$0x3FFE];
	[sflag:s23] =	ssyncadd.s32 $0xFFFFFFFF  }
0xa5: {  	s26 =	simm.s32 $execute0_lowered;
	[smem:$0x3FD2] =	sst s25  }
0xa6: {  	s4 =	sshll.u32 s26, $0x1;
	_ =	strace $0x8000004C;
	[dreg:$0x1] =	wrdreg $0xFFFFFFFF  }
0xa7: {  	s28 =	simm.s32 $_size_execute0_lowered;
	s2 =	sadd.s32 s2, s4;
	[dreg:$0x0] =	wrdreg $0x0  }
0xa8: {  	s4 =	sshll.u32 s28, $0x1;
	[dreg:$0x2] =	wrdreg s2  }
0xa9: {  	[dreg:$0x3] =	wrdreg s4  }
0xaa: {  	[dreg:$0x4] =	wrdreg $0xC0  }
0xab: {  	_ =	task [dreg:s6], $0x5FFFF  }
0xac: {  	[dreg:$0x1] =	wrdreg $0xFFFFFFFF  }
0xad: {  	[dreg:$0x0] =	wrdreg $0x60  }
0xae: {  	[dreg:$0x2] =	wrdreg s24  }
0xaf: {  	[dreg:$0x3] =	wrdreg $0x0  }
0xb0: {  	[dreg:$0x4] =	wrdreg $0x9  }
0xb1: {  	_ =	task.clear_ibuf [dreg:s6], $0x5FFFF;
	_ =	strace $0x9000004C  }
0xb2: {  	s29 =	simm.s32 $0x9;
	_ =	strace $0x8000004E  }
0xb3: {  	_ =	swait.ge [sflag:s29], $0x1  }
0xb4: {  	[sflag:s29] =	ssyncadd.s32 $0xFFFFFFFF  }
0xb5: {  	_ =	strace $0x9000004E  }
0xb6: {  	_ =	sfence  }
0xb7: {  	s30 =	sld [smem:$0x0];
	_ =	sdelay $0x2  }
0xb8: {  	s31 =	sshll.u32 s1, $0xD;
	s1 =	sshrl.u32 s1, $0x2  }
0xb9: {  	s3 =	sand.u32 $0x4000, s31;
	s1 =	sadd.s32 s1, s30  }
0xba: {  	s0 =	sor.u32 s3, s0;
	s1 =	sshll.u32 s1, $0x11  }
0xbb: {  	s0 =	sor.u32 s1, s0  }
0xbc: {  	s0 =	sadd.s32 $0x8F2B, s0  }
0xbd: {  	[sflag:s0] =	ssyncadd.remote.s32 $0x1  }
0xbe: {  	_ =	sfence.sel $0xFFFF  }
0xbf: {  	[dreg:$0x0] =	wrdreg $0xFFFFFFFF;
	(pc) =	sbr.abs _section_cstart, $3  }
0xc0: {  	[dreg:$0x1] =	wrdreg $0xFFFFFFFF  }
0xc1: {  	_ =	task.clear_ibuf [dreg:s6], $0x2FFFF;
	_ =	strace $0x9FFFFFFF  }
0xc2: {  	(tm) =	ssettm $0x7FFFFFFF  }
0xc3: {  	_ =	shalt  }
tec
execute0_lowered:
.L_overlay_start_1:
0x0: {  	(tag) =	ssettag $0x1  }
0x1: {  	s0 =	rddreg [dreg:$0x0]  }
0x2: {  	s1 =	rddreg [dreg:$0x1]  }
0x3: {  	s2 =	simm.s32 $0x0;
	s4 =	srdreg.scid;
	s15 =	stileid.u32  }
0x4: {  	s28 =	simm.s32 $0x16080;
	s30 =	simm.s32 $0x4;
	s31 =	simm.s32 $0x1A080  }
0x5: {  	s29 =	simm.s32 $0x6;
	[smem:$0x7FF] =	sst s2;
	s3 =	sadd.s32 $0x3E000, s0  }
0x6: {  	s4 =	sand.u32 $0x1, s4;
	s5 =	sadd.s32 $0x3200, s0;
	s8 =	smul.u32 $0x4E000, s15  }
0x7: {  	s7 =	sadd.s32 $0xD000, s0;
	s12 =	sadd.s32 $0x16E00, s0;
	s11 =	smul.u32 $0x2700, s15  }
0x8: {  	s0 =	sadd.s32 $0x65200, s0;
	p2 =	seq.s32 s15, $0x0;
	p0 =	sne.s32 s15, $0x0  }
0x9: {  	_ =	strace $0x8000004D;
	s6 =	sshll.u32 s4, $0x4;
	s14 =	smul.u32 $0x138800, s4  }
0xa: {  	s9 =	ssub.s32 $0x2, s4;
	[dreg:$0x3] =	wrdreg s12;
	s19 =	smul.u32 $0x27100, s4  }
0xb: {  	p1 =	sne.s32 s4, $0x0;
	s4 =	simm.s32 $0x1E180;
	s6 =	sor.u32 s15, s6  }
0xc: {  	s10 =	sshrl.u32 s9, $0x1;
	s8 =	sshrl.u32 s8, $0x2;
	s13 =	sadd.s32 s12, s11  }
0xd: {  	s11 =	sadd.s32 s3, s11;
	s6 =	smul.u32 $0x2710, s6;
	[dreg:$0x5] =	wrdreg s13  }
0xe: {  	s10 =	ssub.s32 s9, s10;
	s8 =	sadd.s32 s8, s1;
	[dreg:$0x6] =	wrdreg s11  }
0xf: {  	s13 =	smul.u32 $0x13800, s15;
	s12 =	sshrl.u32 s14, $0x3;
	[dreg:$0x4] =	wrdreg s8  }
0x10: {  	s8 =	sadd.s32 $0x138000, s1;
	s21 =	smax.u32 s10, $0x1;
	s6 =	sshrl.u32 s6, $0x3  }
0x11: {  	s10 =	simm.s32 $0x5;
	s18 =	sadd.s32 s13, s14;
	s9 =	sadd.s32 s5, s6  }
0x12: {  	[dreg:$0xc] =	wrdreg s21;
	s6 =	sadd.s32 $0x4E0, s6;
	s16 =	sadd.s32 $0x10, s9  }
0x13: {  	s14 =	smul.u32 $0x2710, s15;
	s17 =	sadd.s32 s5, s6;
	[dreg:$0x7] =	wrdreg s16  }
0x14: {  	s11 =	sshrl.u32 s18, $0x3;
	s6 =	sadd.s32 s7, s6;
	[dreg:$0x8] =	wrdreg s17  }
0x15: {  	s20 =	sadd.s32 s0, s11;
	s0 =	sadd.s32 s0, s12;
	[dreg:$0x9] =	wrdreg s6  }
0x16: {  	s22 =	sadd.s32 s14, s19;
	s23 =	sadd.s32 $0x20, s9;
	[dreg:$0xa] =	wrdreg s20  }
0x17: {  	s24 =	sadd.s32 $0x30, s9;
	s11 =	simm.s32 $0x1E280;
	[dreg:$0xd] =	wrdreg s23  }
0x18: {  	s12 =	simm.s32 $0x0;
	s0 =	sadd.s32 $0x27000, s0;
	[dreg:$0xe] =	wrdreg s24  }
0x19: {  	s25 =	sadd.s32 $0x280, s22;
	s26 =	sshrl.u32 s22, $0x3;
	s23 =	simm.s32 $0x1  }
0x1a: {  	s24 =	simm.s32 $0x1E080;
	[dreg:$0xb] =	wrdreg s0;
	s6 =	sshrl.u32 s25, $0x3  }
0x1b: {  	s0 =	sadd.s32 $0x200, s22;
	s19 =	sadd.s32 s26, s7;
	s22 =	simm.s32 $0x3  }
0x1c: {  	s25 =	simm.s32 $0x1E100;
	s26 =	simm.s32 $0x80;
	s7 =	simm.s32 $0x7  }
0x1d: {  	s20 =	sadd.s32 s6, s5;
	s0 =	sshrl.u32 s0, $0x3;
	s6 =	simm.s32 $0x10  }
0x1e: {  	s21 =	sadd.s32 s0, s5;
	s0 =	simm.s32 $0x2;
	s5 =	simm.s32 $0x1E200  }
.LBB2_1:
.Ltmp0:
0x1f: {  	(pc) =	sbr.rel @p1 .LBB2_3-.Ltmp0, $4  }
0x20: {  	_ = 	snop  }
0x21: {  	s13 =	stileid.u32  }
0x22: {  	s14 =	rddreg [dreg:$0x4];
	s13 =	sshll.u32 s13, $0x6  }
0x23: {  	s14 =	sshrl.u32 s14, $0x3;
	s15 =	sor.u32 $0x1C01, s13  }
.Ltmp1:
0x24: {  	(pc) =	sbr.rel @!p2 .LBB2_5-.Ltmp1, $4  }
.Ltmp2:
0x25: {  	(pc) =	sbr.rel @p2 .LBB2_4-.Ltmp2, $4  }
0x26: {  	s15 =	sor.u32 $0x1C01, s13;
	s16 =	rddreg [dreg:$0x6]  }
0x27: {  	[spmem:s14], [sflag:s15] =	dma.local [hbm:s16], $0x2700  }
0x28: {  	s16 =	smov.u32 s3  }
0x29: {  	_ = 	snop  }
.LBB2_3:
.Ltmp3:
0x2a: {  	(pc) =	sbr.rel @p0 .LBB2_5-.Ltmp3, $4  }
0x2b: {  	_ = 	snop  }
0x2c: {  	s16 =	rddreg [dreg:$0x5]  }
0x2d: {  	[spmem:s14], [sflag:s15] =	dma.local [hbm:s16], $0x2700  }
0x2e: {  	s16 =	rddreg [dreg:$0x3]  }
.LBB2_4:
0x2f: {  	s16 =	sadd.s32 $0x27000, s16;
	s17 =	sshrl.u32 s8, $0x3  }
0x30: {  	[spmem:s17], [sflag:s15] =	dma.local [hbm:s16], $0x100  }
.LBB2_5:
0x31: {  	s15 =	simm.s32 $0x0;
	s16 =	simm.s32 $0x13880  }
.LBB2_6:
0x32: {  	p3 =	sne.s32 s15, $0x4D0  }
.Ltmp4:
0x33: {  	_ = 	snop;
	(pc) =	sbr.rel @p3 .LBB2_6-.Ltmp4, $4  }
0x34: {  	_ = 	snop  }
0x35: {  	s17 =	sadd.s32 s15, s19  }
0x36: {  	[tilespmem:s16], [sflag:$0x3] =	stream.linear.gather [hbm4b:s17+s2], $0x80, $0x38;
	[tilespmem:$0x1EA80] =	vst v63  }
0x37: {  	s15 =	sadd.s32 $0x10, s15;
	s16 =	sadd.s32 $0x80, s16  }
0x38: {  	_ =	swait.ge [sflag:s22], $0x80  }
0x39: {  	s15 =	simm.s32 $0x4D;
	[sflag:s22] =	ssyncset.done $0x0  }
.LBB2_8:
0x3a: {  	p3 =	sne.s32 s15, $0x1;
	s15 =	sadd.s32 $0xFFFFFFFF, s15;
	[sflag:s22] =	ssyncadd.s32 $0xFFFFFF80  }
.Ltmp5:
0x3b: {  	(pc) =	sbr.rel @p3 .LBB2_8-.Ltmp5, $3  }
0x3c: {  	_ =	sdelay $0x1  }
0x3d: {  	_ =	swait.ge [sflag:s22], $0x80  }
0x3e: {  	[sflag:s22] =	ssyncset.done $0x0  }
0x3f: {  	[sflag:s22] =	ssyncadd.s32 $0xFFFFFF80  }
0x40: {  	_ =	swait.ge [sflag:s23], $0x2700  }
0x41: {  	[sflag:s23] =	ssyncset.done $0x0  }
0x42: {  	s15 =	simm.s32 @!p0 $0x1;
	[sflag:s23] =	ssyncadd.s32 $0xFFFFD900  }
0x43: {  	_ =	swait.ge @!p0 [sflag:s15], $0x100  }
0x44: {  	[sflag:s15] =	ssyncset.done @!p0 $0x0  }
0x45: {  	[sflag:s15] =	ssyncadd.s32 @!p0 $0xFFFFFF00  }
0x46: {  	s15 =	simm.s32 $0x0;
	[bflag:$0x0] =	sbarrier.arrive $0xFFFF  }
0x47: {  	[tilespmem:s24], [sflag:$0x3] =	stream.linear.gather [hbm4b:s9+s15], $0x80, $0x38;
	[tilespmem:$0x1EA80] =	vst v63  }
0x48: {  	s16 =	rddreg [dreg:$0x7]  }
0x49: {  	[tilespmem:s25], [sflag:$0x4] =	stream.linear.gather [hbm4b:s16+s15], $0x80, $0x38;
	[tilespmem:$0x1EA80] =	vst v63  }
0x4a: {  	_ =	swait.ge [sflag:s22], $0x80  }
0x4b: {  	[sflag:s22] =	ssyncset.done $0x0  }
0x4c: {  	[sflag:s22] =	ssyncadd.s32 $0xFFFFFF80  }
0x4d: {  	[tilespmem:s28], [sflag:$0x1] =	stream.indirect.gather [hbm4b:s3+s26], $0x80, s24, s26, $0xb8;
	[tilespmem:$0x1EA80] =	vst v63  }
0x4e: {  	_ =	swait.ge [sflag:s23], $0x4000  }
0x4f: {  	[sflag:s23] =	ssyncset.done $0x0  }
0x50: {  	s17 =	simm.s32 $0x13880;
	[sflag:s23] =	ssyncadd.s32 $0xFFFFC000  }
0x51: {  	[spmem:s1] =	stream.indirect.scatter.add.f32 [tilespmem:s28], [sflag:$0x5], $0x80, s17, s26, $0xb8;
	[tilespmem:$0x1EA80] =	vst v63  }
0x52: {  	_ =	swait.ge [sflag:s30], $0x80  }
0x53: {  	[sflag:s30] =	ssyncset.done $0x0  }
0x54: {  	[sflag:s30] =	ssyncadd.s32 $0xFFFFFF80  }
0x55: {  	[tilespmem:s31], [sflag:$0x2] =	stream.indirect.gather [hbm4b:s3+s26], $0x80, s25, s26, $0xb8;
	[tilespmem:$0x1EA80] =	vst v63  }
0x56: {  	s18 =	rddreg [dreg:$0xd]  }
0x57: {  	[tilespmem:s24], [sflag:$0x3] =	stream.linear.gather [hbm4b:s18+s15], $0x80, $0x38;
	[tilespmem:$0x1EA80] =	vst v63  }
0x58: {  	_ =	swait.ge [sflag:s0], $0x4000  }
0x59: {  	[sflag:s0] =	ssyncset.done $0x0  }
0x5a: {  	s17 =	simm.s32 $0x13900;
	[sflag:s0] =	ssyncadd.s32 $0xFFFFC000  }
0x5b: {  	[spmem:s1] =	stream.indirect.scatter.add.f32 [tilespmem:s31], [sflag:$0x6], $0x80, s17, s26, $0xb8;
	[tilespmem:$0x1EA80] =	vst v63  }
0x5c: {  	_ =	swait.ge [sflag:s10], $0x4000  }
0x5d: {  	[sflag:s10] =	ssyncset.done $0x0  }
0x5e: {  	[sflag:s10] =	ssyncadd.s32 $0xFFFFC000  }
0x5f: {  	_ =	swait.ge [sflag:s22], $0x80  }
0x60: {  	[sflag:s22] =	ssyncset.done $0x0  }
0x61: {  	[sflag:s22] =	ssyncadd.s32 $0xFFFFFF80  }
0x62: {  	[tilespmem:s28], [sflag:$0x1] =	stream.indirect.gather [hbm4b:s3+s26], $0x80, s24, s26, $0xb8;
	[tilespmem:$0x1EA80] =	vst v63  }
0x63: {  	s18 =	rddreg [dreg:$0xe]  }
0x64: {  	[tilespmem:s25], [sflag:$0x4] =	stream.linear.gather [hbm4b:s18+s15], $0x80, $0x38;
	[tilespmem:$0x1EA80] =	vst v63  }
0x65: {  	_ =	swait.ge [sflag:s23], $0x4000  }
0x66: {  	[sflag:s23] =	ssyncset.done $0x0  }
0x67: {  	s17 =	simm.s32 $0x13980;
	[sflag:s23] =	ssyncadd.s32 $0xFFFFC000  }
0x68: {  	[spmem:s1] =	stream.indirect.scatter.add.f32 [tilespmem:s28], [sflag:$0x5], $0x80, s17, s26, $0xb8;
	[tilespmem:$0x1EA80] =	vst v63  }
0x69: {  	_ =	swait.ge [sflag:s29], $0x4000  }
0x6a: {  	[sflag:s29] =	ssyncset.done $0x0  }
0x6b: {  	[sflag:s29] =	ssyncadd.s32 $0xFFFFC000  }
0x6c: {  	_ =	swait.ge [sflag:s30], $0x80  }
0x6d: {  	[sflag:s30] =	ssyncset.done $0x0  }
0x6e: {  	[sflag:s30] =	ssyncadd.s32 $0xFFFFFF80  }
0x6f: {  	[tilespmem:s31], [sflag:$0x2] =	stream.indirect.gather [hbm4b:s3+s26], $0x80, s25, s26, $0xb8;
	[tilespmem:$0x1EA80] =	vst v63  }
0x70: {  	s18 =	sadd.s32 $0x0, s21  }
0x71: {  	[tilespmem:s24], [sflag:$0x3] =	stream.linear.gather [hbm4b:s18+s2], $0x80, $0x38;
	[tilespmem:$0x1EA80] =	vst v63  }
0x72: {  	_ =	swait.ge [sflag:s0], $0x4000  }
0x73: {  	[sflag:s0] =	ssyncset.done $0x0  }
0x74: {  	s16 =	simm.s32 $0x13A00;
	[sflag:s0] =	ssyncadd.s32 $0xFFFFC000  }
0x75: {  	[spmem:s1] =	stream.indirect.scatter.add.f32 [tilespmem:s31], [sflag:$0x6], $0x80, s16, s26, $0xb8;
	[tilespmem:$0x1EA80] =	vst v63  }
0x76: {  	_ =	swait.ge [sflag:s10], $0x4000  }
0x77: {  	[sflag:s10] =	ssyncset.done $0x0  }
0x78: {  	[sflag:s10] =	ssyncadd.s32 $0xFFFFC000  }
0x79: {  	_ =	swait.ge [sflag:s22], $0x80  }
0x7a: {  	[sflag:s22] =	ssyncset.done $0x0  }
0x7b: {  	[sflag:s22] =	ssyncadd.s32 $0xFFFFFF80  }
0x7c: {  	[tilespmem:s28], [sflag:$0x1] =	stream.indirect.gather [hbm4b:s3+s26], $0x80, s24, s26, $0xb8;
	[tilespmem:$0x1EA80] =	vst v63  }
0x7d: {  	s17 =	sadd.s32 $0x0, s20  }
0x7e: {  	[tilespmem:s25], [sflag:$0x4] =	stream.linear.gather [hbm4b:s17+s2], $0x80, $0x38;
	[tilespmem:$0x1EA80] =	vst v63  }
0x7f: {  	_ =	swait.ge [sflag:s23], $0x4000  }
0x80: {  	[sflag:s23] =	ssyncset.done $0x0  }
0x81: {  	s18 =	simm.s32 $0x13A80;
	[sflag:s23] =	ssyncadd.s32 $0xFFFFC000  }
0x82: {  	[spmem:s1] =	stream.indirect.scatter.add.f32 [tilespmem:s28], [sflag:$0x5], $0x80, s18, s26, $0xb8;
	[tilespmem:$0x1EA80] =	vst v63  }
0x83: {  	_ =	swait.ge [sflag:s29], $0x4000  }
0x84: {  	[sflag:s29] =	ssyncset.done $0x0  }
0x85: {  	[sflag:s29] =	ssyncadd.s32 $0xFFFFC000  }
0x86: {  	_ =	swait.ge [sflag:s30], $0x80  }
0x87: {  	[sflag:s30] =	ssyncset.done $0x0  }
0x88: {  	s15 =	simm.s32 $0x13B00;
	s16 =	simm.s32 $0x20;
	[sflag:s30] =	ssyncadd.s32 $0xFFFFFF80  }
.LBB2_10:
0x89: {  	[tilespmem:s31], [sflag:$0x2] =	stream.indirect.gather [hbm4b:s3+s26], $0x80, s25, s26, $0xb8;
	[tilespmem:$0x1EA80] =	vst v63  }
0x8a: {  	s17 =	smov.u32 s16  }
0x8b: {  	p3 =	sne.s32 s16, $0x480;
	s16 =	sadd.s32 $0x20, s16;
	s18 =	sadd.s32 s17, s21  }
0x8c: {  	[tilespmem:s24], [sflag:$0x3] =	stream.linear.gather [hbm4b:s18+s2], $0x80, $0x38;
	[tilespmem:$0x1EA80] =	vst v63  }
0x8d: {  	_ =	swait.ge [sflag:s0], $0x4000  }
0x8e: {  	[sflag:s0] =	ssyncset.done $0x0  }
0x8f: {  	[sflag:s0] =	ssyncadd.s32 $0xFFFFC000  }
0x90: {  	[spmem:s1] =	stream.indirect.scatter.add.f32 [tilespmem:s31], [sflag:$0x6], $0x80, s15, s26, $0xb8;
	[tilespmem:$0x1EA80] =	vst v63  }
0x91: {  	_ =	swait.ge [sflag:s10], $0x4000  }
0x92: {  	[sflag:s10] =	ssyncset.done $0x0  }
0x93: {  	[sflag:s10] =	ssyncadd.s32 $0xFFFFC000  }
0x94: {  	_ =	swait.ge [sflag:s22], $0x80  }
0x95: {  	[sflag:s22] =	ssyncset.done $0x0  }
0x96: {  	[sflag:s22] =	ssyncadd.s32 $0xFFFFFF80  }
0x97: {  	[tilespmem:s28], [sflag:$0x1] =	stream.indirect.gather [hbm4b:s3+s26], $0x80, s24, s26, $0xb8;
	[tilespmem:$0x1EA80] =	vst v63  }
0x98: {  	s17 =	sadd.s32 s17, s20  }
0x99: {  	[tilespmem:s25], [sflag:$0x4] =	stream.linear.gather [hbm4b:s17+s2], $0x80, $0x38;
	[tilespmem:$0x1EA80] =	vst v63  }
0x9a: {  	_ =	swait.ge [sflag:s23], $0x4000  }
0x9b: {  	[sflag:s23] =	ssyncset.done $0x0  }
0x9c: {  	s17 =	sadd.s32 $0x80, s15;
	[sflag:s23] =	ssyncadd.s32 $0xFFFFC000  }
0x9d: {  	[spmem:s1] =	stream.indirect.scatter.add.f32 [tilespmem:s28], [sflag:$0x5], $0x80, s17, s26, $0xb8;
	[tilespmem:$0x1EA80] =	vst v63  }
0x9e: {  	_ =	swait.ge [sflag:s29], $0x4000  }
.Ltmp6:
0x9f: {  	[sflag:s29] =	ssyncset.done $0x0;
	(pc) =	sbr.rel @p3 .LBB2_10-.Ltmp6, $4  }
0xa0: {  	[sflag:s29] =	ssyncadd.s32 $0xFFFFC000  }
0xa1: {  	_ =	swait.ge [sflag:s30], $0x80  }
0xa2: {  	[sflag:s30] =	ssyncset.done $0x0  }
0xa3: {  	s15 =	sadd.s32 $0x100, s15;
	[sflag:s30] =	ssyncadd.s32 $0xFFFFFF80  }
0xa4: {  	[tilespmem:s31], [sflag:$0x2] =	stream.indirect.gather [hbm4b:s3+s26], $0x80, s25, s26, $0xb8;
	[tilespmem:$0x1EA80] =	vst v63  }
0xa5: {  	_ =	swait.ge [sflag:s0], $0x4000  }
0xa6: {  	[sflag:s0] =	ssyncset.done $0x0  }
0xa7: {  	[sflag:s0] =	ssyncadd.s32 $0xFFFFC000  }
0xa8: {  	[spmem:s1] =	stream.indirect.scatter.add.f32 [tilespmem:s31], [sflag:$0x6], $0x80, s15, s26, $0xb8;
	[tilespmem:$0x1EA80] =	vst v63  }
0xa9: {  	_ =	swait.ge [sflag:s10], $0x4000  }
0xaa: {  	[sflag:s10] =	ssyncset.done $0x0  }
0xab: {  	[sflag:s10] =	ssyncadd.s32 $0xFFFFC000  }
0xac: {  	_ =	swait.ge [sflag:s29], $0x4000  }
0xad: {  	[sflag:s29] =	ssyncset.done $0x0  }
0xae: {  	s18 =	rddreg [dreg:$0x8];
	[sflag:s29] =	ssyncadd.s32 $0xFFFFC000  }
0xaf: {  	[tilespmem:s4], [sflag:$0x7] =	stream.linear.gather [hbm4b:s18+s2], $0x10, $0x38;
	[tilespmem:$0x1EA80] =	vst v63  }
0xb0: {  	_ =	swait.ge [sflag:s7], $0x10  }
0xb1: {  	[sflag:s7] =	ssyncset.done $0x0  }
0xb2: {  	s16 =	rddreg [dreg:$0x9];
	[sflag:s7] =	ssyncadd.s32 $0xFFFFFFF0  }
0xb3: {  	[tilespmem:s5], [sflag:$0x7] =	stream.linear.gather [hbm4b:s16+s2], $0x10, $0x38;
	[tilespmem:$0x1EA80] =	vst v63  }
0xb4: {  	_ =	swait.ge [sflag:s7], $0x10  }
0xb5: {  	[sflag:s7] =	ssyncset.done $0x0  }
0xb6: {  	[sflag:s7] =	ssyncadd.s32 $0xFFFFFFF0  }
0xb7: {  	[tilespmem:s11], [sflag:$0x1] =	stream.indirect.gather [hbm4b:s3+s6], $0x80, s4, s6, $0xb8;
	[tilespmem:$0x1EA80] =	vst v63  }
0xb8: {  	_ =	swait.ge [sflag:s23], $0x800  }
0xb9: {  	[sflag:s23] =	ssyncset.done $0x0  }
0xba: {  	[sflag:s23] =	ssyncadd.s32 $0xFFFFF800  }
0xbb: {  	[spmem:s1] =	stream.indirect.scatter.add.f32 [tilespmem:s11], [sflag:$0x7], $0x80, s5, s6, $0xb8;
	[tilespmem:$0x1EA80] =	vst v63  }
0xbc: {  	_ =	swait.ge [sflag:s7], $0x800  }
0xbd: {  	[sflag:s7] =	ssyncset.done $0x0  }
0xbe: {  	[sflag:s7] =	ssyncadd.s32 $0xFFFFF800  }
0xbf: {  	[bflag:$0x0] =	sbarrier.arrive $0xFFFF  }
0xc0: {  	s13 =	sor.u32 $0x1C07, s13;
	s17 =	rddreg [dreg:$0xa]  }
0xc1: {  	[hbm:s17], [sflag:s13] =	dma.local [spmem:s14], $0x2700  }
0xc2: {  	_ =	swait.ge [sflag:s7], $0x2700  }
0xc3: {  	[sflag:s7] =	ssyncset.done $0x0  }
0xc4: {  	s14 =	sshrl.u32 @!p0 s8, $0x3;
	s15 =	rddreg [dreg:$0xb];
	[sflag:s7] =	ssyncadd.s32 $0xFFFFD900  }
0xc5: {  	[hbm:s15], [sflag:s13] =	dma.local @!p0 [spmem:s14], $0x100  }
0xc6: {  	s13 =	simm.s32 @!p0 $0x7  }
0xc7: {  	_ =	swait.ge @!p0 [sflag:s13], $0x100  }
0xc8: {  	s12 =	sadd.s32 $0x1, s12;
	s18 =	rddreg [dreg:$0xc]  }
0xc9: {  	p3 =	sne.s32 s12, s18  }
.Ltmp7:
0xca: {  	_ = 	snop;
	(pc) =	sbr.rel @p3 .LBB2_1-.Ltmp7, $3  }
0xcb: {  	_ =	sdelay $0x1  }
0xcc: {  	[sflag:s13] =	ssyncset.done @!p0 $0x0  }
0xcd: {  	[sflag:s13] =	ssyncadd.s32 @!p0 $0xFFFFFF00  }
0xce: {  	_ =	sfence.sel $0x180000  }
0xcf: {  	[bflag:$0x0] =	sbarrier.arrive $0xFFFF  }
0xd0: {  	_ =	strace $0x9000004D  }
0xd1: {  	[bflag:$0x2] =	sbarrier.arrive $0xFFFF  }
0xd2: {  	s0 =	rddreg [dreg:$0x2]  }
0xd3: {  	s0 =	sadd.s32 @!p0 $0x100000, s0  }
0xd4: {  	[sflag:s0] =	ssyncadd.tile.s32 @!p0 $0x1;
	_ =	shalt  }
.Lfunc_end2:
_tile_overlayer_lowered:
.L_overlay_start_2:
0xd5: {  	(tag) =	ssettag $0x2  }
0xd6: {  	s0 =	rddreg [dreg:$0x0];
	s2 =	stileid.u32  }
0xd7: {  	s1 =	rddreg [dreg:$0x1];
	p0 =	sne.s32 s2, $0x0  }
0xd8: {  	s3 =	rddreg [dreg:$0x2];
	[bflag:$0x3] =	sbarrier.arrive $0xFFFF;
	s2 =	simm.s32 @!p0 $0x1C07  }
0xd9: {  	[timem:s3], [sflag:s2] =	dma.local @!p0 [hbm:s0], s1  }
0xda: {  	s0 =	simm.s32 @!p0 $0x7  }
0xdb: {  	_ =	swait.ge @!p0 [sflag:s0], s1  }
0xdc: {  	s1 =	ssub.s32 @!p0 $0x0, s1;
	[sflag:s0] =	ssyncset.done @!p0 $0x0  }
0xdd: {  	[sflag:s0] =	ssyncadd.s32 @!p0 s1  }
0xde: {  	[bflag:$0x3] =	sbarrier.arrive $0xFFFF  }
0xdf: {  	_ =	shalt  }

// kernel: kernel.20.cloned.1.call-start
scs
__scs_entry_jumppad:
0x0: {  	(pc) =	sbr.rel $0x88, $3  }
0x1: {  	(tag) =	ssettag $0x0;
	lr =	simm.s32 $0x1  }
0x2: {  	[smem:$0x3F95] =	sst lr;
	_ =	strace $0xD0000000  }
0x3: {  	_ = 	snop  }
0x4: {  	_ = 	snop  }
0x5: {  	_ = 	snop  }
0x6: {  	_ = 	snop  }
0x7: {  	_ = 	snop  }
__scs_overlays_trampoline_lowered:
0x8: {  	[smem:$0x3FA4] =	sst s0  }
0x9: {  	[smem:$0x3FA5] =	sst s1  }
0xa: {  	[smem:$0x3FA6] =	sst s2  }
0xb: {  	[smem:$0x3FA7] =	sst s3  }
0xc: {  	[smem:$0x3FA8] =	sst s4  }
0xd: {  	[smem:$0x3FA9] =	sst s5  }
0xe: {  	[smem:$0x3FAA] =	sst s6  }
0xf: {  	[smem:$0x3FAB] =	sst s7  }
0x10: {  	[smem:$0x3FAC] =	sst s8  }
0x11: {  	[smem:$0x3FAD] =	sst s9;
	s0 =	simm.s32 @!p0 $0x0  }
0x12: {  	s1 =	sld [smem:$0x3F93];
	s0 =	simm.s32 @p0 $0x1  }
0x13: {  	[smem:$0x3FAE] =	sst s0;
	s0 =	simm.s32 @!p1 $0x0  }
0x14: {  	s2 =	sld [smem:$0x3F92];
	s0 =	simm.s32 @p1 $0x1  }
0x15: {  	[smem:$0x3FAF] =	sst s0;
	s0 =	simm.s32 @!p2 $0x0  }
0x16: {  	s3 =	sld [smem:$0x3FDB];
	s0 =	simm.s32 @p2 $0x1  }
0x17: {  	s4 =	simm.s32 $0x1BF5;
	[smem:$0x3FB1] =	sst s0  }
0x18: {  	s0 =	sld [smem:$0x3F94];
	_ =	swait.ge [sflag:s4], $0x0  }
0x19: {  	s7 =	sld [smem:$0x3F95]  }
0x1a: {  	s8 =	sadd.s32 $0xFFFFE003, lr  }
0x1b: {  	s9 =	sadd.s32 $0xFFFFFEF7, lr;
	s5 =	simm.s32 $0xFFFFFFFF;
	p2 =	slt.u32 s8, $0xFFFFF086  }
0x1c: {  	p1 =	slt.u32 s9, $0xF7A;
	s5 =	simm.s32 @!p2 $0x0  }
0x1d: {  	s5 =	simm.s32 @p1 $0x1;
	p0 =	seq.s32 s7, s2  }
0x1e: {  	s7 =	smul.u32 @!p0 $0xF7A, s2;
	p2 =	seq.s32 @!p0 s5, $0x0  }
0x1f: {  	s9 =	smul.u32 $0xF7A, s1;
	s8 =	simm.s32 @!p0 $0x1BF5;
	p2 =	por !p2, p0  }
0x20: {  	[sflag:s8] =	ssyncset.s32 @!p0 $0xFFFFF086;
	s6 =	sadd.s32 @!p0 s3, s7;
	s7 =	simm.s32 @!p0 $0x108  }
0x21: {  	s3 =	sadd.s32 s3, s9;
	s6 =	sadd.s32 @!p0 $0x88, s6;
	s7 =	simm.s32 @p2 $0x1082  }
0x22: {  	[simem:s7], [sflag:s8] =	dma.local @!p0 [hbm:s6], $0xF7A  }
0x23: {  	s9 =	sor.u32 $0xD0000000, s2;
	s6 =	simm.s32 $0x108;
	_ =	swait.ge @!p0 [sflag:s8], $0x0  }
0x24: {  	s3 =	sadd.s32 $0x88, s3;
	s6 =	simm.s32 @!p1 $0x1082;
	[sflag:s4] =	ssyncset.s32 $0xFFFFF086  }
0x25: {  	[simem:s6], [sflag:s4] =	dma.local [hbm:s3], $0xF7A  }
0x26: {  	[smem:$0x3F95] =	sst s1;
	(tag) =	ssettag s2;
	_ =	strace s9  }
0x27: {  	s1 =	sld [smem:$0x3FA5]  }
0x28: {  	s2 =	sld [smem:$0x3FA6]  }
0x29: {  	s4 =	sld [smem:$0x3FA8]  }
0x2a: {  	p0 =	seq.s32 s5, $0x0;
	s5 =	sld [smem:$0x3FA9]  }
0x2b: {  	s6 =	sld [smem:$0x3FAA]  }
0x2c: {  	s7 =	sld [smem:$0x3FAB]  }
0x2d: {  	s3 =	simm.s32 $0x108;
	s8 =	sld [smem:$0x3FAC]  }
0x2e: {  	s3 =	simm.s32 @!p0 $0x1082;
	s9 =	sld [smem:$0x3FAD]  }
0x2f: {  	lr =	sadd.s32 s0, s3;
	s0 =	sld [smem:$0x3FA4]  }
0x30: {  	s3 =	sld [smem:$0x3FA7]  }
0x31: {  	[smem:$0x3FB0] =	sst s10  }
0x32: {  	s10 =	sld [smem:$0x3FAE];
	_ =	sdelay $0x3  }
0x33: {  	p0 =	seq.s32 s10, $0x1;
	s10 =	sld [smem:$0x3FB0];
	_ =	sdelay $0x3  }
0x34: {  	[smem:$0x3FB0] =	sst s10  }
0x35: {  	s10 =	sld [smem:$0x3FAF];
	_ =	sdelay $0x3  }
0x36: {  	p1 =	seq.s32 s10, $0x1;
	s10 =	sld [smem:$0x3FB0];
	_ =	sdelay $0x3  }
0x37: {  	[smem:$0x3FB0] =	sst s10  }
0x38: {  	s10 =	sld [smem:$0x3FB1]  }
0x39: {  	_ = 	snop;
	(pc) =	sbr.ind lr, $3  }
0x3a: {  	_ = 	snop  }
0x3b: {  	_ = 	snop  }
0x3c: {  	p2 =	seq.s32 s10, $0x1;
	s10 =	sld [smem:$0x3FB0]  }
0x3d: {  	_ =	shalt  }
0x3e: {  	_ =	shalt  }
0x3f: {  	_ =	shalt  }
0x40: {  	_ =	shalt  }
0x41: {  	_ =	shalt  }
0x42: {  	_ =	shalt  }
0x43: {  	_ =	shalt  }
0x44: {  	_ =	shalt  }
0x45: {  	_ =	shalt  }
0x46: {  	_ =	shalt  }
0x47: {  	_ =	shalt  }
0x48: {  	_ =	shalt  }
0x49: {  	_ =	shalt  }
0x4a: {  	_ =	shalt  }
0x4b: {  	_ =	shalt  }
0x4c: {  	_ =	shalt  }
0x4d: {  	_ =	shalt  }
0x4e: {  	_ =	shalt  }
0x4f: {  	_ =	shalt  }
0x50: {  	_ =	shalt  }
0x51: {  	_ =	shalt  }
0x52: {  	_ =	shalt  }
0x53: {  	_ =	shalt  }
0x54: {  	_ =	shalt  }
0x55: {  	_ =	shalt  }
0x56: {  	_ =	shalt  }
0x57: {  	_ =	shalt  }
0x58: {  	_ =	shalt  }
0x59: {  	_ =	shalt  }
0x5a: {  	_ =	shalt  }
0x5b: {  	_ =	shalt  }
0x5c: {  	_ =	shalt  }
0x5d: {  	_ =	shalt  }
0x5e: {  	_ =	shalt  }
0x5f: {  	_ =	shalt  }
0x60: {  	_ =	shalt  }
0x61: {  	_ =	shalt  }
0x62: {  	_ =	shalt  }
0x63: {  	_ =	shalt  }
0x64: {  	_ =	shalt  }
0x65: {  	_ =	shalt  }
0x66: {  	_ =	shalt  }
0x67: {  	_ =	shalt  }
0x68: {  	_ =	shalt  }
0x69: {  	_ =	shalt  }
0x6a: {  	_ =	shalt  }
0x6b: {  	_ =	shalt  }
0x6c: {  	_ =	shalt  }
0x6d: {  	_ =	shalt  }
0x6e: {  	_ =	shalt  }
0x6f: {  	_ =	shalt  }
0x70: {  	_ =	shalt  }
0x71: {  	_ =	shalt  }
0x72: {  	_ =	shalt  }
0x73: {  	_ =	shalt  }
0x74: {  	_ =	shalt  }
0x75: {  	_ =	shalt  }
0x76: {  	_ =	shalt  }
0x77: {  	_ =	shalt  }
0x78: {  	_ =	shalt  }
0x79: {  	_ =	shalt  }
0x7a: {  	_ =	shalt  }
0x7b: {  	_ =	shalt  }
0x7c: {  	_ =	shalt  }
0x7d: {  	_ =	shalt  }
0x7e: {  	_ =	shalt  }
0x7f: {  	_ =	shalt  }
0x80: {  	_ =	shalt  }
0x81: {  	_ =	shalt  }
0x82: {  	_ =	shalt  }
0x83: {  	_ =	shalt  }
0x84: {  	_ =	shalt  }
0x85: {  	_ =	shalt  }
0x86: {  	_ =	shalt  }
0x87: {  	_ =	shalt  }
.Lfunc_end0:
.L_simem_size_0:
called_computation.3_lowered:
.L_overlay_start_0:
0x88: {  	s2 =	sld [smem:$0x3FD9]  }
0x89: {  	s3 =	sld [smem:$0x3FFE];
	_ =	sdelay $0x1  }
0x8a: {  	s1 =	srdreg.scid  }
0x8b: {  	s0 =	sand.u32 $0x1, s1  }
0x8c: {  	s16 =	sshll.u32 s0, $0xA;
	s2 =	sadd.s32 s3, s2  }
0x8d: {  	s2 =	sadd.s32 s2, s16  }
0x8e: {  	[smem:$0x3FBC] =	sst s2  }
0x8f: {  	_ = 	snop  }
0x90: {  	(tm) =	ssettm $0x1  }
0x91: {  	s17 =	sld [smem:$0x3FFB];
	_ =	sdelay $0x3  }
0x92: {  	_ =	strace s17  }
0x93: {  	s2 =	sld [smem:$0x3FFC];
	_ =	sdelay $0x3  }
0x94: {  	_ =	strace s2  }
0x95: {  	s2 =	sld [smem:$0x3FFD];
	_ =	sdelay $0x3  }
0x96: {  	_ =	strace s2  }
0x97: {  	_ =	strace $0x8FFFFFFF  }
0x98: {  	s18 =	sld [smem:$0x3FDB];
	_ =	sdelay $0x1  }
0x99: {  	s19 =	simm.s32 $_scs_section_size  }
0x9a: {  	s4 =	simm.s32 $_size__tile_overlayer_lowered;
	s5 =	simm.s32 $_tile_overlayer_lowered  }
0x9b: {  	s22 =	simm.s32 $0x1BFF;
	s21 =	sshll.u32 s5, $0x1;
	s2 =	sadd.s32 s19, s18  }
0x9c: {  	s6 =	simm.s32 $0x0;
	s20 =	sshll.u32 s4, $0x1;
	s4 =	sadd.s32 s21, s2  }
0x9d: {  	[timem:s6], [sflag:s22] =	dma.local [hbm:s4], s20  }
0x9e: {  	_ =	swait.ge [sflag:s22], s20  }
0x9f: {  	s3 =	ssub.s32 $0x0, s20;
	[sflag:s22] =	ssyncset.done $0x0  }
0xa0: {  	[sflag:s22] =	ssyncadd.s32 s3;
	_ =	sdelay $0x1  }
0xa1: {  	s23 =	simm.s32 $0x1B8B  }
0xa2: {  	_ =	swait.ge [sflag:s23], $0x1  }
0xa3: {  	[sflag:s23] =	ssyncset.done $0x0  }
0xa4: {  	s25 =	simm.s32 $0x1B8E;
	s24 =	sld [smem:$0x3FFE];
	[sflag:s23] =	ssyncadd.s32 $0xFFFFFFFF  }
0xa5: {  	s26 =	simm.s32 $execute0_lowered;
	[smem:$0x3FD2] =	sst s25  }
0xa6: {  	s4 =	sshll.u32 s26, $0x1;
	_ =	strace $0x8000004F;
	[dreg:$0x1] =	wrdreg $0xFFFFFFFF  }
0xa7: {  	s28 =	simm.s32 $_size_execute0_lowered;
	s2 =	sadd.s32 s2, s4;
	[dreg:$0x0] =	wrdreg $0x0  }
0xa8: {  	s4 =	sshll.u32 s28, $0x1;
	[dreg:$0x2] =	wrdreg s2  }
0xa9: {  	[dreg:$0x3] =	wrdreg s4  }
0xaa: {  	[dreg:$0x4] =	wrdreg $0xC0  }
0xab: {  	_ =	task [dreg:s6], $0x5FFFF  }
0xac: {  	[dreg:$0x1] =	wrdreg $0xFFFFFFFF  }
0xad: {  	[dreg:$0x0] =	wrdreg $0x60  }
0xae: {  	[dreg:$0x2] =	wrdreg s24  }
0xaf: {  	[dreg:$0x3] =	wrdreg $0x0  }
0xb0: {  	[dreg:$0x4] =	wrdreg $0x9  }
0xb1: {  	_ =	task.clear_ibuf [dreg:s6], $0x5FFFF;
	_ =	strace $0x9000004F  }
0xb2: {  	s29 =	simm.s32 $0x9;
	_ =	strace $0x80000051  }
0xb3: {  	_ =	swait.ge [sflag:s29], $0x1  }
0xb4: {  	[sflag:s29] =	ssyncadd.s32 $0xFFFFFFFF  }
0xb5: {  	_ =	strace $0x90000051  }
0xb6: {  	_ =	sfence  }
0xb7: {  	s30 =	sld [smem:$0x0];
	_ =	sdelay $0x2  }
0xb8: {  	s31 =	sshll.u32 s1, $0xD;
	s1 =	sshrl.u32 s1, $0x2  }
0xb9: {  	s3 =	sand.u32 $0x4000, s31;
	s1 =	sadd.s32 s1, s30  }
0xba: {  	s0 =	sor.u32 s3, s0;
	s1 =	sshll.u32 s1, $0x11  }
0xbb: {  	s0 =	sor.u32 s1, s0  }
0xbc: {  	s0 =	sadd.s32 $0x8F2B, s0  }
0xbd: {  	[sflag:s0] =	ssyncadd.remote.s32 $0x1  }
0xbe: {  	_ =	sfence.sel $0xFFFF  }
0xbf: {  	[dreg:$0x0] =	wrdreg $0xFFFFFFFF;
	(pc) =	sbr.abs _section_cstart, $3  }
0xc0: {  	[dreg:$0x1] =	wrdreg $0xFFFFFFFF  }
0xc1: {  	_ =	task.clear_ibuf [dreg:s6], $0x2FFFF;
	_ =	strace $0x9FFFFFFF  }
0xc2: {  	(tm) =	ssettm $0x7FFFFFFF  }
0xc3: {  	_ =	shalt  }
tec
execute0_lowered:
.L_overlay_start_1:
0x0: {  	(tag) =	ssettag $0x1  }
0x1: {  	s0 =	rddreg [dreg:$0x0]  }
0x2: {  	s1 =	rddreg [dreg:$0x1]  }
0x3: {  	s2 =	simm.s32 $0x0;
	s4 =	srdreg.scid;
	s15 =	stileid.u32  }
0x4: {  	s28 =	simm.s32 $0x16080;
	s30 =	simm.s32 $0x4;
	s31 =	simm.s32 $0x1A080  }
0x5: {  	s29 =	simm.s32 $0x6;
	[smem:$0x7FF] =	sst s2;
	s3 =	sadd.s32 $0x3E000, s0  }
0x6: {  	s4 =	sand.u32 $0x1, s4;
	s5 =	sadd.s32 $0x3200, s0;
	s8 =	smul.u32 $0x4E000, s15  }
0x7: {  	s7 =	sadd.s32 $0xD000, s0;
	s12 =	sadd.s32 $0x16E00, s0;
	s11 =	smul.u32 $0x2700, s15  }
0x8: {  	s0 =	sadd.s32 $0x65200, s0;
	p2 =	seq.s32 s15, $0x0;
	p0 =	sne.s32 s15, $0x0  }
0x9: {  	_ =	strace $0x80000050;
	s6 =	sshll.u32 s4, $0x4;
	s14 =	smul.u32 $0x138800, s4  }
0xa: {  	s9 =	ssub.s32 $0x2, s4;
	[dreg:$0x3] =	wrdreg s12;
	s19 =	smul.u32 $0x27100, s4  }
0xb: {  	p1 =	sne.s32 s4, $0x0;
	s4 =	simm.s32 $0x1E180;
	s6 =	sor.u32 s15, s6  }
0xc: {  	s10 =	sshrl.u32 s9, $0x1;
	s8 =	sshrl.u32 s8, $0x2;
	s13 =	sadd.s32 s12, s11  }
0xd: {  	s11 =	sadd.s32 s3, s11;
	s6 =	smul.u32 $0x2710, s6;
	[dreg:$0x5] =	wrdreg s13  }
0xe: {  	s10 =	ssub.s32 s9, s10;
	s8 =	sadd.s32 s8, s1;
	[dreg:$0x6] =	wrdreg s11  }
0xf: {  	s13 =	smul.u32 $0x13800, s15;
	s12 =	sshrl.u32 s14, $0x3;
	[dreg:$0x4] =	wrdreg s8  }
0x10: {  	s8 =	sadd.s32 $0x138000, s1;
	s21 =	smax.u32 s10, $0x1;
	s6 =	sshrl.u32 s6, $0x3  }
0x11: {  	s10 =	simm.s32 $0x5;
	s18 =	sadd.s32 s13, s14;
	s9 =	sadd.s32 s5, s6  }
0x12: {  	[dreg:$0xc] =	wrdreg s21;
	s6 =	sadd.s32 $0x4E0, s6;
	s16 =	sadd.s32 $0x10, s9  }
0x13: {  	s14 =	smul.u32 $0x2710, s15;
	s17 =	sadd.s32 s5, s6;
	[dreg:$0x7] =	wrdreg s16  }
0x14: {  	s11 =	sshrl.u32 s18, $0x3;
	s6 =	sadd.s32 s7, s6;
	[dreg:$0x8] =	wrdreg s17  }
0x15: {  	s20 =	sadd.s32 s0, s11;
	s0 =	sadd.s32 s0, s12;
	[dreg:$0x9] =	wrdreg s6  }
0x16: {  	s22 =	sadd.s32 s14, s19;
	s23 =	sadd.s32 $0x20, s9;
	[dreg:$0xa] =	wrdreg s20  }
0x17: {  	s24 =	sadd.s32 $0x30, s9;
	s11 =	simm.s32 $0x1E280;
	[dreg:$0xd] =	wrdreg s23  }
0x18: {  	s12 =	simm.s32 $0x0;
	s0 =	sadd.s32 $0x27000, s0;
	[dreg:$0xe] =	wrdreg s24  }
0x19: {  	s25 =	sadd.s32 $0x280, s22;
	s26 =	sshrl.u32 s22, $0x3;
	s23 =	simm.s32 $0x1  }
0x1a: {  	s24 =	simm.s32 $0x1E080;
	[dreg:$0xb] =	wrdreg s0;
	s6 =	sshrl.u32 s25, $0x3  }
0x1b: {  	s0 =	sadd.s32 $0x200, s22;
	s19 =	sadd.s32 s26, s7;
	s22 =	simm.s32 $0x3  }
0x1c: {  	s25 =	simm.s32 $0x1E100;
	s26 =	simm.s32 $0x80;
	s7 =	simm.s32 $0x7  }
0x1d: {  	s20 =	sadd.s32 s6, s5;
	s0 =	sshrl.u32 s0, $0x3;
	s6 =	simm.s32 $0x10  }
0x1e: {  	s21 =	sadd.s32 s0, s5;
	s0 =	simm.s32 $0x2;
	s5 =	simm.s32 $0x1E200  }
.LBB2_1:
.Ltmp0:
0x1f: {  	(pc) =	sbr.rel @p1 .LBB2_3-.Ltmp0, $4  }
0x20: {  	_ = 	snop  }
0x21: {  	s13 =	stileid.u32  }
0x22: {  	s14 =	rddreg [dreg:$0x4];
	s13 =	sshll.u32 s13, $0x6  }
0x23: {  	s14 =	sshrl.u32 s14, $0x3;
	s15 =	sor.u32 $0x1C01, s13  }
.Ltmp1:
0x24: {  	(pc) =	sbr.rel @!p2 .LBB2_5-.Ltmp1, $4  }
.Ltmp2:
0x25: {  	(pc) =	sbr.rel @p2 .LBB2_4-.Ltmp2, $4  }
0x26: {  	s15 =	sor.u32 $0x1C01, s13;
	s16 =	rddreg [dreg:$0x6]  }
0x27: {  	[spmem:s14], [sflag:s15] =	dma.local [hbm:s16], $0x2700  }
0x28: {  	s16 =	smov.u32 s3  }
0x29: {  	_ = 	snop  }
.LBB2_3:
.Ltmp3:
0x2a: {  	(pc) =	sbr.rel @p0 .LBB2_5-.Ltmp3, $4  }
0x2b: {  	_ = 	snop  }
0x2c: {  	s16 =	rddreg [dreg:$0x5]  }
0x2d: {  	[spmem:s14], [sflag:s15] =	dma.local [hbm:s16], $0x2700  }
0x2e: {  	s16 =	rddreg [dreg:$0x3]  }
.LBB2_4:
0x2f: {  	s16 =	sadd.s32 $0x27000, s16;
	s17 =	sshrl.u32 s8, $0x3  }
0x30: {  	[spmem:s17], [sflag:s15] =	dma.local [hbm:s16], $0x100  }
.LBB2_5:
0x31: {  	s15 =	simm.s32 $0x0;
	s16 =	simm.s32 $0x13880  }
.LBB2_6:
0x32: {  	p3 =	sne.s32 s15, $0x4D0  }
.Ltmp4:
0x33: {  	_ = 	snop;
	(pc) =	sbr.rel @p3 .LBB2_6-.Ltmp4, $4  }
0x34: {  	_ = 	snop  }
0x35: {  	s17 =	sadd.s32 s15, s19  }
0x36: {  	[tilespmem:s16], [sflag:$0x3] =	stream.linear.gather [hbm4b:s17+s2], $0x80, $0x38;
	[tilespmem:$0x1EA80] =	vst v63  }
0x37: {  	s15 =	sadd.s32 $0x10, s15;
	s16 =	sadd.s32 $0x80, s16  }
0x38: {  	_ =	swait.ge [sflag:s22], $0x80  }
0x39: {  	s15 =	simm.s32 $0x4D;
	[sflag:s22] =	ssyncset.done $0x0  }
.LBB2_8:
0x3a: {  	p3 =	sne.s32 s15, $0x1;
	s15 =	sadd.s32 $0xFFFFFFFF, s15;
	[sflag:s22] =	ssyncadd.s32 $0xFFFFFF80  }
.Ltmp5:
0x3b: {  	(pc) =	sbr.rel @p3 .LBB2_8-.Ltmp5, $3  }
0x3c: {  	_ =	sdelay $0x1  }
0x3d: {  	_ =	swait.ge [sflag:s22], $0x80  }
0x3e: {  	[sflag:s22] =	ssyncset.done $0x0  }
0x3f: {  	[sflag:s22] =	ssyncadd.s32 $0xFFFFFF80  }
0x40: {  	_ =	swait.ge [sflag:s23], $0x2700  }
0x41: {  	[sflag:s23] =	ssyncset.done $0x0  }
0x42: {  	s15 =	simm.s32 @!p0 $0x1;
	[sflag:s23] =	ssyncadd.s32 $0xFFFFD900  }
0x43: {  	_ =	swait.ge @!p0 [sflag:s15], $0x100  }
0x44: {  	[sflag:s15] =	ssyncset.done @!p0 $0x0  }
0x45: {  	[sflag:s15] =	ssyncadd.s32 @!p0 $0xFFFFFF00  }
0x46: {  	s15 =	simm.s32 $0x0;
	[bflag:$0x0] =	sbarrier.arrive $0xFFFF  }
0x47: {  	[tilespmem:s24], [sflag:$0x3] =	stream.linear.gather [hbm4b:s9+s15], $0x80, $0x38;
	[tilespmem:$0x1EA80] =	vst v63  }
0x48: {  	s16 =	rddreg [dreg:$0x7]  }
0x49: {  	[tilespmem:s25], [sflag:$0x4] =	stream.linear.gather [hbm4b:s16+s15], $0x80, $0x38;
	[tilespmem:$0x1EA80] =	vst v63  }
0x4a: {  	_ =	swait.ge [sflag:s22], $0x80  }
0x4b: {  	[sflag:s22] =	ssyncset.done $0x0  }
0x4c: {  	[sflag:s22] =	ssyncadd.s32 $0xFFFFFF80  }
0x4d: {  	[tilespmem:s28], [sflag:$0x1] =	stream.indirect.gather [hbm4b:s3+s26], $0x80, s24, s26, $0xb8;
	[tilespmem:$0x1EA80] =	vst v63  }
0x4e: {  	_ =	swait.ge [sflag:s23], $0x4000  }
0x4f: {  	[sflag:s23] =	ssyncset.done $0x0  }
0x50: {  	s17 =	simm.s32 $0x13880;
	[sflag:s23] =	ssyncadd.s32 $0xFFFFC000  }
0x51: {  	[spmem:s1] =	stream.indirect.scatter.add.f32 [tilespmem:s28], [sflag:$0x5], $0x80, s17, s26, $0xb8;
	[tilespmem:$0x1EA80] =	vst v63  }
0x52: {  	_ =	swait.ge [sflag:s30], $0x80  }
0x53: {  	[sflag:s30] =	ssyncset.done $0x0  }
0x54: {  	[sflag:s30] =	ssyncadd.s32 $0xFFFFFF80  }
0x55: {  	[tilespmem:s31], [sflag:$0x2] =	stream.indirect.gather [hbm4b:s3+s26], $0x80, s25, s26, $0xb8;
	[tilespmem:$0x1EA80] =	vst v63  }
0x56: {  	s18 =	rddreg [dreg:$0xd]  }
0x57: {  	[tilespmem:s24], [sflag:$0x3] =	stream.linear.gather [hbm4b:s18+s15], $0x80, $0x38;
	[tilespmem:$0x1EA80] =	vst v63  }
0x58: {  	_ =	swait.ge [sflag:s0], $0x4000  }
0x59: {  	[sflag:s0] =	ssyncset.done $0x0  }
0x5a: {  	s17 =	simm.s32 $0x13900;
	[sflag:s0] =	ssyncadd.s32 $0xFFFFC000  }
0x5b: {  	[spmem:s1] =	stream.indirect.scatter.add.f32 [tilespmem:s31], [sflag:$0x6], $0x80, s17, s26, $0xb8;
	[tilespmem:$0x1EA80] =	vst v63  }
0x5c: {  	_ =	swait.ge [sflag:s10], $0x4000  }
0x5d: {  	[sflag:s10] =	ssyncset.done $0x0  }
0x5e: {  	[sflag:s10] =	ssyncadd.s32 $0xFFFFC000  }
0x5f: {  	_ =	swait.ge [sflag:s22], $0x80  }
0x60: {  	[sflag:s22] =	ssyncset.done $0x0  }
0x61: {  	[sflag:s22] =	ssyncadd.s32 $0xFFFFFF80  }
0x62: {  	[tilespmem:s28], [sflag:$0x1] =	stream.indirect.gather [hbm4b:s3+s26], $0x80, s24, s26, $0xb8;
	[tilespmem:$0x1EA80] =	vst v63  }
0x63: {  	s18 =	rddreg [dreg:$0xe]  }
0x64: {  	[tilespmem:s25], [sflag:$0x4] =	stream.linear.gather [hbm4b:s18+s15], $0x80, $0x38;
	[tilespmem:$0x1EA80] =	vst v63  }
0x65: {  	_ =	swait.ge [sflag:s23], $0x4000  }
0x66: {  	[sflag:s23] =	ssyncset.done $0x0  }
0x67: {  	s17 =	simm.s32 $0x13980;
	[sflag:s23] =	ssyncadd.s32 $0xFFFFC000  }
0x68: {  	[spmem:s1] =	stream.indirect.scatter.add.f32 [tilespmem:s28], [sflag:$0x5], $0x80, s17, s26, $0xb8;
	[tilespmem:$0x1EA80] =	vst v63  }
0x69: {  	_ =	swait.ge [sflag:s29], $0x4000  }
0x6a: {  	[sflag:s29] =	ssyncset.done $0x0  }
0x6b: {  	[sflag:s29] =	ssyncadd.s32 $0xFFFFC000  }
0x6c: {  	_ =	swait.ge [sflag:s30], $0x80  }
0x6d: {  	[sflag:s30] =	ssyncset.done $0x0  }
0x6e: {  	[sflag:s30] =	ssyncadd.s32 $0xFFFFFF80  }
0x6f: {  	[tilespmem:s31], [sflag:$0x2] =	stream.indirect.gather [hbm4b:s3+s26], $0x80, s25, s26, $0xb8;
	[tilespmem:$0x1EA80] =	vst v63  }
0x70: {  	s18 =	sadd.s32 $0x0, s21  }
0x71: {  	[tilespmem:s24], [sflag:$0x3] =	stream.linear.gather [hbm4b:s18+s2], $0x80, $0x38;
	[tilespmem:$0x1EA80] =	vst v63  }
0x72: {  	_ =	swait.ge [sflag:s0], $0x4000  }
0x73: {  	[sflag:s0] =	ssyncset.done $0x0  }
0x74: {  	s16 =	simm.s32 $0x13A00;
	[sflag:s0] =	ssyncadd.s32 $0xFFFFC000  }
0x75: {  	[spmem:s1] =	stream.indirect.scatter.add.f32 [tilespmem:s31], [sflag:$0x6], $0x80, s16, s26, $0xb8;
	[tilespmem:$0x1EA80] =	vst v63  }
0x76: {  	_ =	swait.ge [sflag:s10], $0x4000  }
0x77: {  	[sflag:s10] =	ssyncset.done $0x0  }
0x78: {  	[sflag:s10] =	ssyncadd.s32 $0xFFFFC000  }
0x79: {  	_ =	swait.ge [sflag:s22], $0x80  }
0x7a: {  	[sflag:s22] =	ssyncset.done $0x0  }
0x7b: {  	[sflag:s22] =	ssyncadd.s32 $0xFFFFFF80  }
0x7c: {  	[tilespmem:s28], [sflag:$0x1] =	stream.indirect.gather [hbm4b:s3+s26], $0x80, s24, s26, $0xb8;
	[tilespmem:$0x1EA80] =	vst v63  }
0x7d: {  	s17 =	sadd.s32 $0x0, s20  }
0x7e: {  	[tilespmem:s25], [sflag:$0x4] =	stream.linear.gather [hbm4b:s17+s2], $0x80, $0x38;
	[tilespmem:$0x1EA80] =	vst v63  }
0x7f: {  	_ =	swait.ge [sflag:s23], $0x4000  }
0x80: {  	[sflag:s23] =	ssyncset.done $0x0  }
0x81: {  	s18 =	simm.s32 $0x13A80;
	[sflag:s23] =	ssyncadd.s32 $0xFFFFC000  }
0x82: {  	[spmem:s1] =	stream.indirect.scatter.add.f32 [tilespmem:s28], [sflag:$0x5], $0x80, s18, s26, $0xb8;
	[tilespmem:$0x1EA80] =	vst v63  }
0x83: {  	_ =	swait.ge [sflag:s29], $0x4000  }
0x84: {  	[sflag:s29] =	ssyncset.done $0x0  }
0x85: {  	[sflag:s29] =	ssyncadd.s32 $0xFFFFC000  }
0x86: {  	_ =	swait.ge [sflag:s30], $0x80  }
0x87: {  	[sflag:s30] =	ssyncset.done $0x0  }
0x88: {  	s15 =	simm.s32 $0x13B00;
	s16 =	simm.s32 $0x20;
	[sflag:s30] =	ssyncadd.s32 $0xFFFFFF80  }
.LBB2_10:
0x89: {  	[tilespmem:s31], [sflag:$0x2] =	stream.indirect.gather [hbm4b:s3+s26], $0x80, s25, s26, $0xb8;
	[tilespmem:$0x1EA80] =	vst v63  }
0x8a: {  	s17 =	smov.u32 s16  }
0x8b: {  	p3 =	sne.s32 s16, $0x480;
	s16 =	sadd.s32 $0x20, s16;
	s18 =	sadd.s32 s17, s21  }
0x8c: {  	[tilespmem:s24], [sflag:$0x3] =	stream.linear.gather [hbm4b:s18+s2], $0x80, $0x38;
	[tilespmem:$0x1EA80] =	vst v63  }
0x8d: {  	_ =	swait.ge [sflag:s0], $0x4000  }
0x8e: {  	[sflag:s0] =	ssyncset.done $0x0  }
0x8f: {  	[sflag:s0] =	ssyncadd.s32 $0xFFFFC000  }
0x90: {  	[spmem:s1] =	stream.indirect.scatter.add.f32 [tilespmem:s31], [sflag:$0x6], $0x80, s15, s26, $0xb8;
	[tilespmem:$0x1EA80] =	vst v63  }
0x91: {  	_ =	swait.ge [sflag:s10], $0x4000  }
0x92: {  	[sflag:s10] =	ssyncset.done $0x0  }
0x93: {  	[sflag:s10] =	ssyncadd.s32 $0xFFFFC000  }
0x94: {  	_ =	swait.ge [sflag:s22], $0x80  }
0x95: {  	[sflag:s22] =	ssyncset.done $0x0  }
0x96: {  	[sflag:s22] =	ssyncadd.s32 $0xFFFFFF80  }
0x97: {  	[tilespmem:s28], [sflag:$0x1] =	stream.indirect.gather [hbm4b:s3+s26], $0x80, s24, s26, $0xb8;
	[tilespmem:$0x1EA80] =	vst v63  }
0x98: {  	s17 =	sadd.s32 s17, s20  }
0x99: {  	[tilespmem:s25], [sflag:$0x4] =	stream.linear.gather [hbm4b:s17+s2], $0x80, $0x38;
	[tilespmem:$0x1EA80] =	vst v63  }
0x9a: {  	_ =	swait.ge [sflag:s23], $0x4000  }
0x9b: {  	[sflag:s23] =	ssyncset.done $0x0  }
0x9c: {  	s17 =	sadd.s32 $0x80, s15;
	[sflag:s23] =	ssyncadd.s32 $0xFFFFC000  }
0x9d: {  	[spmem:s1] =	stream.indirect.scatter.add.f32 [tilespmem:s28], [sflag:$0x5], $0x80, s17, s26, $0xb8;
	[tilespmem:$0x1EA80] =	vst v63  }
0x9e: {  	_ =	swait.ge [sflag:s29], $0x4000  }
.Ltmp6:
0x9f: {  	[sflag:s29] =	ssyncset.done $0x0;
	(pc) =	sbr.rel @p3 .LBB2_10-.Ltmp6, $4  }
0xa0: {  	[sflag:s29] =	ssyncadd.s32 $0xFFFFC000  }
0xa1: {  	_ =	swait.ge [sflag:s30], $0x80  }
0xa2: {  	[sflag:s30] =	ssyncset.done $0x0  }
0xa3: {  	s15 =	sadd.s32 $0x100, s15;
	[sflag:s30] =	ssyncadd.s32 $0xFFFFFF80  }
0xa4: {  	[tilespmem:s31], [sflag:$0x2] =	stream.indirect.gather [hbm4b:s3+s26], $0x80, s25, s26, $0xb8;
	[tilespmem:$0x1EA80] =	vst v63  }
0xa5: {  	_ =	swait.ge [sflag:s0], $0x4000  }
0xa6: {  	[sflag:s0] =	ssyncset.done $0x0  }
0xa7: {  	[sflag:s0] =	ssyncadd.s32 $0xFFFFC000  }
0xa8: {  	[spmem:s1] =	stream.indirect.scatter.add.f32 [tilespmem:s31], [sflag:$0x6], $0x80, s15, s26, $0xb8;
	[tilespmem:$0x1EA80] =	vst v63  }
0xa9: {  	_ =	swait.ge [sflag:s10], $0x4000  }
0xaa: {  	[sflag:s10] =	ssyncset.done $0x0  }
0xab: {  	[sflag:s10] =	ssyncadd.s32 $0xFFFFC000  }
0xac: {  	_ =	swait.ge [sflag:s29], $0x4000  }
0xad: {  	[sflag:s29] =	ssyncset.done $0x0  }
0xae: {  	s18 =	rddreg [dreg:$0x8];
	[sflag:s29] =	ssyncadd.s32 $0xFFFFC000  }
0xaf: {  	[tilespmem:s4], [sflag:$0x7] =	stream.linear.gather [hbm4b:s18+s2], $0x10, $0x38;
	[tilespmem:$0x1EA80] =	vst v63  }
0xb0: {  	_ =	swait.ge [sflag:s7], $0x10  }
0xb1: {  	[sflag:s7] =	ssyncset.done $0x0  }
0xb2: {  	s16 =	rddreg [dreg:$0x9];
	[sflag:s7] =	ssyncadd.s32 $0xFFFFFFF0  }
0xb3: {  	[tilespmem:s5], [sflag:$0x7] =	stream.linear.gather [hbm4b:s16+s2], $0x10, $0x38;
	[tilespmem:$0x1EA80] =	vst v63  }
0xb4: {  	_ =	swait.ge [sflag:s7], $0x10  }
0xb5: {  	[sflag:s7] =	ssyncset.done $0x0  }
0xb6: {  	[sflag:s7] =	ssyncadd.s32 $0xFFFFFFF0  }
0xb7: {  	[tilespmem:s11], [sflag:$0x1] =	stream.indirect.gather [hbm4b:s3+s6], $0x80, s4, s6, $0xb8;
	[tilespmem:$0x1EA80] =	vst v63  }
0xb8: {  	_ =	swait.ge [sflag:s23], $0x800  }
0xb9: {  	[sflag:s23] =	ssyncset.done $0x0  }
0xba: {  	[sflag:s23] =	ssyncadd.s32 $0xFFFFF800  }
0xbb: {  	[spmem:s1] =	stream.indirect.scatter.add.f32 [tilespmem:s11], [sflag:$0x7], $0x80, s5, s6, $0xb8;
	[tilespmem:$0x1EA80] =	vst v63  }
0xbc: {  	_ =	swait.ge [sflag:s7], $0x800  }
0xbd: {  	[sflag:s7] =	ssyncset.done $0x0  }
0xbe: {  	[sflag:s7] =	ssyncadd.s32 $0xFFFFF800  }
0xbf: {  	[bflag:$0x0] =	sbarrier.arrive $0xFFFF  }
0xc0: {  	s13 =	sor.u32 $0x1C07, s13;
	s17 =	rddreg [dreg:$0xa]  }
0xc1: {  	[hbm:s17], [sflag:s13] =	dma.local [spmem:s14], $0x2700  }
0xc2: {  	_ =	swait.ge [sflag:s7], $0x2700  }
0xc3: {  	[sflag:s7] =	ssyncset.done $0x0  }
0xc4: {  	s14 =	sshrl.u32 @!p0 s8, $0x3;
	s15 =	rddreg [dreg:$0xb];
	[sflag:s7] =	ssyncadd.s32 $0xFFFFD900  }
0xc5: {  	[hbm:s15], [sflag:s13] =	dma.local @!p0 [spmem:s14], $0x100  }
0xc6: {  	s13 =	simm.s32 @!p0 $0x7  }
0xc7: {  	_ =	swait.ge @!p0 [sflag:s13], $0x100  }
0xc8: {  	s12 =	sadd.s32 $0x1, s12;
	s18 =	rddreg [dreg:$0xc]  }
0xc9: {  	p3 =	sne.s32 s12, s18  }
.Ltmp7:
0xca: {  	_ = 	snop;
	(pc) =	sbr.rel @p3 .LBB2_1-.Ltmp7, $3  }
0xcb: {  	_ =	sdelay $0x1  }
0xcc: {  	[sflag:s13] =	ssyncset.done @!p0 $0x0  }
0xcd: {  	[sflag:s13] =	ssyncadd.s32 @!p0 $0xFFFFFF00  }
0xce: {  	_ =	sfence.sel $0x180000  }
0xcf: {  	[bflag:$0x0] =	sbarrier.arrive $0xFFFF  }
0xd0: {  	_ =	strace $0x90000050  }
0xd1: {  	[bflag:$0x2] =	sbarrier.arrive $0xFFFF  }
0xd2: {  	s0 =	rddreg [dreg:$0x2]  }
0xd3: {  	s0 =	sadd.s32 @!p0 $0x100000, s0  }
0xd4: {  	[sflag:s0] =	ssyncadd.tile.s32 @!p0 $0x1;
	_ =	shalt  }
.Lfunc_end2:
_tile_overlayer_lowered:
.L_overlay_start_2:
0xd5: {  	(tag) =	ssettag $0x2  }
0xd6: {  	s0 =	rddreg [dreg:$0x0];
	s2 =	stileid.u32  }
0xd7: {  	s1 =	rddreg [dreg:$0x1];
	p0 =	sne.s32 s2, $0x0  }
0xd8: {  	s3 =	rddreg [dreg:$0x2];
	[bflag:$0x3] =	sbarrier.arrive $0xFFFF;
	s2 =	simm.s32 @!p0 $0x1C07  }
0xd9: {  	[timem:s3], [sflag:s2] =	dma.local @!p0 [hbm:s0], s1  }
0xda: {  	s0 =	simm.s32 @!p0 $0x7  }
0xdb: {  	_ =	swait.ge @!p0 [sflag:s0], s1  }
0xdc: {  	s1 =	ssub.s32 @!p0 $0x0, s1;
	[sflag:s0] =	ssyncset.done @!p0 $0x0  }
0xdd: {  	[sflag:s0] =	ssyncadd.s32 @!p0 s1  }
0xde: {  	[bflag:$0x3] =	sbarrier.arrive $0xFFFF  }
0xdf: {  	_ =	shalt  }

</sc_bundles>
